<compile_context>
chip_gen: v7x
topology: tpu7x:2x2x1
jax: 0.10.2.dev20260603
libtpu: 0.0.44.dev20260713+nightly
codegen_flags: <defaults>
</compile_context>

<pallas_src>
import functools

import jax
import jax.numpy as jnp
from jax import lax
from jax.experimental import pallas as pl
from jax.experimental.pallas import tpu as pltpu
from jax.experimental.pallas import tpu_sc as plsc

_NC = 2
_NS = 16
_NW = _NC * _NS
_L = 16


def _softmax_body(z_ref, p_ref):
    z = z_ref[...]
    m = jnp.max(z)
    e = jnp.exp(z - m)
    p_ref[...] = e / jnp.sum(e)


@functools.lru_cache(maxsize=None)
def _make_gather(n_table: int, rows: int, cols: int):
    assert rows % _NW == 0
    rows_w = rows // _NW
    ch = rows_w
    n_ch = 1
    budget = (524284 - 4 * n_table - 32768) // (16 * cols)
    while ch > budget:
        n_ch *= 2
        assert rows_w % n_ch == 0
        ch = rows_w // n_ch
    n_ch = max(n_ch, 2)
    ch = rows_w // n_ch
    offs = list(range(0, cols - _L + 1, _L))
    if cols % _L:
        offs.append(cols - _L)
    assert n_ch >= 4 and n_ch % 2 == 0

    mesh = plsc.VectorSubcoreMesh(core_axis_name="c", subcore_axis_name="s")

    @functools.partial(
        pl.kernel,
        out_type=jax.ShapeDtypeStruct((rows, cols), jnp.float32),
        mesh=mesh,
        scratch_types=[
            pltpu.VMEM((n_table,), jnp.float32),
            pltpu.VMEM_SHARED((n_table,), jnp.float32),
            pltpu.VMEM((2, ch, cols), jnp.int32),
            pltpu.VMEM((2, ch, cols), jnp.float32),
            pltpu.SemaphoreType.DMA,
            pltpu.SemaphoreType.DMA((2,)),
            pltpu.SemaphoreType.DMA((2,)),
        ],
        compiler_params=pltpu.CompilerParams(needs_layout_passes=False),
    )
    def gather_k(table_hbm, x_hbm, out_hbm, table_v, table_sh, idx_v,
                 out_v, sem_tab, sem_in, sem_out):
        wid = lax.axis_index("s") * _NC + lax.axis_index("c")
        base = wid * rows_w

        def in_cp(c, b):
            return pltpu.make_async_copy(
                x_hbm.at[pl.ds(base + c * ch, ch), :], idx_v.at[b],
                sem_in.at[b])

        def out_cp(c, b):
            return pltpu.make_async_copy(
                out_v.at[b], out_hbm.at[pl.ds(base + c * ch, ch), :],
                sem_out.at[b])

        def do_chunk(c, b, first):
            in_cp(c, b).wait()
            if not first:
                out_cp(c - 2, b).wait()

            @plsc.parallel_loop(0, ch, 1, unroll=2)
            def _(r):
                for off in offs:
                    idx = idx_v[b, r, pl.ds(off, _L)]
                    out_v[b, r, pl.ds(off, _L)] = plsc.load_gather(
                        table_v, [idx])

            out_cp(c, b).start()

            @pl.when(c + 2 < n_ch)
            def _():
                in_cp(c + 2, b).start()

        in_cp(0, 0).start()
        in_cp(1, 1).start()

        @pl.when(lax.axis_index("s") == 0)
        def _():
            pltpu.sync_copy(table_hbm, table_sh)

        plsc.subcore_barrier()
        tab = pltpu.async_copy(table_sh, table_v, sem_tab)
        tab.wait()
        do_chunk(0, 0, True)
        do_chunk(1, 1, True)

        def pair_body(p, carry):
            do_chunk(2 * p, 0, False)
            do_chunk(2 * p + 1, 1, False)
            return carry

        lax.fori_loop(1, n_ch // 2, pair_body, 0)
        out_cp(n_ch - 2, 0).wait()
        out_cp(n_ch - 1, 1).wait()

    return gather_k


def kernel(x, zeros):
    n = zeros.shape[0]
    probs = pl.pallas_call(
        _softmax_body,
        out_shape=jax.ShapeDtypeStruct((n,), jnp.float32),
    )(zeros)
    return _make_gather(n, x.shape[0], x.shape[1])(probs, x)

# --- scband reference (transcript-rebuilt; emitter-appended) ---
"""Pipeline reference for scband-smooth-histogram-40252433498255 (READ-ONLY COPY).

The authoritative reference and input builder live on the scoring server;
editing this copy changes nothing except your own understanding.
"""

import jax, jax.numpy as jnp
import numpy as np

N_VALUES = 100000
BATCH = 16384
HIST_LEN = 200


def setup_inputs(seed: int = 0) -> dict:
    key = jax.random.key(seed)
    k_x, = jax.random.split(key, 1)
    x = jax.random.randint(k_x, (BATCH, HIST_LEN), 0, N_VALUES, dtype=jnp.int64 if jax.config.jax_enable_x64 else jnp.int32)
    # learned parameter: initialized to zeros per the torch module
    zeros = jnp.zeros((N_VALUES,), dtype=jnp.float32)
    return {"x": x, "zeros": zeros}


def reference(x, zeros):
    # forward: F.softmax(self.zeros)[x]  -> softmax over the parameter vector, then gather
    probs = jax.nn.softmax(zeros, axis=-1)
    return jnp.take(probs, x, axis=0)

if __name__ == "__main__":
    import jax
    _d = setup_inputs()
    print(jax.jit(kernel)(*tuple(_d.values())))

</pallas_src>

<mosaic_0001>
#map = affine_map<(d0, d1) -> (0)>
#map1 = affine_map<(d0, d1) -> (0, 0)>
module attributes {stable_mosaic.version = 14 : i64} {
  func.func @gather_k(%arg0: i32, %arg1: i32, %arg2: memref<100000xf32, #tpu.memory_space<hbm>>, %arg3: memref<16384x200xi32, #tpu.memory_space<hbm>>, %arg4: memref<16384x200xf32, #tpu.memory_space<hbm>>, %arg5: memref<100000xf32, #tpu.memory_space<vmem>>, %arg6: memref<100000xf32, #tpu.memory_space<vmem_shared>>, %arg7: memref<2x16x200xi32, #tpu.memory_space<vmem>>, %arg8: memref<2x16x200xf32, #tpu.memory_space<vmem>>, %arg9: memref<!tpu.dma_semaphore, #tpu.memory_space<semaphore_mem>>, %arg10: memref<2x!tpu.dma_semaphore, #tpu.memory_space<semaphore_mem>>, %arg11: memref<2x!tpu.dma_semaphore, #tpu.memory_space<semaphore_mem>>) attributes {dimension_semantics = [#tpu.dimension_semantics<core_parallel>, #tpu.dimension_semantics<subcore_parallel>], iteration_bounds = array<i64: 2, 16>, scalar_prefetch = 0 : i64, scratch_operands = 7 : i64, tpu.core_type = #tpu.core_type<sc_vector_subcore>, window_params = [{transform_indices = #map}, {transform_indices = #map1}, {transform_indices = #map1}]} {
    %mul3A = arith.constant 2 : i32
    %mul3A_0 = arith.muli %arg1, %mul3A : i32
    %add3A = arith.addi %mul3A_0, %arg0 : i32
    %mul3A_1 = arith.constant 512 : i32
    %mul3A_2 = arith.muli %add3A, %mul3A_1 : i32
    %add3A_3 = arith.constant 0 : i32
    %add3A_4 = arith.addi %mul3A_2, %add3A_3 : i32
    %dma_start3A = arith.constant 0 : i32
    %dma_start3A_5 = arith.constant 0 : i32
    %dma_start3A_6 = arith.constant 0 : i32
    %dma_start3A_7 = arith.constant 0 : i32
    %dma_start3A_8 = tpu.memref_slice %arg7[%dma_start3A, %dma_start3A_6, %dma_start3A_7] : memref<2x16x200xi32, #tpu.memory_space<vmem>> -> memref<1x16x200xi32, #tpu.memory_space<vmem>>
    %dma_start3A_9 = tpu.memref_squeeze %dma_start3A_8 : memref<1x16x200xi32, #tpu.memory_space<vmem>> -> memref<16x200xi32, #tpu.memory_space<vmem>>
    %dma_start3A_10 = arith.constant 0 : i32
    %dma_start3A_11 = tpu.memref_slice %arg3[%add3A_4, %dma_start3A_10] : memref<16384x200xi32, #tpu.memory_space<hbm>> -> memref<16x200xi32, #tpu.memory_space<hbm>>
    %dma_start3A_12 = tpu.memref_slice %arg10[%dma_start3A_5] : memref<2x!tpu.dma_semaphore, #tpu.memory_space<semaphore_mem>> -> memref<1x!tpu.dma_semaphore, #tpu.memory_space<semaphore_mem>>
    %dma_start3A_13 = tpu.memref_squeeze %dma_start3A_12 : memref<1x!tpu.dma_semaphore, #tpu.memory_space<semaphore_mem>> -> memref<!tpu.dma_semaphore, #tpu.memory_space<semaphore_mem>>
    %dma_start3A_14 = arith.constant 0 : i32
    %dma_start3A_15 = arith.constant 0 : i32
    %dma_start3A_16 = tpu.memref_slice %arg7[%dma_start3A, %dma_start3A_14, %dma_start3A_15] : memref<2x16x200xi32, #tpu.memory_space<vmem>> -> memref<1x16x200xi32, #tpu.memory_space<vmem>>
    %dma_start3A_17 = tpu.memref_squeeze %dma_start3A_16 : memref<1x16x200xi32, #tpu.memory_space<vmem>> -> memref<16x200xi32, #tpu.memory_space<vmem>>
    %dma_start3A_18 = arith.constant 0 : i32
    %dma_start3A_19 = tpu.memref_slice %arg3[%add3A_4, %dma_start3A_18] : memref<16384x200xi32, #tpu.memory_space<hbm>> -> memref<16x200xi32, #tpu.memory_space<hbm>>
    tpu.enqueue_dma source(%dma_start3A_19 : memref<16x200xi32, #tpu.memory_space<hbm>>) target(%dma_start3A_17 : memref<16x200xi32, #tpu.memory_space<vmem>>) target_semaphore(%dma_start3A_13 : memref<!tpu.dma_semaphore, #tpu.memory_space<semaphore_mem>>)
    %add3A_20 = arith.constant 16 : i32
    %add3A_21 = arith.addi %mul3A_2, %add3A_20 : i32
    %dma_start3A_22 = arith.constant 1 : i32
    %dma_start3A_23 = arith.constant 1 : i32
    %dma_start3A_24 = arith.constant 0 : i32
    %dma_start3A_25 = arith.constant 0 : i32
    %dma_start3A_26 = tpu.memref_slice %arg7[%dma_start3A_22, %dma_start3A_24, %dma_start3A_25] : memref<2x16x200xi32, #tpu.memory_space<vmem>> -> memref<1x16x200xi32, #tpu.memory_space<vmem>>
    %dma_start3A_27 = tpu.memref_squeeze %dma_start3A_26 : memref<1x16x200xi32, #tpu.memory_space<vmem>> -> memref<16x200xi32, #tpu.memory_space<vmem>>
    %dma_start3A_28 = arith.constant 0 : i32
    %dma_start3A_29 = tpu.memref_slice %arg3[%add3A_21, %dma_start3A_28] : memref<16384x200xi32, #tpu.memory_space<hbm>> -> memref<16x200xi32, #tpu.memory_space<hbm>>
    %dma_start3A_30 = tpu.memref_slice %arg10[%dma_start3A_23] : memref<2x!tpu.dma_semaphore, #tpu.memory_space<semaphore_mem>> -> memref<1x!tpu.dma_semaphore, #tpu.memory_space<semaphore_mem>>
    %dma_start3A_31 = tpu.memref_squeeze %dma_start3A_30 : memref<1x!tpu.dma_semaphore, #tpu.memory_space<semaphore_mem>> -> memref<!tpu.dma_semaphore, #tpu.memory_space<semaphore_mem>>
    %dma_start3A_32 = arith.constant 0 : i32
    %dma_start3A_33 = arith.constant 0 : i32
    %dma_start3A_34 = tpu.memref_slice %arg7[%dma_start3A_22, %dma_start3A_32, %dma_start3A_33] : memref<2x16x200xi32, #tpu.memory_space<vmem>> -> memref<1x16x200xi32, #tpu.memory_space<vmem>>
    %dma_start3A_35 = tpu.memref_squeeze %dma_start3A_34 : memref<1x16x200xi32, #tpu.memory_space<vmem>> -> memref<16x200xi32, #tpu.memory_space<vmem>>
    %dma_start3A_36 = arith.constant 0 : i32
    %dma_start3A_37 = tpu.memref_slice %arg3[%add3A_21, %dma_start3A_36] : memref<16384x200xi32, #tpu.memory_space<hbm>> -> memref<16x200xi32, #tpu.memory_space<hbm>>
    tpu.enqueue_dma source(%dma_start3A_37 : memref<16x200xi32, #tpu.memory_space<hbm>>) target(%dma_start3A_35 : memref<16x200xi32, #tpu.memory_space<vmem>>) target_semaphore(%dma_start3A_31 : memref<!tpu.dma_semaphore, #tpu.memory_space<semaphore_mem>>)
    %eq3A = arith.constant 0 : i32
    %eq3A_38 = arith.cmpi eq, %arg1, %eq3A : i32
    %convert_element_type3A = arith.extui %eq3A_38 : i1 to i32
    %cond3A = arith.constant 0 : i32
    %cond3A_39 = arith.cmpi ne, %convert_element_type3A, %cond3A : i32
    scf.if %cond3A_39 {
      "tpu.region"() ({
        %run_scoped3A = tpu.sem_alloc : memref<!tpu.dma_semaphore, #tpu.memory_space<semaphore_mem>>
        tpu.enqueue_dma source(%arg2 : memref<100000xf32, #tpu.memory_space<hbm>>) target(%arg6 : memref<100000xf32, #tpu.memory_space<vmem_shared>>) target_semaphore(%run_scoped3A : memref<!tpu.dma_semaphore, #tpu.memory_space<semaphore_mem>>)
        tpu.wait_dma2 semaphore(%run_scoped3A : memref<!tpu.dma_semaphore, #tpu.memory_space<semaphore_mem>>) src(%arg2 : memref<100000xf32, #tpu.memory_space<hbm>>) dst(%arg6 : memref<100000xf32, #tpu.memory_space<vmem_shared>>)
        tpu.yield
      }) : () -> ()
    } else {
    }
    %barrier3A = arith.constant 0 : index
    tpu.barrier barrier_id(%barrier3A)
    tpu.enqueue_dma source(%arg6 : memref<100000xf32, #tpu.memory_space<vmem_shared>>) target(%arg5 : memref<100000xf32, #tpu.memory_space<vmem>>) target_semaphore(%arg9 : memref<!tpu.dma_semaphore, #tpu.memory_space<semaphore_mem>>)
    tpu.wait_dma2 semaphore(%arg9 : memref<!tpu.dma_semaphore, #tpu.memory_space<semaphore_mem>>) src(%arg6 : memref<100000xf32, #tpu.memory_space<vmem_shared>>) dst(%arg5 : memref<100000xf32, #tpu.memory_space<vmem>>)
    %add3A_40 = arith.constant 0 : i32
    %add3A_41 = arith.addi %mul3A_2, %add3A_40 : i32
    %dma_wait3A = arith.constant 0 : i32
    %dma_wait3A_42 = arith.constant 0 : i32
    %dma_wait3A_43 = arith.constant 0 : i32
    %dma_wait3A_44 = arith.constant 0 : i32
    %dma_wait3A_45 = tpu.memref_slice %arg7[%dma_wait3A, %dma_wait3A_43, %dma_wait3A_44] : memref<2x16x200xi32, #tpu.memory_space<vmem>> -> memref<1x16x200xi32, #tpu.memory_space<vmem>>
    %dma_wait3A_46 = tpu.memref_squeeze %dma_wait3A_45 : memref<1x16x200xi32, #tpu.memory_space<vmem>> -> memref<16x200xi32, #tpu.memory_space<vmem>>
    %dma_wait3A_47 = arith.constant 0 : i32
    %dma_wait3A_48 = tpu.memref_slice %arg3[%add3A_41, %dma_wait3A_47] : memref<16384x200xi32, #tpu.memory_space<hbm>> -> memref<16x200xi32, #tpu.memory_space<hbm>>
    %dma_wait3A_49 = tpu.memref_slice %arg10[%dma_wait3A_42] : memref<2x!tpu.dma_semaphore, #tpu.memory_space<semaphore_mem>> -> memref<1x!tpu.dma_semaphore, #tpu.memory_space<semaphore_mem>>
    %dma_wait3A_50 = tpu.memref_squeeze %dma_wait3A_49 : memref<1x!tpu.dma_semaphore, #tpu.memory_space<semaphore_mem>> -> memref<!tpu.dma_semaphore, #tpu.memory_space<semaphore_mem>>
    %dma_wait3A_51 = arith.constant 0 : i32
    %dma_wait3A_52 = arith.constant 0 : i32
    %dma_wait3A_53 = tpu.memref_slice %arg7[%dma_wait3A, %dma_wait3A_51, %dma_wait3A_52] : memref<2x16x200xi32, #tpu.memory_space<vmem>> -> memref<1x16x200xi32, #tpu.memory_space<vmem>>
    %dma_wait3A_54 = tpu.memref_squeeze %dma_wait3A_53 : memref<1x16x200xi32, #tpu.memory_space<vmem>> -> memref<16x200xi32, #tpu.memory_space<vmem>>
    %dma_wait3A_55 = arith.constant 0 : i32
    %dma_wait3A_56 = tpu.memref_slice %arg3[%add3A_41, %dma_wait3A_55] : memref<16384x200xi32, #tpu.memory_space<hbm>> -> memref<16x200xi32, #tpu.memory_space<hbm>>
    tpu.wait_dma2 semaphore(%dma_wait3A_50 : memref<!tpu.dma_semaphore, #tpu.memory_space<semaphore_mem>>) src(%dma_wait3A_56 : memref<16x200xi32, #tpu.memory_space<hbm>>) dst(%dma_wait3A_54 : memref<16x200xi32, #tpu.memory_space<vmem>>)
    %parallel_loop3A = arith.constant 0 : i32
    %parallel_loop3A_57 = arith.constant 16 : i32
    %parallel_loop3A_58 = arith.constant 1 : i32
    scf.for %parallel_loop3A_193 = %parallel_loop3A to %parallel_loop3A_57 step %parallel_loop3A_58  : i32 {
      %parallel_loop3A_194 = arith.constant 0 : i32
      %parallel_loop3A_195 = arith.index_cast %parallel_loop3A_194 : i32 to index
      %parallel_loop3A_196 = arith.index_cast %parallel_loop3A_193 : i32 to index
      %parallel_loop3A_197 = arith.constant 0 : index
      %parallel_loop3A_198 = tpu.vector_load %arg7[%parallel_loop3A_195, %parallel_loop3A_196, %parallel_loop3A_197] {strides = array<i32>} : memref<2x16x200xi32, #tpu.memory_space<vmem>>, vector<16xi32>,
      %parallel_loop3A_199 = tpu.vector_load_idx %arg5[%parallel_loop3A_198] : memref<100000xf32, #tpu.memory_space<vmem>>[vector<16xi32>], vector<16xf32>,
      %parallel_loop3A_200 = arith.constant 0 : i32
      %parallel_loop3A_201 = arith.index_cast %parallel_loop3A_200 : i32 to index
      %parallel_loop3A_202 = arith.index_cast %parallel_loop3A_193 : i32 to index
      %parallel_loop3A_203 = arith.constant 0 : index
      %parallel_loop3A_204 = tpu.vector_load %arg8[%parallel_loop3A_201, %parallel_loop3A_202, %parallel_loop3A_203] {strides = array<i32>} : memref<2x16x200xf32, #tpu.memory_space<vmem>>, vector<16xf32>,
      tpu.vector_store %arg8[%parallel_loop3A_201, %parallel_loop3A_202, %parallel_loop3A_203], %parallel_loop3A_199 {strides = array<i32>} : memref<2x16x200xf32, #tpu.memory_space<vmem>>, vector<16xf32>,
      %parallel_loop3A_205 = arith.constant 0 : i32
      %parallel_loop3A_206 = arith.index_cast %parallel_loop3A_205 : i32 to index
      %parallel_loop3A_207 = arith.index_cast %parallel_loop3A_193 : i32 to index
      %parallel_loop3A_208 = arith.constant 16 : index
      %parallel_loop3A_209 = tpu.vector_load %arg7[%parallel_loop3A_206, %parallel_loop3A_207, %parallel_loop3A_208] {strides = array<i32>} : memref<2x16x200xi32, #tpu.memory_space<vmem>>, vector<16xi32>,
      %parallel_loop3A_210 = tpu.vector_load_idx %arg5[%parallel_loop3A_209] : memref<100000xf32, #tpu.memory_space<vmem>>[vector<16xi32>], vector<16xf32>,
      %parallel_loop3A_211 = arith.constant 0 : i32
      %parallel_loop3A_212 = arith.index_cast %parallel_loop3A_211 : i32 to index
      %parallel_loop3A_213 = arith.index_cast %parallel_loop3A_193 : i32 to index
      %parallel_loop3A_214 = arith.constant 16 : index
      %parallel_loop3A_215 = tpu.vector_load %arg8[%parallel_loop3A_212, %parallel_loop3A_213, %parallel_loop3A_214] {strides = array<i32>} : memref<2x16x200xf32, #tpu.memory_space<vmem>>, vector<16xf32>,
      tpu.vector_store %arg8[%parallel_loop3A_212, %parallel_loop3A_213, %parallel_loop3A_214], %parallel_loop3A_210 {strides = array<i32>} : memref<2x16x200xf32, #tpu.memory_space<vmem>>, vector<16xf32>,
      %parallel_loop3A_216 = arith.constant 0 : i32
      %parallel_loop3A_217 = arith.index_cast %parallel_loop3A_216 : i32 to index
      %parallel_loop3A_218 = arith.index_cast %parallel_loop3A_193 : i32 to index
      %parallel_loop3A_219 = arith.constant 32 : index
      %parallel_loop3A_220 = tpu.vector_load %arg7[%parallel_loop3A_217, %parallel_loop3A_218, %parallel_loop3A_219] {strides = array<i32>} : memref<2x16x200xi32, #tpu.memory_space<vmem>>, vector<16xi32>,
      %parallel_loop3A_221 = tpu.vector_load_idx %arg5[%parallel_loop3A_220] : memref<100000xf32, #tpu.memory_space<vmem>>[vector<16xi32>], vector<16xf32>,
      %parallel_loop3A_222 = arith.constant 0 : i32
      %parallel_loop3A_223 = arith.index_cast %parallel_loop3A_222 : i32 to index
      %parallel_loop3A_224 = arith.index_cast %parallel_loop3A_193 : i32 to index
      %parallel_loop3A_225 = arith.constant 32 : index
      %parallel_loop3A_226 = tpu.vector_load %arg8[%parallel_loop3A_223, %parallel_loop3A_224, %parallel_loop3A_225] {strides = array<i32>} : memref<2x16x200xf32, #tpu.memory_space<vmem>>, vector<16xf32>,
      tpu.vector_store %arg8[%parallel_loop3A_223, %parallel_loop3A_224, %parallel_loop3A_225], %parallel_loop3A_221 {strides = array<i32>} : memref<2x16x200xf32, #tpu.memory_space<vmem>>, vector<16xf32>,
      %parallel_loop3A_227 = arith.constant 0 : i32
      %parallel_loop3A_228 = arith.index_cast %parallel_loop3A_227 : i32 to index
      %parallel_loop3A_229 = arith.index_cast %parallel_loop3A_193 : i32 to index
      %parallel_loop3A_230 = arith.constant 48 : index
      %parallel_loop3A_231 = tpu.vector_load %arg7[%parallel_loop3A_228, %parallel_loop3A_229, %parallel_loop3A_230] {strides = array<i32>} : memref<2x16x200xi32, #tpu.memory_space<vmem>>, vector<16xi32>,
      %parallel_loop3A_232 = tpu.vector_load_idx %arg5[%parallel_loop3A_231] : memref<100000xf32, #tpu.memory_space<vmem>>[vector<16xi32>], vector<16xf32>,
      %parallel_loop3A_233 = arith.constant 0 : i32
      %parallel_loop3A_234 = arith.index_cast %parallel_loop3A_233 : i32 to index
      %parallel_loop3A_235 = arith.index_cast %parallel_loop3A_193 : i32 to index
      %parallel_loop3A_236 = arith.constant 48 : index
      %parallel_loop3A_237 = tpu.vector_load %arg8[%parallel_loop3A_234, %parallel_loop3A_235, %parallel_loop3A_236] {strides = array<i32>} : memref<2x16x200xf32, #tpu.memory_space<vmem>>, vector<16xf32>,
      tpu.vector_store %arg8[%parallel_loop3A_234, %parallel_loop3A_235, %parallel_loop3A_236], %parallel_loop3A_232 {strides = array<i32>} : memref<2x16x200xf32, #tpu.memory_space<vmem>>, vector<16xf32>,
      %parallel_loop3A_238 = arith.constant 0 : i32
      %parallel_loop3A_239 = arith.index_cast %parallel_loop3A_238 : i32 to index
      %parallel_loop3A_240 = arith.index_cast %parallel_loop3A_193 : i32 to index
      %parallel_loop3A_241 = arith.constant 64 : index
      %parallel_loop3A_242 = tpu.vector_load %arg7[%parallel_loop3A_239, %parallel_loop3A_240, %parallel_loop3A_241] {strides = array<i32>} : memref<2x16x200xi32, #tpu.memory_space<vmem>>, vector<16xi32>,
      %parallel_loop3A_243 = tpu.vector_load_idx %arg5[%parallel_loop3A_242] : memref<100000xf32, #tpu.memory_space<vmem>>[vector<16xi32>], vector<16xf32>,
      %parallel_loop3A_244 = arith.constant 0 : i32
      %parallel_loop3A_245 = arith.index_cast %parallel_loop3A_244 : i32 to index
      %parallel_loop3A_246 = arith.index_cast %parallel_loop3A_193 : i32 to index
      %parallel_loop3A_247 = arith.constant 64 : index
      %parallel_loop3A_248 = tpu.vector_load %arg8[%parallel_loop3A_245, %parallel_loop3A_246, %parallel_loop3A_247] {strides = array<i32>} : memref<2x16x200xf32, #tpu.memory_space<vmem>>, vector<16xf32>,
      tpu.vector_store %arg8[%parallel_loop3A_245, %parallel_loop3A_246, %parallel_loop3A_247], %parallel_loop3A_243 {strides = array<i32>} : memref<2x16x200xf32, #tpu.memory_space<vmem>>, vector<16xf32>,
      %parallel_loop3A_249 = arith.constant 0 : i32
      %parallel_loop3A_250 = arith.index_cast %parallel_loop3A_249 : i32 to index
      %parallel_loop3A_251 = arith.index_cast %parallel_loop3A_193 : i32 to index
      %parallel_loop3A_252 = arith.constant 80 : index
      %parallel_loop3A_253 = tpu.vector_load %arg7[%parallel_loop3A_250, %parallel_loop3A_251, %parallel_loop3A_252] {strides = array<i32>} : memref<2x16x200xi32, #tpu.memory_space<vmem>>, vector<16xi32>,
      %parallel_loop3A_254 = tpu.vector_load_idx %arg5[%parallel_loop3A_253] : memref<100000xf32, #tpu.memory_space<vmem>>[vector<16xi32>], vector<16xf32>,
      %parallel_loop3A_255 = arith.constant 0 : i32
      %parallel_loop3A_256 = arith.index_cast %parallel_loop3A_255 : i32 to index
      %parallel_loop3A_257 = arith.index_cast %parallel_loop3A_193 : i32 to index
      %parallel_loop3A_258 = arith.constant 80 : index
      %parallel_loop3A_259 = tpu.vector_load %arg8[%parallel_loop3A_256, %parallel_loop3A_257, %parallel_loop3A_258] {strides = array<i32>} : memref<2x16x200xf32, #tpu.memory_space<vmem>>, vector<16xf32>,
      tpu.vector_store %arg8[%parallel_loop3A_256, %parallel_loop3A_257, %parallel_loop3A_258], %parallel_loop3A_254 {strides = array<i32>} : memref<2x16x200xf32, #tpu.memory_space<vmem>>, vector<16xf32>,
      %parallel_loop3A_260 = arith.constant 0 : i32
      %parallel_loop3A_261 = arith.index_cast %parallel_loop3A_260 : i32 to index
      %parallel_loop3A_262 = arith.index_cast %parallel_loop3A_193 : i32 to index
      %parallel_loop3A_263 = arith.constant 96 : index
      %parallel_loop3A_264 = tpu.vector_load %arg7[%parallel_loop3A_261, %parallel_loop3A_262, %parallel_loop3A_263] {strides = array<i32>} : memref<2x16x200xi32, #tpu.memory_space<vmem>>, vector<16xi32>,
      %parallel_loop3A_265 = tpu.vector_load_idx %arg5[%parallel_loop3A_264] : memref<100000xf32, #tpu.memory_space<vmem>>[vector<16xi32>], vector<16xf32>,
      %parallel_loop3A_266 = arith.constant 0 : i32
      %parallel_loop3A_267 = arith.index_cast %parallel_loop3A_266 : i32 to index
      %parallel_loop3A_268 = arith.index_cast %parallel_loop3A_193 : i32 to index
      %parallel_loop3A_269 = arith.constant 96 : index
      %parallel_loop3A_270 = tpu.vector_load %arg8[%parallel_loop3A_267, %parallel_loop3A_268, %parallel_loop3A_269] {strides = array<i32>} : memref<2x16x200xf32, #tpu.memory_space<vmem>>, vector<16xf32>,
      tpu.vector_store %arg8[%parallel_loop3A_267, %parallel_loop3A_268, %parallel_loop3A_269], %parallel_loop3A_265 {strides = array<i32>} : memref<2x16x200xf32, #tpu.memory_space<vmem>>, vector<16xf32>,
      %parallel_loop3A_271 = arith.constant 0 : i32
      %parallel_loop3A_272 = arith.index_cast %parallel_loop3A_271 : i32 to index
      %parallel_loop3A_273 = arith.index_cast %parallel_loop3A_193 : i32 to index
      %parallel_loop3A_274 = arith.constant 112 : index
      %parallel_loop3A_275 = tpu.vector_load %arg7[%parallel_loop3A_272, %parallel_loop3A_273, %parallel_loop3A_274] {strides = array<i32>} : memref<2x16x200xi32, #tpu.memory_space<vmem>>, vector<16xi32>,
      %parallel_loop3A_276 = tpu.vector_load_idx %arg5[%parallel_loop3A_275] : memref<100000xf32, #tpu.memory_space<vmem>>[vector<16xi32>], vector<16xf32>,
      %parallel_loop3A_277 = arith.constant 0 : i32
      %parallel_loop3A_278 = arith.index_cast %parallel_loop3A_277 : i32 to index
      %parallel_loop3A_279 = arith.index_cast %parallel_loop3A_193 : i32 to index
      %parallel_loop3A_280 = arith.constant 112 : index
      %parallel_loop3A_281 = tpu.vector_load %arg8[%parallel_loop3A_278, %parallel_loop3A_279, %parallel_loop3A_280] {strides = array<i32>} : memref<2x16x200xf32, #tpu.memory_space<vmem>>, vector<16xf32>,
      tpu.vector_store %arg8[%parallel_loop3A_278, %parallel_loop3A_279, %parallel_loop3A_280], %parallel_loop3A_276 {strides = array<i32>} : memref<2x16x200xf32, #tpu.memory_space<vmem>>, vector<16xf32>,
      %parallel_loop3A_282 = arith.constant 0 : i32
      %parallel_loop3A_283 = arith.index_cast %parallel_loop3A_282 : i32 to index
      %parallel_loop3A_284 = arith.index_cast %parallel_loop3A_193 : i32 to index
      %parallel_loop3A_285 = arith.constant 128 : index
      %parallel_loop3A_286 = tpu.vector_load %arg7[%parallel_loop3A_283, %parallel_loop3A_284, %parallel_loop3A_285] {strides = array<i32>} : memref<2x16x200xi32, #tpu.memory_space<vmem>>, vector<16xi32>,
      %parallel_loop3A_287 = tpu.vector_load_idx %arg5[%parallel_loop3A_286] : memref<100000xf32, #tpu.memory_space<vmem>>[vector<16xi32>], vector<16xf32>,
      %parallel_loop3A_288 = arith.constant 0 : i32
      %parallel_loop3A_289 = arith.index_cast %parallel_loop3A_288 : i32 to index
      %parallel_loop3A_290 = arith.index_cast %parallel_loop3A_193 : i32 to index
      %parallel_loop3A_291 = arith.constant 128 : index
      %parallel_loop3A_292 = tpu.vector_load %arg8[%parallel_loop3A_289, %parallel_loop3A_290, %parallel_loop3A_291] {strides = array<i32>} : memref<2x16x200xf32, #tpu.memory_space<vmem>>, vector<16xf32>,
      tpu.vector_store %arg8[%parallel_loop3A_289, %parallel_loop3A_290, %parallel_loop3A_291], %parallel_loop3A_287 {strides = array<i32>} : memref<2x16x200xf32, #tpu.memory_space<vmem>>, vector<16xf32>,
      %parallel_loop3A_293 = arith.constant 0 : i32
      %parallel_loop3A_294 = arith.index_cast %parallel_loop3A_293 : i32 to index
      %parallel_loop3A_295 = arith.index_cast %parallel_loop3A_193 : i32 to index
      %parallel_loop3A_296 = arith.constant 144 : index
      %parallel_loop3A_297 = tpu.vector_load %arg7[%parallel_loop3A_294, %parallel_loop3A_295, %parallel_loop3A_296] {strides = array<i32>} : memref<2x16x200xi32, #tpu.memory_space<vmem>>, vector<16xi32>,
      %parallel_loop3A_298 = tpu.vector_load_idx %arg5[%parallel_loop3A_297] : memref<100000xf32, #tpu.memory_space<vmem>>[vector<16xi32>], vector<16xf32>,
      %parallel_loop3A_299 = arith.constant 0 : i32
      %parallel_loop3A_300 = arith.index_cast %parallel_loop3A_299 : i32 to index
      %parallel_loop3A_301 = arith.index_cast %parallel_loop3A_193 : i32 to index
      %parallel_loop3A_302 = arith.constant 144 : index
      %parallel_loop3A_303 = tpu.vector_load %arg8[%parallel_loop3A_300, %parallel_loop3A_301, %parallel_loop3A_302] {strides = array<i32>} : memref<2x16x200xf32, #tpu.memory_space<vmem>>, vector<16xf32>,
      tpu.vector_store %arg8[%parallel_loop3A_300, %parallel_loop3A_301, %parallel_loop3A_302], %parallel_loop3A_298 {strides = array<i32>} : memref<2x16x200xf32, #tpu.memory_space<vmem>>, vector<16xf32>,
      %parallel_loop3A_304 = arith.constant 0 : i32
      %parallel_loop3A_305 = arith.index_cast %parallel_loop3A_304 : i32 to index
      %parallel_loop3A_306 = arith.index_cast %parallel_loop3A_193 : i32 to index
      %parallel_loop3A_307 = arith.constant 160 : index
      %parallel_loop3A_308 = tpu.vector_load %arg7[%parallel_loop3A_305, %parallel_loop3A_306, %parallel_loop3A_307] {strides = array<i32>} : memref<2x16x200xi32, #tpu.memory_space<vmem>>, vector<16xi32>,
      %parallel_loop3A_309 = tpu.vector_load_idx %arg5[%parallel_loop3A_308] : memref<100000xf32, #tpu.memory_space<vmem>>[vector<16xi32>], vector<16xf32>,
      %parallel_loop3A_310 = arith.constant 0 : i32
      %parallel_loop3A_311 = arith.index_cast %parallel_loop3A_310 : i32 to index
      %parallel_loop3A_312 = arith.index_cast %parallel_loop3A_193 : i32 to index
      %parallel_loop3A_313 = arith.constant 160 : index
      %parallel_loop3A_314 = tpu.vector_load %arg8[%parallel_loop3A_311, %parallel_loop3A_312, %parallel_loop3A_313] {strides = array<i32>} : memref<2x16x200xf32, #tpu.memory_space<vmem>>, vector<16xf32>,
      tpu.vector_store %arg8[%parallel_loop3A_311, %parallel_loop3A_312, %parallel_loop3A_313], %parallel_loop3A_309 {strides = array<i32>} : memref<2x16x200xf32, #tpu.memory_space<vmem>>, vector<16xf32>,
      %parallel_loop3A_315 = arith.constant 0 : i32
      %parallel_loop3A_316 = arith.index_cast %parallel_loop3A_315 : i32 to index
      %parallel_loop3A_317 = arith.index_cast %parallel_loop3A_193 : i32 to index
      %parallel_loop3A_318 = arith.constant 176 : index
      %parallel_loop3A_319 = tpu.vector_load %arg7[%parallel_loop3A_316, %parallel_loop3A_317, %parallel_loop3A_318] {strides = array<i32>} : memref<2x16x200xi32, #tpu.memory_space<vmem>>, vector<16xi32>,
      %parallel_loop3A_320 = tpu.vector_load_idx %arg5[%parallel_loop3A_319] : memref<100000xf32, #tpu.memory_space<vmem>>[vector<16xi32>], vector<16xf32>,
      %parallel_loop3A_321 = arith.constant 0 : i32
      %parallel_loop3A_322 = arith.index_cast %parallel_loop3A_321 : i32 to index
      %parallel_loop3A_323 = arith.index_cast %parallel_loop3A_193 : i32 to index
      %parallel_loop3A_324 = arith.constant 176 : index
      %parallel_loop3A_325 = tpu.vector_load %arg8[%parallel_loop3A_322, %parallel_loop3A_323, %parallel_loop3A_324] {strides = array<i32>} : memref<2x16x200xf32, #tpu.memory_space<vmem>>, vector<16xf32>,
      tpu.vector_store %arg8[%parallel_loop3A_322, %parallel_loop3A_323, %parallel_loop3A_324], %parallel_loop3A_320 {strides = array<i32>} : memref<2x16x200xf32, #tpu.memory_space<vmem>>, vector<16xf32>,
      %parallel_loop3A_326 = arith.constant 0 : i32
      %parallel_loop3A_327 = arith.index_cast %parallel_loop3A_326 : i32 to index
      %parallel_loop3A_328 = arith.index_cast %parallel_loop3A_193 : i32 to index
      %parallel_loop3A_329 = arith.constant 184 : index
      %parallel_loop3A_330 = tpu.vector_load %arg7[%parallel_loop3A_327, %parallel_loop3A_328, %parallel_loop3A_329] {strides = array<i32>} : memref<2x16x200xi32, #tpu.memory_space<vmem>>, vector<16xi32>,
      %parallel_loop3A_331 = tpu.vector_load_idx %arg5[%parallel_loop3A_330] : memref<100000xf32, #tpu.memory_space<vmem>>[vector<16xi32>], vector<16xf32>,
      %parallel_loop3A_332 = arith.constant 0 : i32
      %parallel_loop3A_333 = arith.index_cast %parallel_loop3A_332 : i32 to index
      %parallel_loop3A_334 = arith.index_cast %parallel_loop3A_193 : i32 to index
      %parallel_loop3A_335 = arith.constant 184 : index
      %parallel_loop3A_336 = tpu.vector_load %arg8[%parallel_loop3A_333, %parallel_loop3A_334, %parallel_loop3A_335] {strides = array<i32>} : memref<2x16x200xf32, #tpu.memory_space<vmem>>, vector<16xf32>,
      tpu.vector_store %arg8[%parallel_loop3A_333, %parallel_loop3A_334, %parallel_loop3A_335], %parallel_loop3A_331 {strides = array<i32>} : memref<2x16x200xf32, #tpu.memory_space<vmem>>, vector<16xf32>,
    } {sc.loop_unroll_factor = 2 : i64, sc.parallel_access}
    %add3A_59 = arith.constant 0 : i32
    %add3A_60 = arith.addi %mul3A_2, %add3A_59 : i32
    %dma_start3A_61 = arith.constant 0 : i32
    %dma_start3A_62 = arith.constant 0 : i32
    %dma_start3A_63 = arith.constant 0 : i32
    %dma_start3A_64 = arith.constant 0 : i32
    %dma_start3A_65 = tpu.memref_slice %arg8[%dma_start3A_61, %dma_start3A_63, %dma_start3A_64] : memref<2x16x200xf32, #tpu.memory_space<vmem>> -> memref<1x16x200xf32, #tpu.memory_space<vmem>>
    %dma_start3A_66 = tpu.memref_squeeze %dma_start3A_65 : memref<1x16x200xf32, #tpu.memory_space<vmem>> -> memref<16x200xf32, #tpu.memory_space<vmem>>
    %dma_start3A_67 = arith.constant 0 : i32
    %dma_start3A_68 = tpu.memref_slice %arg4[%add3A_60, %dma_start3A_67] : memref<16384x200xf32, #tpu.memory_space<hbm>> -> memref<16x200xf32, #tpu.memory_space<hbm>>
    %dma_start3A_69 = tpu.memref_slice %arg11[%dma_start3A_62] : memref<2x!tpu.dma_semaphore, #tpu.memory_space<semaphore_mem>> -> memref<1x!tpu.dma_semaphore, #tpu.memory_space<semaphore_mem>>
    %dma_start3A_70 = tpu.memref_squeeze %dma_start3A_69 : memref<1x!tpu.dma_semaphore, #tpu.memory_space<semaphore_mem>> -> memref<!tpu.dma_semaphore, #tpu.memory_space<semaphore_mem>>
    %dma_start3A_71 = arith.constant 0 : i32
    %dma_start3A_72 = tpu.memref_slice %arg4[%add3A_60, %dma_start3A_71] : memref<16384x200xf32, #tpu.memory_space<hbm>> -> memref<16x200xf32, #tpu.memory_space<hbm>>
    %dma_start3A_73 = arith.constant 0 : i32
    %dma_start3A_74 = arith.constant 0 : i32
    %dma_start3A_75 = tpu.memref_slice %arg8[%dma_start3A_61, %dma_start3A_73, %dma_start3A_74] : memref<2x16x200xf32, #tpu.memory_space<vmem>> -> memref<1x16x200xf32, #tpu.memory_space<vmem>>
    %dma_start3A_76 = tpu.memref_squeeze %dma_start3A_75 : memref<1x16x200xf32, #tpu.memory_space<vmem>> -> memref<16x200xf32, #tpu.memory_space<vmem>>
    tpu.enqueue_dma source(%dma_start3A_76 : memref<16x200xf32, #tpu.memory_space<vmem>>) target(%dma_start3A_72 : memref<16x200xf32, #tpu.memory_space<hbm>>) target_semaphore(%dma_start3A_70 : memref<!tpu.dma_semaphore, #tpu.memory_space<semaphore_mem>>)
    %add3A_77 = arith.constant 32 : i32
    %add3A_78 = arith.addi %mul3A_2, %add3A_77 : i32
    %dma_start3A_79 = arith.constant 0 : i32
    %dma_start3A_80 = arith.constant 0 : i32
    %dma_start3A_81 = arith.constant 0 : i32
    %dma_start3A_82 = arith.constant 0 : i32
    %dma_start3A_83 = tpu.memref_slice %arg7[%dma_start3A_79, %dma_start3A_81, %dma_start3A_82] : memref<2x16x200xi32, #tpu.memory_space<vmem>> -> memref<1x16x200xi32, #tpu.memory_space<vmem>>
    %dma_start3A_84 = tpu.memref_squeeze %dma_start3A_83 : memref<1x16x200xi32, #tpu.memory_space<vmem>> -> memref<16x200xi32, #tpu.memory_space<vmem>>
    %dma_start3A_85 = arith.constant 0 : i32
    %dma_start3A_86 = tpu.memref_slice %arg3[%add3A_78, %dma_start3A_85] : memref<16384x200xi32, #tpu.memory_space<hbm>> -> memref<16x200xi32, #tpu.memory_space<hbm>>
    %dma_start3A_87 = tpu.memref_slice %arg10[%dma_start3A_80] : memref<2x!tpu.dma_semaphore, #tpu.memory_space<semaphore_mem>> -> memref<1x!tpu.dma_semaphore, #tpu.memory_space<semaphore_mem>>
    %dma_start3A_88 = tpu.memref_squeeze %dma_start3A_87 : memref<1x!tpu.dma_semaphore, #tpu.memory_space<semaphore_mem>> -> memref<!tpu.dma_semaphore, #tpu.memory_space<semaphore_mem>>
    %dma_start3A_89 = arith.constant 0 : i32
    %dma_start3A_90 = arith.constant 0 : i32
    %dma_start3A_91 = tpu.memref_slice %arg7[%dma_start3A_79, %dma_start3A_89, %dma_start3A_90] : memref<2x16x200xi32, #tpu.memory_space<vmem>> -> memref<1x16x200xi32, #tpu.memory_space<vmem>>
    %dma_start3A_92 = tpu.memref_squeeze %dma_start3A_91 : memref<1x16x200xi32, #tpu.memory_space<vmem>> -> memref<16x200xi32, #tpu.memory_space<vmem>>
    %dma_start3A_93 = arith.constant 0 : i32
    %dma_start3A_94 = tpu.memref_slice %arg3[%add3A_78, %dma_start3A_93] : memref<16384x200xi32, #tpu.memory_space<hbm>> -> memref<16x200xi32, #tpu.memory_space<hbm>>
    tpu.enqueue_dma source(%dma_start3A_94 : memref<16x200xi32, #tpu.memory_space<hbm>>) target(%dma_start3A_92 : memref<16x200xi32, #tpu.memory_space<vmem>>) target_semaphore(%dma_start3A_88 : memref<!tpu.dma_semaphore, #tpu.memory_space<semaphore_mem>>)
    %add3A_95 = arith.constant 16 : i32
    %add3A_96 = arith.addi %mul3A_2, %add3A_95 : i32
    %dma_wait3A_97 = arith.constant 1 : i32
    %dma_wait3A_98 = arith.constant 1 : i32
    %dma_wait3A_99 = arith.constant 0 : i32
    %dma_wait3A_100 = arith.constant 0 : i32
    %dma_wait3A_101 = tpu.memref_slice %arg7[%dma_wait3A_97, %dma_wait3A_99, %dma_wait3A_100] : memref<2x16x200xi32, #tpu.memory_space<vmem>> -> memref<1x16x200xi32, #tpu.memory_space<vmem>>
    %dma_wait3A_102 = tpu.memref_squeeze %dma_wait3A_101 : memref<1x16x200xi32, #tpu.memory_space<vmem>> -> memref<16x200xi32, #tpu.memory_space<vmem>>
    %dma_wait3A_103 = arith.constant 0 : i32
    %dma_wait3A_104 = tpu.memref_slice %arg3[%add3A_96, %dma_wait3A_103] : memref<16384x200xi32, #tpu.memory_space<hbm>> -> memref<16x200xi32, #tpu.memory_space<hbm>>
    %dma_wait3A_105 = tpu.memref_slice %arg10[%dma_wait3A_98] : memref<2x!tpu.dma_semaphore, #tpu.memory_space<semaphore_mem>> -> memref<1x!tpu.dma_semaphore, #tpu.memory_space<semaphore_mem>>
    %dma_wait3A_106 = tpu.memref_squeeze %dma_wait3A_105 : memref<1x!tpu.dma_semaphore, #tpu.memory_space<semaphore_mem>> -> memref<!tpu.dma_semaphore, #tpu.memory_space<semaphore_mem>>
    %dma_wait3A_107 = arith.constant 0 : i32
    %dma_wait3A_108 = arith.constant 0 : i32
    %dma_wait3A_109 = tpu.memref_slice %arg7[%dma_wait3A_97, %dma_wait3A_107, %dma_wait3A_108] : memref<2x16x200xi32, #tpu.memory_space<vmem>> -> memref<1x16x200xi32, #tpu.memory_space<vmem>>
    %dma_wait3A_110 = tpu.memref_squeeze %dma_wait3A_109 : memref<1x16x200xi32, #tpu.memory_space<vmem>> -> memref<16x200xi32, #tpu.memory_space<vmem>>
    %dma_wait3A_111 = arith.constant 0 : i32
    %dma_wait3A_112 = tpu.memref_slice %arg3[%add3A_96, %dma_wait3A_111] : memref<16384x200xi32, #tpu.memory_space<hbm>> -> memref<16x200xi32, #tpu.memory_space<hbm>>
    tpu.wait_dma2 semaphore(%dma_wait3A_106 : memref<!tpu.dma_semaphore, #tpu.memory_space<semaphore_mem>>) src(%dma_wait3A_112 : memref<16x200xi32, #tpu.memory_space<hbm>>) dst(%dma_wait3A_110 : memref<16x200xi32, #tpu.memory_space<vmem>>)
    %parallel_loop3A_113 = arith.constant 0 : i32
    %parallel_loop3A_114 = arith.constant 16 : i32
    %parallel_loop3A_115 = arith.constant 1 : i32
    scf.for %parallel_loop3A_193 = %parallel_loop3A_113 to %parallel_loop3A_114 step %parallel_loop3A_115  : i32 {
      %parallel_loop3A_194 = arith.constant 1 : i32
      %parallel_loop3A_195 = arith.index_cast %parallel_loop3A_194 : i32 to index
      %parallel_loop3A_196 = arith.index_cast %parallel_loop3A_193 : i32 to index
      %parallel_loop3A_197 = arith.constant 0 : index
      %parallel_loop3A_198 = tpu.vector_load %arg7[%parallel_loop3A_195, %parallel_loop3A_196, %parallel_loop3A_197] {strides = array<i32>} : memref<2x16x200xi32, #tpu.memory_space<vmem>>, vector<16xi32>,
      %parallel_loop3A_199 = tpu.vector_load_idx %arg5[%parallel_loop3A_198] : memref<100000xf32, #tpu.memory_space<vmem>>[vector<16xi32>], vector<16xf32>,
      %parallel_loop3A_200 = arith.constant 1 : i32
      %parallel_loop3A_201 = arith.index_cast %parallel_loop3A_200 : i32 to index
      %parallel_loop3A_202 = arith.index_cast %parallel_loop3A_193 : i32 to index
      %parallel_loop3A_203 = arith.constant 0 : index
      %parallel_loop3A_204 = tpu.vector_load %arg8[%parallel_loop3A_201, %parallel_loop3A_202, %parallel_loop3A_203] {strides = array<i32>} : memref<2x16x200xf32, #tpu.memory_space<vmem>>, vector<16xf32>,
      tpu.vector_store %arg8[%parallel_loop3A_201, %parallel_loop3A_202, %parallel_loop3A_203], %parallel_loop3A_199 {strides = array<i32>} : memref<2x16x200xf32, #tpu.memory_space<vmem>>, vector<16xf32>,
      %parallel_loop3A_205 = arith.constant 1 : i32
      %parallel_loop3A_206 = arith.index_cast %parallel_loop3A_205 : i32 to index
      %parallel_loop3A_207 = arith.index_cast %parallel_loop3A_193 : i32 to index
      %parallel_loop3A_208 = arith.constant 16 : index
      %parallel_loop3A_209 = tpu.vector_load %arg7[%parallel_loop3A_206, %parallel_loop3A_207, %parallel_loop3A_208] {strides = array<i32>} : memref<2x16x200xi32, #tpu.memory_space<vmem>>, vector<16xi32>,
      %parallel_loop3A_210 = tpu.vector_load_idx %arg5[%parallel_loop3A_209] : memref<100000xf32, #tpu.memory_space<vmem>>[vector<16xi32>], vector<16xf32>,
      %parallel_loop3A_211 = arith.constant 1 : i32
      %parallel_loop3A_212 = arith.index_cast %parallel_loop3A_211 : i32 to index
      %parallel_loop3A_213 = arith.index_cast %parallel_loop3A_193 : i32 to index
      %parallel_loop3A_214 = arith.constant 16 : index
      %parallel_loop3A_215 = tpu.vector_load %arg8[%parallel_loop3A_212, %parallel_loop3A_213, %parallel_loop3A_214] {strides = array<i32>} : memref<2x16x200xf32, #tpu.memory_space<vmem>>, vector<16xf32>,
      tpu.vector_store %arg8[%parallel_loop3A_212, %parallel_loop3A_213, %parallel_loop3A_214], %parallel_loop3A_210 {strides = array<i32>} : memref<2x16x200xf32, #tpu.memory_space<vmem>>, vector<16xf32>,
      %parallel_loop3A_216 = arith.constant 1 : i32
      %parallel_loop3A_217 = arith.index_cast %parallel_loop3A_216 : i32 to index
      %parallel_loop3A_218 = arith.index_cast %parallel_loop3A_193 : i32 to index
      %parallel_loop3A_219 = arith.constant 32 : index
      %parallel_loop3A_220 = tpu.vector_load %arg7[%parallel_loop3A_217, %parallel_loop3A_218, %parallel_loop3A_219] {strides = array<i32>} : memref<2x16x200xi32, #tpu.memory_space<vmem>>, vector<16xi32>,
      %parallel_loop3A_221 = tpu.vector_load_idx %arg5[%parallel_loop3A_220] : memref<100000xf32, #tpu.memory_space<vmem>>[vector<16xi32>], vector<16xf32>,
      %parallel_loop3A_222 = arith.constant 1 : i32
      %parallel_loop3A_223 = arith.index_cast %parallel_loop3A_222 : i32 to index
      %parallel_loop3A_224 = arith.index_cast %parallel_loop3A_193 : i32 to index
      %parallel_loop3A_225 = arith.constant 32 : index
      %parallel_loop3A_226 = tpu.vector_load %arg8[%parallel_loop3A_223, %parallel_loop3A_224, %parallel_loop3A_225] {strides = array<i32>} : memref<2x16x200xf32, #tpu.memory_space<vmem>>, vector<16xf32>,
      tpu.vector_store %arg8[%parallel_loop3A_223, %parallel_loop3A_224, %parallel_loop3A_225], %parallel_loop3A_221 {strides = array<i32>} : memref<2x16x200xf32, #tpu.memory_space<vmem>>, vector<16xf32>,
      %parallel_loop3A_227 = arith.constant 1 : i32
      %parallel_loop3A_228 = arith.index_cast %parallel_loop3A_227 : i32 to index
      %parallel_loop3A_229 = arith.index_cast %parallel_loop3A_193 : i32 to index
      %parallel_loop3A_230 = arith.constant 48 : index
      %parallel_loop3A_231 = tpu.vector_load %arg7[%parallel_loop3A_228, %parallel_loop3A_229, %parallel_loop3A_230] {strides = array<i32>} : memref<2x16x200xi32, #tpu.memory_space<vmem>>, vector<16xi32>,
      %parallel_loop3A_232 = tpu.vector_load_idx %arg5[%parallel_loop3A_231] : memref<100000xf32, #tpu.memory_space<vmem>>[vector<16xi32>], vector<16xf32>,
      %parallel_loop3A_233 = arith.constant 1 : i32
      %parallel_loop3A_234 = arith.index_cast %parallel_loop3A_233 : i32 to index
      %parallel_loop3A_235 = arith.index_cast %parallel_loop3A_193 : i32 to index
      %parallel_loop3A_236 = arith.constant 48 : index
      %parallel_loop3A_237 = tpu.vector_load %arg8[%parallel_loop3A_234, %parallel_loop3A_235, %parallel_loop3A_236] {strides = array<i32>} : memref<2x16x200xf32, #tpu.memory_space<vmem>>, vector<16xf32>,
      tpu.vector_store %arg8[%parallel_loop3A_234, %parallel_loop3A_235, %parallel_loop3A_236], %parallel_loop3A_232 {strides = array<i32>} : memref<2x16x200xf32, #tpu.memory_space<vmem>>, vector<16xf32>,
      %parallel_loop3A_238 = arith.constant 1 : i32
      %parallel_loop3A_239 = arith.index_cast %parallel_loop3A_238 : i32 to index
      %parallel_loop3A_240 = arith.index_cast %parallel_loop3A_193 : i32 to index
      %parallel_loop3A_241 = arith.constant 64 : index
      %parallel_loop3A_242 = tpu.vector_load %arg7[%parallel_loop3A_239, %parallel_loop3A_240, %parallel_loop3A_241] {strides = array<i32>} : memref<2x16x200xi32, #tpu.memory_space<vmem>>, vector<16xi32>,
      %parallel_loop3A_243 = tpu.vector_load_idx %arg5[%parallel_loop3A_242] : memref<100000xf32, #tpu.memory_space<vmem>>[vector<16xi32>], vector<16xf32>,
      %parallel_loop3A_244 = arith.constant 1 : i32
      %parallel_loop3A_245 = arith.index_cast %parallel_loop3A_244 : i32 to index
      %parallel_loop3A_246 = arith.index_cast %parallel_loop3A_193 : i32 to index
      %parallel_loop3A_247 = arith.constant 64 : index
      %parallel_loop3A_248 = tpu.vector_load %arg8[%parallel_loop3A_245, %parallel_loop3A_246, %parallel_loop3A_247] {strides = array<i32>} : memref<2x16x200xf32, #tpu.memory_space<vmem>>, vector<16xf32>,
      tpu.vector_store %arg8[%parallel_loop3A_245, %parallel_loop3A_246, %parallel_loop3A_247], %parallel_loop3A_243 {strides = array<i32>} : memref<2x16x200xf32, #tpu.memory_space<vmem>>, vector<16xf32>,
      %parallel_loop3A_249 = arith.constant 1 : i32
      %parallel_loop3A_250 = arith.index_cast %parallel_loop3A_249 : i32 to index
      %parallel_loop3A_251 = arith.index_cast %parallel_loop3A_193 : i32 to index
      %parallel_loop3A_252 = arith.constant 80 : index
      %parallel_loop3A_253 = tpu.vector_load %arg7[%parallel_loop3A_250, %parallel_loop3A_251, %parallel_loop3A_252] {strides = array<i32>} : memref<2x16x200xi32, #tpu.memory_space<vmem>>, vector<16xi32>,
      %parallel_loop3A_254 = tpu.vector_load_idx %arg5[%parallel_loop3A_253] : memref<100000xf32, #tpu.memory_space<vmem>>[vector<16xi32>], vector<16xf32>,
      %parallel_loop3A_255 = arith.constant 1 : i32
      %parallel_loop3A_256 = arith.index_cast %parallel_loop3A_255 : i32 to index
      %parallel_loop3A_257 = arith.index_cast %parallel_loop3A_193 : i32 to index
      %parallel_loop3A_258 = arith.constant 80 : index
      %parallel_loop3A_259 = tpu.vector_load %arg8[%parallel_loop3A_256, %parallel_loop3A_257, %parallel_loop3A_258] {strides = array<i32>} : memref<2x16x200xf32, #tpu.memory_space<vmem>>, vector<16xf32>,
      tpu.vector_store %arg8[%parallel_loop3A_256, %parallel_loop3A_257, %parallel_loop3A_258], %parallel_loop3A_254 {strides = array<i32>} : memref<2x16x200xf32, #tpu.memory_space<vmem>>, vector<16xf32>,
      %parallel_loop3A_260 = arith.constant 1 : i32
      %parallel_loop3A_261 = arith.index_cast %parallel_loop3A_260 : i32 to index
      %parallel_loop3A_262 = arith.index_cast %parallel_loop3A_193 : i32 to index
      %parallel_loop3A_263 = arith.constant 96 : index
      %parallel_loop3A_264 = tpu.vector_load %arg7[%parallel_loop3A_261, %parallel_loop3A_262, %parallel_loop3A_263] {strides = array<i32>} : memref<2x16x200xi32, #tpu.memory_space<vmem>>, vector<16xi32>,
      %parallel_loop3A_265 = tpu.vector_load_idx %arg5[%parallel_loop3A_264] : memref<100000xf32, #tpu.memory_space<vmem>>[vector<16xi32>], vector<16xf32>,
      %parallel_loop3A_266 = arith.constant 1 : i32
      %parallel_loop3A_267 = arith.index_cast %parallel_loop3A_266 : i32 to index
      %parallel_loop3A_268 = arith.index_cast %parallel_loop3A_193 : i32 to index
      %parallel_loop3A_269 = arith.constant 96 : index
      %parallel_loop3A_270 = tpu.vector_load %arg8[%parallel_loop3A_267, %parallel_loop3A_268, %parallel_loop3A_269] {strides = array<i32>} : memref<2x16x200xf32, #tpu.memory_space<vmem>>, vector<16xf32>,
      tpu.vector_store %arg8[%parallel_loop3A_267, %parallel_loop3A_268, %parallel_loop3A_269], %parallel_loop3A_265 {strides = array<i32>} : memref<2x16x200xf32, #tpu.memory_space<vmem>>, vector<16xf32>,
      %parallel_loop3A_271 = arith.constant 1 : i32
      %parallel_loop3A_272 = arith.index_cast %parallel_loop3A_271 : i32 to index
      %parallel_loop3A_273 = arith.index_cast %parallel_loop3A_193 : i32 to index
      %parallel_loop3A_274 = arith.constant 112 : index
      %parallel_loop3A_275 = tpu.vector_load %arg7[%parallel_loop3A_272, %parallel_loop3A_273, %parallel_loop3A_274] {strides = array<i32>} : memref<2x16x200xi32, #tpu.memory_space<vmem>>, vector<16xi32>,
      %parallel_loop3A_276 = tpu.vector_load_idx %arg5[%parallel_loop3A_275] : memref<100000xf32, #tpu.memory_space<vmem>>[vector<16xi32>], vector<16xf32>,
      %parallel_loop3A_277 = arith.constant 1 : i32
      %parallel_loop3A_278 = arith.index_cast %parallel_loop3A_277 : i32 to index
      %parallel_loop3A_279 = arith.index_cast %parallel_loop3A_193 : i32 to index
      %parallel_loop3A_280 = arith.constant 112 : index
      %parallel_loop3A_281 = tpu.vector_load %arg8[%parallel_loop3A_278, %parallel_loop3A_279, %parallel_loop3A_280] {strides = array<i32>} : memref<2x16x200xf32, #tpu.memory_space<vmem>>, vector<16xf32>,
      tpu.vector_store %arg8[%parallel_loop3A_278, %parallel_loop3A_279, %parallel_loop3A_280], %parallel_loop3A_276 {strides = array<i32>} : memref<2x16x200xf32, #tpu.memory_space<vmem>>, vector<16xf32>,
      %parallel_loop3A_282 = arith.constant 1 : i32
      %parallel_loop3A_283 = arith.index_cast %parallel_loop3A_282 : i32 to index
      %parallel_loop3A_284 = arith.index_cast %parallel_loop3A_193 : i32 to index
      %parallel_loop3A_285 = arith.constant 128 : index
      %parallel_loop3A_286 = tpu.vector_load %arg7[%parallel_loop3A_283, %parallel_loop3A_284, %parallel_loop3A_285] {strides = array<i32>} : memref<2x16x200xi32, #tpu.memory_space<vmem>>, vector<16xi32>,
      %parallel_loop3A_287 = tpu.vector_load_idx %arg5[%parallel_loop3A_286] : memref<100000xf32, #tpu.memory_space<vmem>>[vector<16xi32>], vector<16xf32>,
      %parallel_loop3A_288 = arith.constant 1 : i32
      %parallel_loop3A_289 = arith.index_cast %parallel_loop3A_288 : i32 to index
      %parallel_loop3A_290 = arith.index_cast %parallel_loop3A_193 : i32 to index
      %parallel_loop3A_291 = arith.constant 128 : index
      %parallel_loop3A_292 = tpu.vector_load %arg8[%parallel_loop3A_289, %parallel_loop3A_290, %parallel_loop3A_291] {strides = array<i32>} : memref<2x16x200xf32, #tpu.memory_space<vmem>>, vector<16xf32>,
      tpu.vector_store %arg8[%parallel_loop3A_289, %parallel_loop3A_290, %parallel_loop3A_291], %parallel_loop3A_287 {strides = array<i32>} : memref<2x16x200xf32, #tpu.memory_space<vmem>>, vector<16xf32>,
      %parallel_loop3A_293 = arith.constant 1 : i32
      %parallel_loop3A_294 = arith.index_cast %parallel_loop3A_293 : i32 to index
      %parallel_loop3A_295 = arith.index_cast %parallel_loop3A_193 : i32 to index
      %parallel_loop3A_296 = arith.constant 144 : index
      %parallel_loop3A_297 = tpu.vector_load %arg7[%parallel_loop3A_294, %parallel_loop3A_295, %parallel_loop3A_296] {strides = array<i32>} : memref<2x16x200xi32, #tpu.memory_space<vmem>>, vector<16xi32>,
      %parallel_loop3A_298 = tpu.vector_load_idx %arg5[%parallel_loop3A_297] : memref<100000xf32, #tpu.memory_space<vmem>>[vector<16xi32>], vector<16xf32>,
      %parallel_loop3A_299 = arith.constant 1 : i32
      %parallel_loop3A_300 = arith.index_cast %parallel_loop3A_299 : i32 to index
      %parallel_loop3A_301 = arith.index_cast %parallel_loop3A_193 : i32 to index
      %parallel_loop3A_302 = arith.constant 144 : index
      %parallel_loop3A_303 = tpu.vector_load %arg8[%parallel_loop3A_300, %parallel_loop3A_301, %parallel_loop3A_302] {strides = array<i32>} : memref<2x16x200xf32, #tpu.memory_space<vmem>>, vector<16xf32>,
      tpu.vector_store %arg8[%parallel_loop3A_300, %parallel_loop3A_301, %parallel_loop3A_302], %parallel_loop3A_298 {strides = array<i32>} : memref<2x16x200xf32, #tpu.memory_space<vmem>>, vector<16xf32>,
      %parallel_loop3A_304 = arith.constant 1 : i32
      %parallel_loop3A_305 = arith.index_cast %parallel_loop3A_304 : i32 to index
      %parallel_loop3A_306 = arith.index_cast %parallel_loop3A_193 : i32 to index
      %parallel_loop3A_307 = arith.constant 160 : index
      %parallel_loop3A_308 = tpu.vector_load %arg7[%parallel_loop3A_305, %parallel_loop3A_306, %parallel_loop3A_307] {strides = array<i32>} : memref<2x16x200xi32, #tpu.memory_space<vmem>>, vector<16xi32>,
      %parallel_loop3A_309 = tpu.vector_load_idx %arg5[%parallel_loop3A_308] : memref<100000xf32, #tpu.memory_space<vmem>>[vector<16xi32>], vector<16xf32>,
      %parallel_loop3A_310 = arith.constant 1 : i32
      %parallel_loop3A_311 = arith.index_cast %parallel_loop3A_310 : i32 to index
      %parallel_loop3A_312 = arith.index_cast %parallel_loop3A_193 : i32 to index
      %parallel_loop3A_313 = arith.constant 160 : index
      %parallel_loop3A_314 = tpu.vector_load %arg8[%parallel_loop3A_311, %parallel_loop3A_312, %parallel_loop3A_313] {strides = array<i32>} : memref<2x16x200xf32, #tpu.memory_space<vmem>>, vector<16xf32>,
      tpu.vector_store %arg8[%parallel_loop3A_311, %parallel_loop3A_312, %parallel_loop3A_313], %parallel_loop3A_309 {strides = array<i32>} : memref<2x16x200xf32, #tpu.memory_space<vmem>>, vector<16xf32>,
      %parallel_loop3A_315 = arith.constant 1 : i32
      %parallel_loop3A_316 = arith.index_cast %parallel_loop3A_315 : i32 to index
      %parallel_loop3A_317 = arith.index_cast %parallel_loop3A_193 : i32 to index
      %parallel_loop3A_318 = arith.constant 176 : index
      %parallel_loop3A_319 = tpu.vector_load %arg7[%parallel_loop3A_316, %parallel_loop3A_317, %parallel_loop3A_318] {strides = array<i32>} : memref<2x16x200xi32, #tpu.memory_space<vmem>>, vector<16xi32>,
      %parallel_loop3A_320 = tpu.vector_load_idx %arg5[%parallel_loop3A_319] : memref<100000xf32, #tpu.memory_space<vmem>>[vector<16xi32>], vector<16xf32>,
      %parallel_loop3A_321 = arith.constant 1 : i32
      %parallel_loop3A_322 = arith.index_cast %parallel_loop3A_321 : i32 to index
      %parallel_loop3A_323 = arith.index_cast %parallel_loop3A_193 : i32 to index
      %parallel_loop3A_324 = arith.constant 176 : index
      %parallel_loop3A_325 = tpu.vector_load %arg8[%parallel_loop3A_322, %parallel_loop3A_323, %parallel_loop3A_324] {strides = array<i32>} : memref<2x16x200xf32, #tpu.memory_space<vmem>>, vector<16xf32>,
      tpu.vector_store %arg8[%parallel_loop3A_322, %parallel_loop3A_323, %parallel_loop3A_324], %parallel_loop3A_320 {strides = array<i32>} : memref<2x16x200xf32, #tpu.memory_space<vmem>>, vector<16xf32>,
      %parallel_loop3A_326 = arith.constant 1 : i32
      %parallel_loop3A_327 = arith.index_cast %parallel_loop3A_326 : i32 to index
      %parallel_loop3A_328 = arith.index_cast %parallel_loop3A_193 : i32 to index
      %parallel_loop3A_329 = arith.constant 184 : index
      %parallel_loop3A_330 = tpu.vector_load %arg7[%parallel_loop3A_327, %parallel_loop3A_328, %parallel_loop3A_329] {strides = array<i32>} : memref<2x16x200xi32, #tpu.memory_space<vmem>>, vector<16xi32>,
      %parallel_loop3A_331 = tpu.vector_load_idx %arg5[%parallel_loop3A_330] : memref<100000xf32, #tpu.memory_space<vmem>>[vector<16xi32>], vector<16xf32>,
      %parallel_loop3A_332 = arith.constant 1 : i32
      %parallel_loop3A_333 = arith.index_cast %parallel_loop3A_332 : i32 to index
      %parallel_loop3A_334 = arith.index_cast %parallel_loop3A_193 : i32 to index
      %parallel_loop3A_335 = arith.constant 184 : index
      %parallel_loop3A_336 = tpu.vector_load %arg8[%parallel_loop3A_333, %parallel_loop3A_334, %parallel_loop3A_335] {strides = array<i32>} : memref<2x16x200xf32, #tpu.memory_space<vmem>>, vector<16xf32>,
      tpu.vector_store %arg8[%parallel_loop3A_333, %parallel_loop3A_334, %parallel_loop3A_335], %parallel_loop3A_331 {strides = array<i32>} : memref<2x16x200xf32, #tpu.memory_space<vmem>>, vector<16xf32>,
    } {sc.loop_unroll_factor = 2 : i64, sc.parallel_access}
    %add3A_116 = arith.constant 16 : i32
    %add3A_117 = arith.addi %mul3A_2, %add3A_116 : i32
    %dma_start3A_118 = arith.constant 1 : i32
    %dma_start3A_119 = arith.constant 1 : i32
    %dma_start3A_120 = arith.constant 0 : i32
    %dma_start3A_121 = arith.constant 0 : i32
    %dma_start3A_122 = tpu.memref_slice %arg8[%dma_start3A_118, %dma_start3A_120, %dma_start3A_121] : memref<2x16x200xf32, #tpu.memory_space<vmem>> -> memref<1x16x200xf32, #tpu.memory_space<vmem>>
    %dma_start3A_123 = tpu.memref_squeeze %dma_start3A_122 : memref<1x16x200xf32, #tpu.memory_space<vmem>> -> memref<16x200xf32, #tpu.memory_space<vmem>>
    %dma_start3A_124 = arith.constant 0 : i32
    %dma_start3A_125 = tpu.memref_slice %arg4[%add3A_117, %dma_start3A_124] : memref<16384x200xf32, #tpu.memory_space<hbm>> -> memref<16x200xf32, #tpu.memory_space<hbm>>
    %dma_start3A_126 = tpu.memref_slice %arg11[%dma_start3A_119] : memref<2x!tpu.dma_semaphore, #tpu.memory_space<semaphore_mem>> -> memref<1x!tpu.dma_semaphore, #tpu.memory_space<semaphore_mem>>
    %dma_start3A_127 = tpu.memref_squeeze %dma_start3A_126 : memref<1x!tpu.dma_semaphore, #tpu.memory_space<semaphore_mem>> -> memref<!tpu.dma_semaphore, #tpu.memory_space<semaphore_mem>>
    %dma_start3A_128 = arith.constant 0 : i32
    %dma_start3A_129 = tpu.memref_slice %arg4[%add3A_117, %dma_start3A_128] : memref<16384x200xf32, #tpu.memory_space<hbm>> -> memref<16x200xf32, #tpu.memory_space<hbm>>
    %dma_start3A_130 = arith.constant 0 : i32
    %dma_start3A_131 = arith.constant 0 : i32
    %dma_start3A_132 = tpu.memref_slice %arg8[%dma_start3A_118, %dma_start3A_130, %dma_start3A_131] : memref<2x16x200xf32, #tpu.memory_space<vmem>> -> memref<1x16x200xf32, #tpu.memory_space<vmem>>
    %dma_start3A_133 = tpu.memref_squeeze %dma_start3A_132 : memref<1x16x200xf32, #tpu.memory_space<vmem>> -> memref<16x200xf32, #tpu.memory_space<vmem>>
    tpu.enqueue_dma source(%dma_start3A_133 : memref<16x200xf32, #tpu.memory_space<vmem>>) target(%dma_start3A_129 : memref<16x200xf32, #tpu.memory_space<hbm>>) target_semaphore(%dma_start3A_127 : memref<!tpu.dma_semaphore, #tpu.memory_space<semaphore_mem>>)
    %add3A_134 = arith.constant 48 : i32
    %add3A_135 = arith.addi %mul3A_2, %add3A_134 : i32
    %dma_start3A_136 = arith.constant 1 : i32
    %dma_start3A_137 = arith.constant 1 : i32
    %dma_start3A_138 = arith.constant 0 : i32
    %dma_start3A_139 = arith.constant 0 : i32
    %dma_start3A_140 = tpu.memref_slice %arg7[%dma_start3A_136, %dma_start3A_138, %dma_start3A_139] : memref<2x16x200xi32, #tpu.memory_space<vmem>> -> memref<1x16x200xi32, #tpu.memory_space<vmem>>
    %dma_start3A_141 = tpu.memref_squeeze %dma_start3A_140 : memref<1x16x200xi32, #tpu.memory_space<vmem>> -> memref<16x200xi32, #tpu.memory_space<vmem>>
    %dma_start3A_142 = arith.constant 0 : i32
    %dma_start3A_143 = tpu.memref_slice %arg3[%add3A_135, %dma_start3A_142] : memref<16384x200xi32, #tpu.memory_space<hbm>> -> memref<16x200xi32, #tpu.memory_space<hbm>>
    %dma_start3A_144 = tpu.memref_slice %arg10[%dma_start3A_137] : memref<2x!tpu.dma_semaphore, #tpu.memory_space<semaphore_mem>> -> memref<1x!tpu.dma_semaphore, #tpu.memory_space<semaphore_mem>>
    %dma_start3A_145 = tpu.memref_squeeze %dma_start3A_144 : memref<1x!tpu.dma_semaphore, #tpu.memory_space<semaphore_mem>> -> memref<!tpu.dma_semaphore, #tpu.memory_space<semaphore_mem>>
    %dma_start3A_146 = arith.constant 0 : i32
    %dma_start3A_147 = arith.constant 0 : i32
    %dma_start3A_148 = tpu.memref_slice %arg7[%dma_start3A_136, %dma_start3A_146, %dma_start3A_147] : memref<2x16x200xi32, #tpu.memory_space<vmem>> -> memref<1x16x200xi32, #tpu.memory_space<vmem>>
    %dma_start3A_149 = tpu.memref_squeeze %dma_start3A_148 : memref<1x16x200xi32, #tpu.memory_space<vmem>> -> memref<16x200xi32, #tpu.memory_space<vmem>>
    %dma_start3A_150 = arith.constant 0 : i32
    %dma_start3A_151 = tpu.memref_slice %arg3[%add3A_135, %dma_start3A_150] : memref<16384x200xi32, #tpu.memory_space<hbm>> -> memref<16x200xi32, #tpu.memory_space<hbm>>
    tpu.enqueue_dma source(%dma_start3A_151 : memref<16x200xi32, #tpu.memory_space<hbm>>) target(%dma_start3A_149 : memref<16x200xi32, #tpu.memory_space<vmem>>) target_semaphore(%dma_start3A_145 : memref<!tpu.dma_semaphore, #tpu.memory_space<semaphore_mem>>)
    %scan3A = arith.constant 0 : i32
    %scan3A_152 = arith.constant 1 : i32
    %scan3A_153 = arith.constant 15 : i32
    %scan3A_154 = arith.addi %scan3A_152, %scan3A_153 : i32
    %scan3A_155 = arith.constant 1 : i32
    scf.for %scan3A_193 = %scan3A_152 to %scan3A_154 step %scan3A_155  : i32 {
      %mul3A_194 = arith.constant 2 : i32
      %mul3A_195 = arith.muli %mul3A_194, %scan3A_193 : i32
      %mul3A_196 = arith.constant 16 : i32
      %mul3A_197 = arith.muli %mul3A_195, %mul3A_196 : i32
      %add3A_198 = arith.addi %mul3A_2, %mul3A_197 : i32
      %dma_wait3A_199 = arith.constant 0 : i32
      %dma_wait3A_200 = arith.constant 0 : i32
      %dma_wait3A_201 = arith.constant 0 : i32
      %dma_wait3A_202 = arith.constant 0 : i32
      %dma_wait3A_203 = tpu.memref_slice %arg7[%dma_wait3A_199, %dma_wait3A_201, %dma_wait3A_202] : memref<2x16x200xi32, #tpu.memory_space<vmem>> -> memref<1x16x200xi32, #tpu.memory_space<vmem>>
      %dma_wait3A_204 = tpu.memref_squeeze %dma_wait3A_203 : memref<1x16x200xi32, #tpu.memory_space<vmem>> -> memref<16x200xi32, #tpu.memory_space<vmem>>
      %dma_wait3A_205 = arith.constant 0 : i32
      %dma_wait3A_206 = tpu.memref_slice %arg3[%add3A_198, %dma_wait3A_205] : memref<16384x200xi32, #tpu.memory_space<hbm>> -> memref<16x200xi32, #tpu.memory_space<hbm>>
      %dma_wait3A_207 = tpu.memref_slice %arg10[%dma_wait3A_200] : memref<2x!tpu.dma_semaphore, #tpu.memory_space<semaphore_mem>> -> memref<1x!tpu.dma_semaphore, #tpu.memory_space<semaphore_mem>>
      %dma_wait3A_208 = tpu.memref_squeeze %dma_wait3A_207 : memref<1x!tpu.dma_semaphore, #tpu.memory_space<semaphore_mem>> -> memref<!tpu.dma_semaphore, #tpu.memory_space<semaphore_mem>>
      %dma_wait3A_209 = arith.constant 0 : i32
      %dma_wait3A_210 = arith.constant 0 : i32
      %dma_wait3A_211 = tpu.memref_slice %arg7[%dma_wait3A_199, %dma_wait3A_209, %dma_wait3A_210] : memref<2x16x200xi32, #tpu.memory_space<vmem>> -> memref<1x16x200xi32, #tpu.memory_space<vmem>>
      %dma_wait3A_212 = tpu.memref_squeeze %dma_wait3A_211 : memref<1x16x200xi32, #tpu.memory_space<vmem>> -> memref<16x200xi32, #tpu.memory_space<vmem>>
      %dma_wait3A_213 = arith.constant 0 : i32
      %dma_wait3A_214 = tpu.memref_slice %arg3[%add3A_198, %dma_wait3A_213] : memref<16384x200xi32, #tpu.memory_space<hbm>> -> memref<16x200xi32, #tpu.memory_space<hbm>>
      tpu.wait_dma2 semaphore(%dma_wait3A_208 : memref<!tpu.dma_semaphore, #tpu.memory_space<semaphore_mem>>) src(%dma_wait3A_214 : memref<16x200xi32, #tpu.memory_space<hbm>>) dst(%dma_wait3A_212 : memref<16x200xi32, #tpu.memory_space<vmem>>)
      %sub3A = arith.constant 2 : i32
      %sub3A_215 = arith.subi %mul3A_195, %sub3A : i32
      %mul3A_216 = arith.constant 16 : i32
      %mul3A_217 = arith.muli %sub3A_215, %mul3A_216 : i32
      %add3A_218 = arith.addi %mul3A_2, %mul3A_217 : i32
      %dma_wait3A_219 = arith.constant 0 : i32
      %dma_wait3A_220 = arith.constant 0 : i32
      %dma_wait3A_221 = arith.constant 0 : i32
      %dma_wait3A_222 = arith.constant 0 : i32
      %dma_wait3A_223 = tpu.memref_slice %arg8[%dma_wait3A_219, %dma_wait3A_221, %dma_wait3A_222] : memref<2x16x200xf32, #tpu.memory_space<vmem>> -> memref<1x16x200xf32, #tpu.memory_space<vmem>>
      %dma_wait3A_224 = tpu.memref_squeeze %dma_wait3A_223 : memref<1x16x200xf32, #tpu.memory_space<vmem>> -> memref<16x200xf32, #tpu.memory_space<vmem>>
      %dma_wait3A_225 = arith.constant 0 : i32
      %dma_wait3A_226 = tpu.memref_slice %arg4[%add3A_218, %dma_wait3A_225] : memref<16384x200xf32, #tpu.memory_space<hbm>> -> memref<16x200xf32, #tpu.memory_space<hbm>>
      %dma_wait3A_227 = tpu.memref_slice %arg11[%dma_wait3A_220] : memref<2x!tpu.dma_semaphore, #tpu.memory_space<semaphore_mem>> -> memref<1x!tpu.dma_semaphore, #tpu.memory_space<semaphore_mem>>
      %dma_wait3A_228 = tpu.memref_squeeze %dma_wait3A_227 : memref<1x!tpu.dma_semaphore, #tpu.memory_space<semaphore_mem>> -> memref<!tpu.dma_semaphore, #tpu.memory_space<semaphore_mem>>
      %dma_wait3A_229 = arith.constant 0 : i32
      %dma_wait3A_230 = tpu.memref_slice %arg4[%add3A_218, %dma_wait3A_229] : memref<16384x200xf32, #tpu.memory_space<hbm>> -> memref<16x200xf32, #tpu.memory_space<hbm>>
      %dma_wait3A_231 = arith.constant 0 : i32
      %dma_wait3A_232 = arith.constant 0 : i32
      %dma_wait3A_233 = tpu.memref_slice %arg8[%dma_wait3A_219, %dma_wait3A_231, %dma_wait3A_232] : memref<2x16x200xf32, #tpu.memory_space<vmem>> -> memref<1x16x200xf32, #tpu.memory_space<vmem>>
      %dma_wait3A_234 = tpu.memref_squeeze %dma_wait3A_233 : memref<1x16x200xf32, #tpu.memory_space<vmem>> -> memref<16x200xf32, #tpu.memory_space<vmem>>
      tpu.wait_dma2 semaphore(%dma_wait3A_228 : memref<!tpu.dma_semaphore, #tpu.memory_space<semaphore_mem>>) src(%dma_wait3A_234 : memref<16x200xf32, #tpu.memory_space<vmem>>) dst(%dma_wait3A_230 : memref<16x200xf32, #tpu.memory_space<hbm>>)
      %parallel_loop3A_235 = arith.constant 0 : i32
      %parallel_loop3A_236 = arith.constant 16 : i32
      %parallel_loop3A_237 = arith.constant 1 : i32
      scf.for %parallel_loop3A_336 = %parallel_loop3A_235 to %parallel_loop3A_236 step %parallel_loop3A_237  : i32 {
        %parallel_loop3A_337 = arith.constant 0 : i32
        %parallel_loop3A_338 = arith.index_cast %parallel_loop3A_337 : i32 to index
        %parallel_loop3A_339 = arith.index_cast %parallel_loop3A_336 : i32 to index
        %parallel_loop3A_340 = arith.constant 0 : index
        %parallel_loop3A_341 = tpu.vector_load %arg7[%parallel_loop3A_338, %parallel_loop3A_339, %parallel_loop3A_340] {strides = array<i32>} : memref<2x16x200xi32, #tpu.memory_space<vmem>>, vector<16xi32>,
        %parallel_loop3A_342 = tpu.vector_load_idx %arg5[%parallel_loop3A_341] : memref<100000xf32, #tpu.memory_space<vmem>>[vector<16xi32>], vector<16xf32>,
        %parallel_loop3A_343 = arith.constant 0 : i32
        %parallel_loop3A_344 = arith.index_cast %parallel_loop3A_343 : i32 to index
        %parallel_loop3A_345 = arith.index_cast %parallel_loop3A_336 : i32 to index
        %parallel_loop3A_346 = arith.constant 0 : index
        %parallel_loop3A_347 = tpu.vector_load %arg8[%parallel_loop3A_344, %parallel_loop3A_345, %parallel_loop3A_346] {strides = array<i32>} : memref<2x16x200xf32, #tpu.memory_space<vmem>>, vector<16xf32>,
        tpu.vector_store %arg8[%parallel_loop3A_344, %parallel_loop3A_345, %parallel_loop3A_346], %parallel_loop3A_342 {strides = array<i32>} : memref<2x16x200xf32, #tpu.memory_space<vmem>>, vector<16xf32>,
        %parallel_loop3A_348 = arith.constant 0 : i32
        %parallel_loop3A_349 = arith.index_cast %parallel_loop3A_348 : i32 to index
        %parallel_loop3A_350 = arith.index_cast %parallel_loop3A_336 : i32 to index
        %parallel_loop3A_351 = arith.constant 16 : index
        %parallel_loop3A_352 = tpu.vector_load %arg7[%parallel_loop3A_349, %parallel_loop3A_350, %parallel_loop3A_351] {strides = array<i32>} : memref<2x16x200xi32, #tpu.memory_space<vmem>>, vector<16xi32>,
        %parallel_loop3A_353 = tpu.vector_load_idx %arg5[%parallel_loop3A_352] : memref<100000xf32, #tpu.memory_space<vmem>>[vector<16xi32>], vector<16xf32>,
        %parallel_loop3A_354 = arith.constant 0 : i32
        %parallel_loop3A_355 = arith.index_cast %parallel_loop3A_354 : i32 to index
        %parallel_loop3A_356 = arith.index_cast %parallel_loop3A_336 : i32 to index
        %parallel_loop3A_357 = arith.constant 16 : index
        %parallel_loop3A_358 = tpu.vector_load %arg8[%parallel_loop3A_355, %parallel_loop3A_356, %parallel_loop3A_357] {strides = array<i32>} : memref<2x16x200xf32, #tpu.memory_space<vmem>>, vector<16xf32>,
        tpu.vector_store %arg8[%parallel_loop3A_355, %parallel_loop3A_356, %parallel_loop3A_357], %parallel_loop3A_353 {strides = array<i32>} : memref<2x16x200xf32, #tpu.memory_space<vmem>>, vector<16xf32>,
        %parallel_loop3A_359 = arith.constant 0 : i32
        %parallel_loop3A_360 = arith.index_cast %parallel_loop3A_359 : i32 to index
        %parallel_loop3A_361 = arith.index_cast %parallel_loop3A_336 : i32 to index
        %parallel_loop3A_362 = arith.constant 32 : index
        %parallel_loop3A_363 = tpu.vector_load %arg7[%parallel_loop3A_360, %parallel_loop3A_361, %parallel_loop3A_362] {strides = array<i32>} : memref<2x16x200xi32, #tpu.memory_space<vmem>>, vector<16xi32>,
        %parallel_loop3A_364 = tpu.vector_load_idx %arg5[%parallel_loop3A_363] : memref<100000xf32, #tpu.memory_space<vmem>>[vector<16xi32>], vector<16xf32>,
        %parallel_loop3A_365 = arith.constant 0 : i32
        %parallel_loop3A_366 = arith.index_cast %parallel_loop3A_365 : i32 to index
        %parallel_loop3A_367 = arith.index_cast %parallel_loop3A_336 : i32 to index
        %parallel_loop3A_368 = arith.constant 32 : index
        %parallel_loop3A_369 = tpu.vector_load %arg8[%parallel_loop3A_366, %parallel_loop3A_367, %parallel_loop3A_368] {strides = array<i32>} : memref<2x16x200xf32, #tpu.memory_space<vmem>>, vector<16xf32>,
        tpu.vector_store %arg8[%parallel_loop3A_366, %parallel_loop3A_367, %parallel_loop3A_368], %parallel_loop3A_364 {strides = array<i32>} : memref<2x16x200xf32, #tpu.memory_space<vmem>>, vector<16xf32>,
        %parallel_loop3A_370 = arith.constant 0 : i32
        %parallel_loop3A_371 = arith.index_cast %parallel_loop3A_370 : i32 to index
        %parallel_loop3A_372 = arith.index_cast %parallel_loop3A_336 : i32 to index
        %parallel_loop3A_373 = arith.constant 48 : index
        %parallel_loop3A_374 = tpu.vector_load %arg7[%parallel_loop3A_371, %parallel_loop3A_372, %parallel_loop3A_373] {strides = array<i32>} : memref<2x16x200xi32, #tpu.memory_space<vmem>>, vector<16xi32>,
        %parallel_loop3A_375 = tpu.vector_load_idx %arg5[%parallel_loop3A_374] : memref<100000xf32, #tpu.memory_space<vmem>>[vector<16xi32>], vector<16xf32>,
        %parallel_loop3A_376 = arith.constant 0 : i32
        %parallel_loop3A_377 = arith.index_cast %parallel_loop3A_376 : i32 to index
        %parallel_loop3A_378 = arith.index_cast %parallel_loop3A_336 : i32 to index
        %parallel_loop3A_379 = arith.constant 48 : index
        %parallel_loop3A_380 = tpu.vector_load %arg8[%parallel_loop3A_377, %parallel_loop3A_378, %parallel_loop3A_379] {strides = array<i32>} : memref<2x16x200xf32, #tpu.memory_space<vmem>>, vector<16xf32>,
        tpu.vector_store %arg8[%parallel_loop3A_377, %parallel_loop3A_378, %parallel_loop3A_379], %parallel_loop3A_375 {strides = array<i32>} : memref<2x16x200xf32, #tpu.memory_space<vmem>>, vector<16xf32>,
        %parallel_loop3A_381 = arith.constant 0 : i32
        %parallel_loop3A_382 = arith.index_cast %parallel_loop3A_381 : i32 to index
        %parallel_loop3A_383 = arith.index_cast %parallel_loop3A_336 : i32 to index
        %parallel_loop3A_384 = arith.constant 64 : index
        %parallel_loop3A_385 = tpu.vector_load %arg7[%parallel_loop3A_382, %parallel_loop3A_383, %parallel_loop3A_384] {strides = array<i32>} : memref<2x16x200xi32, #tpu.memory_space<vmem>>, vector<16xi32>,
        %parallel_loop3A_386 = tpu.vector_load_idx %arg5[%parallel_loop3A_385] : memref<100000xf32, #tpu.memory_space<vmem>>[vector<16xi32>], vector<16xf32>,
        %parallel_loop3A_387 = arith.constant 0 : i32
        %parallel_loop3A_388 = arith.index_cast %parallel_loop3A_387 : i32 to index
        %parallel_loop3A_389 = arith.index_cast %parallel_loop3A_336 : i32 to index
        %parallel_loop3A_390 = arith.constant 64 : index
        %parallel_loop3A_391 = tpu.vector_load %arg8[%parallel_loop3A_388, %parallel_loop3A_389, %parallel_loop3A_390] {strides = array<i32>} : memref<2x16x200xf32, #tpu.memory_space<vmem>>, vector<16xf32>,
        tpu.vector_store %arg8[%parallel_loop3A_388, %parallel_loop3A_389, %parallel_loop3A_390], %parallel_loop3A_386 {strides = array<i32>} : memref<2x16x200xf32, #tpu.memory_space<vmem>>, vector<16xf32>,
        %parallel_loop3A_392 = arith.constant 0 : i32
        %parallel_loop3A_393 = arith.index_cast %parallel_loop3A_392 : i32 to index
        %parallel_loop3A_394 = arith.index_cast %parallel_loop3A_336 : i32 to index
        %parallel_loop3A_395 = arith.constant 80 : index
        %parallel_loop3A_396 = tpu.vector_load %arg7[%parallel_loop3A_393, %parallel_loop3A_394, %parallel_loop3A_395] {strides = array<i32>} : memref<2x16x200xi32, #tpu.memory_space<vmem>>, vector<16xi32>,
        %parallel_loop3A_397 = tpu.vector_load_idx %arg5[%parallel_loop3A_396] : memref<100000xf32, #tpu.memory_space<vmem>>[vector<16xi32>], vector<16xf32>,
        %parallel_loop3A_398 = arith.constant 0 : i32
        %parallel_loop3A_399 = arith.index_cast %parallel_loop3A_398 : i32 to index
        %parallel_loop3A_400 = arith.index_cast %parallel_loop3A_336 : i32 to index
        %parallel_loop3A_401 = arith.constant 80 : index
        %parallel_loop3A_402 = tpu.vector_load %arg8[%parallel_loop3A_399, %parallel_loop3A_400, %parallel_loop3A_401] {strides = array<i32>} : memref<2x16x200xf32, #tpu.memory_space<vmem>>, vector<16xf32>,
        tpu.vector_store %arg8[%parallel_loop3A_399, %parallel_loop3A_400, %parallel_loop3A_401], %parallel_loop3A_397 {strides = array<i32>} : memref<2x16x200xf32, #tpu.memory_space<vmem>>, vector<16xf32>,
        %parallel_loop3A_403 = arith.constant 0 : i32
        %parallel_loop3A_404 = arith.index_cast %parallel_loop3A_403 : i32 to index
        %parallel_loop3A_405 = arith.index_cast %parallel_loop3A_336 : i32 to index
        %parallel_loop3A_406 = arith.constant 96 : index
        %parallel_loop3A_407 = tpu.vector_load %arg7[%parallel_loop3A_404, %parallel_loop3A_405, %parallel_loop3A_406] {strides = array<i32>} : memref<2x16x200xi32, #tpu.memory_space<vmem>>, vector<16xi32>,
        %parallel_loop3A_408 = tpu.vector_load_idx %arg5[%parallel_loop3A_407] : memref<100000xf32, #tpu.memory_space<vmem>>[vector<16xi32>], vector<16xf32>,
        %parallel_loop3A_409 = arith.constant 0 : i32
        %parallel_loop3A_410 = arith.index_cast %parallel_loop3A_409 : i32 to index
        %parallel_loop3A_411 = arith.index_cast %parallel_loop3A_336 : i32 to index
        %parallel_loop3A_412 = arith.constant 96 : index
        %parallel_loop3A_413 = tpu.vector_load %arg8[%parallel_loop3A_410, %parallel_loop3A_411, %parallel_loop3A_412] {strides = array<i32>} : memref<2x16x200xf32, #tpu.memory_space<vmem>>, vector<16xf32>,
        tpu.vector_store %arg8[%parallel_loop3A_410, %parallel_loop3A_411, %parallel_loop3A_412], %parallel_loop3A_408 {strides = array<i32>} : memref<2x16x200xf32, #tpu.memory_space<vmem>>, vector<16xf32>,
        %parallel_loop3A_414 = arith.constant 0 : i32
        %parallel_loop3A_415 = arith.index_cast %parallel_loop3A_414 : i32 to index
        %parallel_loop3A_416 = arith.index_cast %parallel_loop3A_336 : i32 to index
        %parallel_loop3A_417 = arith.constant 112 : index
        %parallel_loop3A_418 = tpu.vector_load %arg7[%parallel_loop3A_415, %parallel_loop3A_416, %parallel_loop3A_417] {strides = array<i32>} : memref<2x16x200xi32, #tpu.memory_space<vmem>>, vector<16xi32>,
        %parallel_loop3A_419 = tpu.vector_load_idx %arg5[%parallel_loop3A_418] : memref<100000xf32, #tpu.memory_space<vmem>>[vector<16xi32>], vector<16xf32>,
        %parallel_loop3A_420 = arith.constant 0 : i32
        %parallel_loop3A_421 = arith.index_cast %parallel_loop3A_420 : i32 to index
        %parallel_loop3A_422 = arith.index_cast %parallel_loop3A_336 : i32 to index
        %parallel_loop3A_423 = arith.constant 112 : index
        %parallel_loop3A_424 = tpu.vector_load %arg8[%parallel_loop3A_421, %parallel_loop3A_422, %parallel_loop3A_423] {strides = array<i32>} : memref<2x16x200xf32, #tpu.memory_space<vmem>>, vector<16xf32>,
        tpu.vector_store %arg8[%parallel_loop3A_421, %parallel_loop3A_422, %parallel_loop3A_423], %parallel_loop3A_419 {strides = array<i32>} : memref<2x16x200xf32, #tpu.memory_space<vmem>>, vector<16xf32>,
        %parallel_loop3A_425 = arith.constant 0 : i32
        %parallel_loop3A_426 = arith.index_cast %parallel_loop3A_425 : i32 to index
        %parallel_loop3A_427 = arith.index_cast %parallel_loop3A_336 : i32 to index
        %parallel_loop3A_428 = arith.constant 128 : index
        %parallel_loop3A_429 = tpu.vector_load %arg7[%parallel_loop3A_426, %parallel_loop3A_427, %parallel_loop3A_428] {strides = array<i32>} : memref<2x16x200xi32, #tpu.memory_space<vmem>>, vector<16xi32>,
        %parallel_loop3A_430 = tpu.vector_load_idx %arg5[%parallel_loop3A_429] : memref<100000xf32, #tpu.memory_space<vmem>>[vector<16xi32>], vector<16xf32>,
        %parallel_loop3A_431 = arith.constant 0 : i32
        %parallel_loop3A_432 = arith.index_cast %parallel_loop3A_431 : i32 to index
        %parallel_loop3A_433 = arith.index_cast %parallel_loop3A_336 : i32 to index
        %parallel_loop3A_434 = arith.constant 128 : index
        %parallel_loop3A_435 = tpu.vector_load %arg8[%parallel_loop3A_432, %parallel_loop3A_433, %parallel_loop3A_434] {strides = array<i32>} : memref<2x16x200xf32, #tpu.memory_space<vmem>>, vector<16xf32>,
        tpu.vector_store %arg8[%parallel_loop3A_432, %parallel_loop3A_433, %parallel_loop3A_434], %parallel_loop3A_430 {strides = array<i32>} : memref<2x16x200xf32, #tpu.memory_space<vmem>>, vector<16xf32>,
        %parallel_loop3A_436 = arith.constant 0 : i32
        %parallel_loop3A_437 = arith.index_cast %parallel_loop3A_436 : i32 to index
        %parallel_loop3A_438 = arith.index_cast %parallel_loop3A_336 : i32 to index
        %parallel_loop3A_439 = arith.constant 144 : index
        %parallel_loop3A_440 = tpu.vector_load %arg7[%parallel_loop3A_437, %parallel_loop3A_438, %parallel_loop3A_439] {strides = array<i32>} : memref<2x16x200xi32, #tpu.memory_space<vmem>>, vector<16xi32>,
        %parallel_loop3A_441 = tpu.vector_load_idx %arg5[%parallel_loop3A_440] : memref<100000xf32, #tpu.memory_space<vmem>>[vector<16xi32>], vector<16xf32>,
        %parallel_loop3A_442 = arith.constant 0 : i32
        %parallel_loop3A_443 = arith.index_cast %parallel_loop3A_442 : i32 to index
        %parallel_loop3A_444 = arith.index_cast %parallel_loop3A_336 : i32 to index
        %parallel_loop3A_445 = arith.constant 144 : index
        %parallel_loop3A_446 = tpu.vector_load %arg8[%parallel_loop3A_443, %parallel_loop3A_444, %parallel_loop3A_445] {strides = array<i32>} : memref<2x16x200xf32, #tpu.memory_space<vmem>>, vector<16xf32>,
        tpu.vector_store %arg8[%parallel_loop3A_443, %parallel_loop3A_444, %parallel_loop3A_445], %parallel_loop3A_441 {strides = array<i32>} : memref<2x16x200xf32, #tpu.memory_space<vmem>>, vector<16xf32>,
        %parallel_loop3A_447 = arith.constant 0 : i32
        %parallel_loop3A_448 = arith.index_cast %parallel_loop3A_447 : i32 to index
        %parallel_loop3A_449 = arith.index_cast %parallel_loop3A_336 : i32 to index
        %parallel_loop3A_450 = arith.constant 160 : index
        %parallel_loop3A_451 = tpu.vector_load %arg7[%parallel_loop3A_448, %parallel_loop3A_449, %parallel_loop3A_450] {strides = array<i32>} : memref<2x16x200xi32, #tpu.memory_space<vmem>>, vector<16xi32>,
        %parallel_loop3A_452 = tpu.vector_load_idx %arg5[%parallel_loop3A_451] : memref<100000xf32, #tpu.memory_space<vmem>>[vector<16xi32>], vector<16xf32>,
        %parallel_loop3A_453 = arith.constant 0 : i32
        %parallel_loop3A_454 = arith.index_cast %parallel_loop3A_453 : i32 to index
        %parallel_loop3A_455 = arith.index_cast %parallel_loop3A_336 : i32 to index
        %parallel_loop3A_456 = arith.constant 160 : index
        %parallel_loop3A_457 = tpu.vector_load %arg8[%parallel_loop3A_454, %parallel_loop3A_455, %parallel_loop3A_456] {strides = array<i32>} : memref<2x16x200xf32, #tpu.memory_space<vmem>>, vector<16xf32>,
        tpu.vector_store %arg8[%parallel_loop3A_454, %parallel_loop3A_455, %parallel_loop3A_456], %parallel_loop3A_452 {strides = array<i32>} : memref<2x16x200xf32, #tpu.memory_space<vmem>>, vector<16xf32>,
        %parallel_loop3A_458 = arith.constant 0 : i32
        %parallel_loop3A_459 = arith.index_cast %parallel_loop3A_458 : i32 to index
        %parallel_loop3A_460 = arith.index_cast %parallel_loop3A_336 : i32 to index
        %parallel_loop3A_461 = arith.constant 176 : index
        %parallel_loop3A_462 = tpu.vector_load %arg7[%parallel_loop3A_459, %parallel_loop3A_460, %parallel_loop3A_461] {strides = array<i32>} : memref<2x16x200xi32, #tpu.memory_space<vmem>>, vector<16xi32>,
        %parallel_loop3A_463 = tpu.vector_load_idx %arg5[%parallel_loop3A_462] : memref<100000xf32, #tpu.memory_space<vmem>>[vector<16xi32>], vector<16xf32>,
        %parallel_loop3A_464 = arith.constant 0 : i32
        %parallel_loop3A_465 = arith.index_cast %parallel_loop3A_464 : i32 to index
        %parallel_loop3A_466 = arith.index_cast %parallel_loop3A_336 : i32 to index
        %parallel_loop3A_467 = arith.constant 176 : index
        %parallel_loop3A_468 = tpu.vector_load %arg8[%parallel_loop3A_465, %parallel_loop3A_466, %parallel_loop3A_467] {strides = array<i32>} : memref<2x16x200xf32, #tpu.memory_space<vmem>>, vector<16xf32>,
        tpu.vector_store %arg8[%parallel_loop3A_465, %parallel_loop3A_466, %parallel_loop3A_467], %parallel_loop3A_463 {strides = array<i32>} : memref<2x16x200xf32, #tpu.memory_space<vmem>>, vector<16xf32>,
        %parallel_loop3A_469 = arith.constant 0 : i32
        %parallel_loop3A_470 = arith.index_cast %parallel_loop3A_469 : i32 to index
        %parallel_loop3A_471 = arith.index_cast %parallel_loop3A_336 : i32 to index
        %parallel_loop3A_472 = arith.constant 184 : index
        %parallel_loop3A_473 = tpu.vector_load %arg7[%parallel_loop3A_470, %parallel_loop3A_471, %parallel_loop3A_472] {strides = array<i32>} : memref<2x16x200xi32, #tpu.memory_space<vmem>>, vector<16xi32>,
        %parallel_loop3A_474 = tpu.vector_load_idx %arg5[%parallel_loop3A_473] : memref<100000xf32, #tpu.memory_space<vmem>>[vector<16xi32>], vector<16xf32>,
        %parallel_loop3A_475 = arith.constant 0 : i32
        %parallel_loop3A_476 = arith.index_cast %parallel_loop3A_475 : i32 to index
        %parallel_loop3A_477 = arith.index_cast %parallel_loop3A_336 : i32 to index
        %parallel_loop3A_478 = arith.constant 184 : index
        %parallel_loop3A_479 = tpu.vector_load %arg8[%parallel_loop3A_476, %parallel_loop3A_477, %parallel_loop3A_478] {strides = array<i32>} : memref<2x16x200xf32, #tpu.memory_space<vmem>>, vector<16xf32>,
        tpu.vector_store %arg8[%parallel_loop3A_476, %parallel_loop3A_477, %parallel_loop3A_478], %parallel_loop3A_474 {strides = array<i32>} : memref<2x16x200xf32, #tpu.memory_space<vmem>>, vector<16xf32>,
      } {sc.loop_unroll_factor = 2 : i64, sc.parallel_access}
      %mul3A_238 = arith.constant 16 : i32
      %mul3A_239 = arith.muli %mul3A_195, %mul3A_238 : i32
      %add3A_240 = arith.addi %mul3A_2, %mul3A_239 : i32
      %dma_start3A_241 = arith.constant 0 : i32
      %dma_start3A_242 = arith.constant 0 : i32
      %dma_start3A_243 = arith.constant 0 : i32
      %dma_start3A_244 = arith.constant 0 : i32
      %dma_start3A_245 = tpu.memref_slice %arg8[%dma_start3A_241, %dma_start3A_243, %dma_start3A_244] : memref<2x16x200xf32, #tpu.memory_space<vmem>> -> memref<1x16x200xf32, #tpu.memory_space<vmem>>
      %dma_start3A_246 = tpu.memref_squeeze %dma_start3A_245 : memref<1x16x200xf32, #tpu.memory_space<vmem>> -> memref<16x200xf32, #tpu.memory_space<vmem>>
      %dma_start3A_247 = arith.constant 0 : i32
      %dma_start3A_248 = tpu.memref_slice %arg4[%add3A_240, %dma_start3A_247] : memref<16384x200xf32, #tpu.memory_space<hbm>> -> memref<16x200xf32, #tpu.memory_space<hbm>>
      %dma_start3A_249 = tpu.memref_slice %arg11[%dma_start3A_242] : memref<2x!tpu.dma_semaphore, #tpu.memory_space<semaphore_mem>> -> memref<1x!tpu.dma_semaphore, #tpu.memory_space<semaphore_mem>>
      %dma_start3A_250 = tpu.memref_squeeze %dma_start3A_249 : memref<1x!tpu.dma_semaphore, #tpu.memory_space<semaphore_mem>> -> memref<!tpu.dma_semaphore, #tpu.memory_space<semaphore_mem>>
      %dma_start3A_251 = arith.constant 0 : i32
      %dma_start3A_252 = tpu.memref_slice %arg4[%add3A_240, %dma_start3A_251] : memref<16384x200xf32, #tpu.memory_space<hbm>> -> memref<16x200xf32, #tpu.memory_space<hbm>>
      %dma_start3A_253 = arith.constant 0 : i32
      %dma_start3A_254 = arith.constant 0 : i32
      %dma_start3A_255 = tpu.memref_slice %arg8[%dma_start3A_241, %dma_start3A_253, %dma_start3A_254] : memref<2x16x200xf32, #tpu.memory_space<vmem>> -> memref<1x16x200xf32, #tpu.memory_space<vmem>>
      %dma_start3A_256 = tpu.memref_squeeze %dma_start3A_255 : memref<1x16x200xf32, #tpu.memory_space<vmem>> -> memref<16x200xf32, #tpu.memory_space<vmem>>
      tpu.enqueue_dma source(%dma_start3A_256 : memref<16x200xf32, #tpu.memory_space<vmem>>) target(%dma_start3A_252 : memref<16x200xf32, #tpu.memory_space<hbm>>) target_semaphore(%dma_start3A_250 : memref<!tpu.dma_semaphore, #tpu.memory_space<semaphore_mem>>)
      %add3A_257 = arith.constant 2 : i32
      %add3A_258 = arith.addi %mul3A_195, %add3A_257 : i32
      %lt3A = arith.constant 32 : i32
      %lt3A_259 = arith.cmpi slt, %add3A_258, %lt3A : i32
      %convert_element_type3A_260 = arith.extui %lt3A_259 : i1 to i32
      %cond3A_261 = arith.constant 0 : i32
      %cond3A_262 = arith.cmpi ne, %convert_element_type3A_260, %cond3A_261 : i32
      scf.if %cond3A_262 {
        %add3A_336 = arith.constant 2 : i32
        %add3A_337 = arith.addi %mul3A_195, %add3A_336 : i32
        %mul3A_338 = arith.constant 16 : i32
        %mul3A_339 = arith.muli %add3A_337, %mul3A_338 : i32
        %add3A_340 = arith.addi %mul3A_2, %mul3A_339 : i32
        %dma_start3A_341 = arith.constant 0 : i32
        %dma_start3A_342 = arith.constant 0 : i32
        %dma_start3A_343 = arith.constant 0 : i32
        %dma_start3A_344 = arith.constant 0 : i32
        %dma_start3A_345 = tpu.memref_slice %arg7[%dma_start3A_341, %dma_start3A_343, %dma_start3A_344] : memref<2x16x200xi32, #tpu.memory_space<vmem>> -> memref<1x16x200xi32, #tpu.memory_space<vmem>>
        %dma_start3A_346 = tpu.memref_squeeze %dma_start3A_345 : memref<1x16x200xi32, #tpu.memory_space<vmem>> -> memref<16x200xi32, #tpu.memory_space<vmem>>
        %dma_start3A_347 = arith.constant 0 : i32
        %dma_start3A_348 = tpu.memref_slice %arg3[%add3A_340, %dma_start3A_347] : memref<16384x200xi32, #tpu.memory_space<hbm>> -> memref<16x200xi32, #tpu.memory_space<hbm>>
        %dma_start3A_349 = tpu.memref_slice %arg10[%dma_start3A_342] : memref<2x!tpu.dma_semaphore, #tpu.memory_space<semaphore_mem>> -> memref<1x!tpu.dma_semaphore, #tpu.memory_space<semaphore_mem>>
        %dma_start3A_350 = tpu.memref_squeeze %dma_start3A_349 : memref<1x!tpu.dma_semaphore, #tpu.memory_space<semaphore_mem>> -> memref<!tpu.dma_semaphore, #tpu.memory_space<semaphore_mem>>
        %dma_start3A_351 = arith.constant 0 : i32
        %dma_start3A_352 = arith.constant 0 : i32
        %dma_start3A_353 = tpu.memref_slice %arg7[%dma_start3A_341, %dma_start3A_351, %dma_start3A_352] : memref<2x16x200xi32, #tpu.memory_space<vmem>> -> memref<1x16x200xi32, #tpu.memory_space<vmem>>
        %dma_start3A_354 = tpu.memref_squeeze %dma_start3A_353 : memref<1x16x200xi32, #tpu.memory_space<vmem>> -> memref<16x200xi32, #tpu.memory_space<vmem>>
        %dma_start3A_355 = arith.constant 0 : i32
        %dma_start3A_356 = tpu.memref_slice %arg3[%add3A_340, %dma_start3A_355] : memref<16384x200xi32, #tpu.memory_space<hbm>> -> memref<16x200xi32, #tpu.memory_space<hbm>>
        tpu.enqueue_dma source(%dma_start3A_356 : memref<16x200xi32, #tpu.memory_space<hbm>>) target(%dma_start3A_354 : memref<16x200xi32, #tpu.memory_space<vmem>>) target_semaphore(%dma_start3A_350 : memref<!tpu.dma_semaphore, #tpu.memory_space<semaphore_mem>>)
      } else {
      }
      %mul3A_263 = arith.constant 2 : i32
      %mul3A_264 = arith.muli %mul3A_263, %scan3A_193 : i32
      %add3A_265 = arith.constant 1 : i32
      %add3A_266 = arith.addi %mul3A_264, %add3A_265 : i32
      %mul3A_267 = arith.constant 16 : i32
      %mul3A_268 = arith.muli %add3A_266, %mul3A_267 : i32
      %add3A_269 = arith.addi %mul3A_2, %mul3A_268 : i32
      %dma_wait3A_270 = arith.constant 1 : i32
      %dma_wait3A_271 = arith.constant 1 : i32
      %dma_wait3A_272 = arith.constant 0 : i32
      %dma_wait3A_273 = arith.constant 0 : i32
      %dma_wait3A_274 = tpu.memref_slice %arg7[%dma_wait3A_270, %dma_wait3A_272, %dma_wait3A_273] : memref<2x16x200xi32, #tpu.memory_space<vmem>> -> memref<1x16x200xi32, #tpu.memory_space<vmem>>
      %dma_wait3A_275 = tpu.memref_squeeze %dma_wait3A_274 : memref<1x16x200xi32, #tpu.memory_space<vmem>> -> memref<16x200xi32, #tpu.memory_space<vmem>>
      %dma_wait3A_276 = arith.constant 0 : i32
      %dma_wait3A_277 = tpu.memref_slice %arg3[%add3A_269, %dma_wait3A_276] : memref<16384x200xi32, #tpu.memory_space<hbm>> -> memref<16x200xi32, #tpu.memory_space<hbm>>
      %dma_wait3A_278 = tpu.memref_slice %arg10[%dma_wait3A_271] : memref<2x!tpu.dma_semaphore, #tpu.memory_space<semaphore_mem>> -> memref<1x!tpu.dma_semaphore, #tpu.memory_space<semaphore_mem>>
      %dma_wait3A_279 = tpu.memref_squeeze %dma_wait3A_278 : memref<1x!tpu.dma_semaphore, #tpu.memory_space<semaphore_mem>> -> memref<!tpu.dma_semaphore, #tpu.memory_space<semaphore_mem>>
      %dma_wait3A_280 = arith.constant 0 : i32
      %dma_wait3A_281 = arith.constant 0 : i32
      %dma_wait3A_282 = tpu.memref_slice %arg7[%dma_wait3A_270, %dma_wait3A_280, %dma_wait3A_281] : memref<2x16x200xi32, #tpu.memory_space<vmem>> -> memref<1x16x200xi32, #tpu.memory_space<vmem>>
      %dma_wait3A_283 = tpu.memref_squeeze %dma_wait3A_282 : memref<1x16x200xi32, #tpu.memory_space<vmem>> -> memref<16x200xi32, #tpu.memory_space<vmem>>
      %dma_wait3A_284 = arith.constant 0 : i32
      %dma_wait3A_285 = tpu.memref_slice %arg3[%add3A_269, %dma_wait3A_284] : memref<16384x200xi32, #tpu.memory_space<hbm>> -> memref<16x200xi32, #tpu.memory_space<hbm>>
      tpu.wait_dma2 semaphore(%dma_wait3A_279 : memref<!tpu.dma_semaphore, #tpu.memory_space<semaphore_mem>>) src(%dma_wait3A_285 : memref<16x200xi32, #tpu.memory_space<hbm>>) dst(%dma_wait3A_283 : memref<16x200xi32, #tpu.memory_space<vmem>>)
      %sub3A_286 = arith.constant 2 : i32
      %sub3A_287 = arith.subi %add3A_266, %sub3A_286 : i32
      %mul3A_288 = arith.constant 16 : i32
      %mul3A_289 = arith.muli %sub3A_287, %mul3A_288 : i32
      %add3A_290 = arith.addi %mul3A_2, %mul3A_289 : i32
      %dma_wait3A_291 = arith.constant 1 : i32
      %dma_wait3A_292 = arith.constant 1 : i32
      %dma_wait3A_293 = arith.constant 0 : i32
      %dma_wait3A_294 = arith.constant 0 : i32
      %dma_wait3A_295 = tpu.memref_slice %arg8[%dma_wait3A_291, %dma_wait3A_293, %dma_wait3A_294] : memref<2x16x200xf32, #tpu.memory_space<vmem>> -> memref<1x16x200xf32, #tpu.memory_space<vmem>>
      %dma_wait3A_296 = tpu.memref_squeeze %dma_wait3A_295 : memref<1x16x200xf32, #tpu.memory_space<vmem>> -> memref<16x200xf32, #tpu.memory_space<vmem>>
      %dma_wait3A_297 = arith.constant 0 : i32
      %dma_wait3A_298 = tpu.memref_slice %arg4[%add3A_290, %dma_wait3A_297] : memref<16384x200xf32, #tpu.memory_space<hbm>> -> memref<16x200xf32, #tpu.memory_space<hbm>>
      %dma_wait3A_299 = tpu.memref_slice %arg11[%dma_wait3A_292] : memref<2x!tpu.dma_semaphore, #tpu.memory_space<semaphore_mem>> -> memref<1x!tpu.dma_semaphore, #tpu.memory_space<semaphore_mem>>
      %dma_wait3A_300 = tpu.memref_squeeze %dma_wait3A_299 : memref<1x!tpu.dma_semaphore, #tpu.memory_space<semaphore_mem>> -> memref<!tpu.dma_semaphore, #tpu.memory_space<semaphore_mem>>
      %dma_wait3A_301 = arith.constant 0 : i32
      %dma_wait3A_302 = tpu.memref_slice %arg4[%add3A_290, %dma_wait3A_301] : memref<16384x200xf32, #tpu.memory_space<hbm>> -> memref<16x200xf32, #tpu.memory_space<hbm>>
      %dma_wait3A_303 = arith.constant 0 : i32
      %dma_wait3A_304 = arith.constant 0 : i32
      %dma_wait3A_305 = tpu.memref_slice %arg8[%dma_wait3A_291, %dma_wait3A_303, %dma_wait3A_304] : memref<2x16x200xf32, #tpu.memory_space<vmem>> -> memref<1x16x200xf32, #tpu.memory_space<vmem>>
      %dma_wait3A_306 = tpu.memref_squeeze %dma_wait3A_305 : memref<1x16x200xf32, #tpu.memory_space<vmem>> -> memref<16x200xf32, #tpu.memory_space<vmem>>
      tpu.wait_dma2 semaphore(%dma_wait3A_300 : memref<!tpu.dma_semaphore, #tpu.memory_space<semaphore_mem>>) src(%dma_wait3A_306 : memref<16x200xf32, #tpu.memory_space<vmem>>) dst(%dma_wait3A_302 : memref<16x200xf32, #tpu.memory_space<hbm>>)
      %parallel_loop3A_307 = arith.constant 0 : i32
      %parallel_loop3A_308 = arith.constant 16 : i32
      %parallel_loop3A_309 = arith.constant 1 : i32
      scf.for %parallel_loop3A_336 = %parallel_loop3A_307 to %parallel_loop3A_308 step %parallel_loop3A_309  : i32 {
        %parallel_loop3A_337 = arith.constant 1 : i32
        %parallel_loop3A_338 = arith.index_cast %parallel_loop3A_337 : i32 to index
        %parallel_loop3A_339 = arith.index_cast %parallel_loop3A_336 : i32 to index
        %parallel_loop3A_340 = arith.constant 0 : index
        %parallel_loop3A_341 = tpu.vector_load %arg7[%parallel_loop3A_338, %parallel_loop3A_339, %parallel_loop3A_340] {strides = array<i32>} : memref<2x16x200xi32, #tpu.memory_space<vmem>>, vector<16xi32>,
        %parallel_loop3A_342 = tpu.vector_load_idx %arg5[%parallel_loop3A_341] : memref<100000xf32, #tpu.memory_space<vmem>>[vector<16xi32>], vector<16xf32>,
        %parallel_loop3A_343 = arith.constant 1 : i32
        %parallel_loop3A_344 = arith.index_cast %parallel_loop3A_343 : i32 to index
        %parallel_loop3A_345 = arith.index_cast %parallel_loop3A_336 : i32 to index
        %parallel_loop3A_346 = arith.constant 0 : index
        %parallel_loop3A_347 = tpu.vector_load %arg8[%parallel_loop3A_344, %parallel_loop3A_345, %parallel_loop3A_346] {strides = array<i32>} : memref<2x16x200xf32, #tpu.memory_space<vmem>>, vector<16xf32>,
        tpu.vector_store %arg8[%parallel_loop3A_344, %parallel_loop3A_345, %parallel_loop3A_346], %parallel_loop3A_342 {strides = array<i32>} : memref<2x16x200xf32, #tpu.memory_space<vmem>>, vector<16xf32>,
        %parallel_loop3A_348 = arith.constant 1 : i32
        %parallel_loop3A_349 = arith.index_cast %parallel_loop3A_348 : i32 to index
        %parallel_loop3A_350 = arith.index_cast %parallel_loop3A_336 : i32 to index
        %parallel_loop3A_351 = arith.constant 16 : index
        %parallel_loop3A_352 = tpu.vector_load %arg7[%parallel_loop3A_349, %parallel_loop3A_350, %parallel_loop3A_351] {strides = array<i32>} : memref<2x16x200xi32, #tpu.memory_space<vmem>>, vector<16xi32>,
        %parallel_loop3A_353 = tpu.vector_load_idx %arg5[%parallel_loop3A_352] : memref<100000xf32, #tpu.memory_space<vmem>>[vector<16xi32>], vector<16xf32>,
        %parallel_loop3A_354 = arith.constant 1 : i32
        %parallel_loop3A_355 = arith.index_cast %parallel_loop3A_354 : i32 to index
        %parallel_loop3A_356 = arith.index_cast %parallel_loop3A_336 : i32 to index
        %parallel_loop3A_357 = arith.constant 16 : index
        %parallel_loop3A_358 = tpu.vector_load %arg8[%parallel_loop3A_355, %parallel_loop3A_356, %parallel_loop3A_357] {strides = array<i32>} : memref<2x16x200xf32, #tpu.memory_space<vmem>>, vector<16xf32>,
        tpu.vector_store %arg8[%parallel_loop3A_355, %parallel_loop3A_356, %parallel_loop3A_357], %parallel_loop3A_353 {strides = array<i32>} : memref<2x16x200xf32, #tpu.memory_space<vmem>>, vector<16xf32>,
        %parallel_loop3A_359 = arith.constant 1 : i32
        %parallel_loop3A_360 = arith.index_cast %parallel_loop3A_359 : i32 to index
        %parallel_loop3A_361 = arith.index_cast %parallel_loop3A_336 : i32 to index
        %parallel_loop3A_362 = arith.constant 32 : index
        %parallel_loop3A_363 = tpu.vector_load %arg7[%parallel_loop3A_360, %parallel_loop3A_361, %parallel_loop3A_362] {strides = array<i32>} : memref<2x16x200xi32, #tpu.memory_space<vmem>>, vector<16xi32>,
        %parallel_loop3A_364 = tpu.vector_load_idx %arg5[%parallel_loop3A_363] : memref<100000xf32, #tpu.memory_space<vmem>>[vector<16xi32>], vector<16xf32>,
        %parallel_loop3A_365 = arith.constant 1 : i32
        %parallel_loop3A_366 = arith.index_cast %parallel_loop3A_365 : i32 to index
        %parallel_loop3A_367 = arith.index_cast %parallel_loop3A_336 : i32 to index
        %parallel_loop3A_368 = arith.constant 32 : index
        %parallel_loop3A_369 = tpu.vector_load %arg8[%parallel_loop3A_366, %parallel_loop3A_367, %parallel_loop3A_368] {strides = array<i32>} : memref<2x16x200xf32, #tpu.memory_space<vmem>>, vector<16xf32>,
        tpu.vector_store %arg8[%parallel_loop3A_366, %parallel_loop3A_367, %parallel_loop3A_368], %parallel_loop3A_364 {strides = array<i32>} : memref<2x16x200xf32, #tpu.memory_space<vmem>>, vector<16xf32>,
        %parallel_loop3A_370 = arith.constant 1 : i32
        %parallel_loop3A_371 = arith.index_cast %parallel_loop3A_370 : i32 to index
        %parallel_loop3A_372 = arith.index_cast %parallel_loop3A_336 : i32 to index
        %parallel_loop3A_373 = arith.constant 48 : index
        %parallel_loop3A_374 = tpu.vector_load %arg7[%parallel_loop3A_371, %parallel_loop3A_372, %parallel_loop3A_373] {strides = array<i32>} : memref<2x16x200xi32, #tpu.memory_space<vmem>>, vector<16xi32>,
        %parallel_loop3A_375 = tpu.vector_load_idx %arg5[%parallel_loop3A_374] : memref<100000xf32, #tpu.memory_space<vmem>>[vector<16xi32>], vector<16xf32>,
        %parallel_loop3A_376 = arith.constant 1 : i32
        %parallel_loop3A_377 = arith.index_cast %parallel_loop3A_376 : i32 to index
        %parallel_loop3A_378 = arith.index_cast %parallel_loop3A_336 : i32 to index
        %parallel_loop3A_379 = arith.constant 48 : index
        %parallel_loop3A_380 = tpu.vector_load %arg8[%parallel_loop3A_377, %parallel_loop3A_378, %parallel_loop3A_379] {strides = array<i32>} : memref<2x16x200xf32, #tpu.memory_space<vmem>>, vector<16xf32>,
        tpu.vector_store %arg8[%parallel_loop3A_377, %parallel_loop3A_378, %parallel_loop3A_379], %parallel_loop3A_375 {strides = array<i32>} : memref<2x16x200xf32, #tpu.memory_space<vmem>>, vector<16xf32>,
        %parallel_loop3A_381 = arith.constant 1 : i32
        %parallel_loop3A_382 = arith.index_cast %parallel_loop3A_381 : i32 to index
        %parallel_loop3A_383 = arith.index_cast %parallel_loop3A_336 : i32 to index
        %parallel_loop3A_384 = arith.constant 64 : index
        %parallel_loop3A_385 = tpu.vector_load %arg7[%parallel_loop3A_382, %parallel_loop3A_383, %parallel_loop3A_384] {strides = array<i32>} : memref<2x16x200xi32, #tpu.memory_space<vmem>>, vector<16xi32>,
        %parallel_loop3A_386 = tpu.vector_load_idx %arg5[%parallel_loop3A_385] : memref<100000xf32, #tpu.memory_space<vmem>>[vector<16xi32>], vector<16xf32>,
        %parallel_loop3A_387 = arith.constant 1 : i32
        %parallel_loop3A_388 = arith.index_cast %parallel_loop3A_387 : i32 to index
        %parallel_loop3A_389 = arith.index_cast %parallel_loop3A_336 : i32 to index
        %parallel_loop3A_390 = arith.constant 64 : index
        %parallel_loop3A_391 = tpu.vector_load %arg8[%parallel_loop3A_388, %parallel_loop3A_389, %parallel_loop3A_390] {strides = array<i32>} : memref<2x16x200xf32, #tpu.memory_space<vmem>>, vector<16xf32>,
        tpu.vector_store %arg8[%parallel_loop3A_388, %parallel_loop3A_389, %parallel_loop3A_390], %parallel_loop3A_386 {strides = array<i32>} : memref<2x16x200xf32, #tpu.memory_space<vmem>>, vector<16xf32>,
        %parallel_loop3A_392 = arith.constant 1 : i32
        %parallel_loop3A_393 = arith.index_cast %parallel_loop3A_392 : i32 to index
        %parallel_loop3A_394 = arith.index_cast %parallel_loop3A_336 : i32 to index
        %parallel_loop3A_395 = arith.constant 80 : index
        %parallel_loop3A_396 = tpu.vector_load %arg7[%parallel_loop3A_393, %parallel_loop3A_394, %parallel_loop3A_395] {strides = array<i32>} : memref<2x16x200xi32, #tpu.memory_space<vmem>>, vector<16xi32>,
        %parallel_loop3A_397 = tpu.vector_load_idx %arg5[%parallel_loop3A_396] : memref<100000xf32, #tpu.memory_space<vmem>>[vector<16xi32>], vector<16xf32>,
        %parallel_loop3A_398 = arith.constant 1 : i32
        %parallel_loop3A_399 = arith.index_cast %parallel_loop3A_398 : i32 to index
        %parallel_loop3A_400 = arith.index_cast %parallel_loop3A_336 : i32 to index
        %parallel_loop3A_401 = arith.constant 80 : index
        %parallel_loop3A_402 = tpu.vector_load %arg8[%parallel_loop3A_399, %parallel_loop3A_400, %parallel_loop3A_401] {strides = array<i32>} : memref<2x16x200xf32, #tpu.memory_space<vmem>>, vector<16xf32>,
        tpu.vector_store %arg8[%parallel_loop3A_399, %parallel_loop3A_400, %parallel_loop3A_401], %parallel_loop3A_397 {strides = array<i32>} : memref<2x16x200xf32, #tpu.memory_space<vmem>>, vector<16xf32>,
        %parallel_loop3A_403 = arith.constant 1 : i32
        %parallel_loop3A_404 = arith.index_cast %parallel_loop3A_403 : i32 to index
        %parallel_loop3A_405 = arith.index_cast %parallel_loop3A_336 : i32 to index
        %parallel_loop3A_406 = arith.constant 96 : index
        %parallel_loop3A_407 = tpu.vector_load %arg7[%parallel_loop3A_404, %parallel_loop3A_405, %parallel_loop3A_406] {strides = array<i32>} : memref<2x16x200xi32, #tpu.memory_space<vmem>>, vector<16xi32>,
        %parallel_loop3A_408 = tpu.vector_load_idx %arg5[%parallel_loop3A_407] : memref<100000xf32, #tpu.memory_space<vmem>>[vector<16xi32>], vector<16xf32>,
        %parallel_loop3A_409 = arith.constant 1 : i32
        %parallel_loop3A_410 = arith.index_cast %parallel_loop3A_409 : i32 to index
        %parallel_loop3A_411 = arith.index_cast %parallel_loop3A_336 : i32 to index
        %parallel_loop3A_412 = arith.constant 96 : index
        %parallel_loop3A_413 = tpu.vector_load %arg8[%parallel_loop3A_410, %parallel_loop3A_411, %parallel_loop3A_412] {strides = array<i32>} : memref<2x16x200xf32, #tpu.memory_space<vmem>>, vector<16xf32>,
        tpu.vector_store %arg8[%parallel_loop3A_410, %parallel_loop3A_411, %parallel_loop3A_412], %parallel_loop3A_408 {strides = array<i32>} : memref<2x16x200xf32, #tpu.memory_space<vmem>>, vector<16xf32>,
        %parallel_loop3A_414 = arith.constant 1 : i32
        %parallel_loop3A_415 = arith.index_cast %parallel_loop3A_414 : i32 to index
        %parallel_loop3A_416 = arith.index_cast %parallel_loop3A_336 : i32 to index
        %parallel_loop3A_417 = arith.constant 112 : index
        %parallel_loop3A_418 = tpu.vector_load %arg7[%parallel_loop3A_415, %parallel_loop3A_416, %parallel_loop3A_417] {strides = array<i32>} : memref<2x16x200xi32, #tpu.memory_space<vmem>>, vector<16xi32>,
        %parallel_loop3A_419 = tpu.vector_load_idx %arg5[%parallel_loop3A_418] : memref<100000xf32, #tpu.memory_space<vmem>>[vector<16xi32>], vector<16xf32>,
        %parallel_loop3A_420 = arith.constant 1 : i32
        %parallel_loop3A_421 = arith.index_cast %parallel_loop3A_420 : i32 to index
        %parallel_loop3A_422 = arith.index_cast %parallel_loop3A_336 : i32 to index
        %parallel_loop3A_423 = arith.constant 112 : index
        %parallel_loop3A_424 = tpu.vector_load %arg8[%parallel_loop3A_421, %parallel_loop3A_422, %parallel_loop3A_423] {strides = array<i32>} : memref<2x16x200xf32, #tpu.memory_space<vmem>>, vector<16xf32>,
        tpu.vector_store %arg8[%parallel_loop3A_421, %parallel_loop3A_422, %parallel_loop3A_423], %parallel_loop3A_419 {strides = array<i32>} : memref<2x16x200xf32, #tpu.memory_space<vmem>>, vector<16xf32>,
        %parallel_loop3A_425 = arith.constant 1 : i32
        %parallel_loop3A_426 = arith.index_cast %parallel_loop3A_425 : i32 to index
        %parallel_loop3A_427 = arith.index_cast %parallel_loop3A_336 : i32 to index
        %parallel_loop3A_428 = arith.constant 128 : index
        %parallel_loop3A_429 = tpu.vector_load %arg7[%parallel_loop3A_426, %parallel_loop3A_427, %parallel_loop3A_428] {strides = array<i32>} : memref<2x16x200xi32, #tpu.memory_space<vmem>>, vector<16xi32>,
        %parallel_loop3A_430 = tpu.vector_load_idx %arg5[%parallel_loop3A_429] : memref<100000xf32, #tpu.memory_space<vmem>>[vector<16xi32>], vector<16xf32>,
        %parallel_loop3A_431 = arith.constant 1 : i32
        %parallel_loop3A_432 = arith.index_cast %parallel_loop3A_431 : i32 to index
        %parallel_loop3A_433 = arith.index_cast %parallel_loop3A_336 : i32 to index
        %parallel_loop3A_434 = arith.constant 128 : index
        %parallel_loop3A_435 = tpu.vector_load %arg8[%parallel_loop3A_432, %parallel_loop3A_433, %parallel_loop3A_434] {strides = array<i32>} : memref<2x16x200xf32, #tpu.memory_space<vmem>>, vector<16xf32>,
        tpu.vector_store %arg8[%parallel_loop3A_432, %parallel_loop3A_433, %parallel_loop3A_434], %parallel_loop3A_430 {strides = array<i32>} : memref<2x16x200xf32, #tpu.memory_space<vmem>>, vector<16xf32>,
        %parallel_loop3A_436 = arith.constant 1 : i32
        %parallel_loop3A_437 = arith.index_cast %parallel_loop3A_436 : i32 to index
        %parallel_loop3A_438 = arith.index_cast %parallel_loop3A_336 : i32 to index
        %parallel_loop3A_439 = arith.constant 144 : index
        %parallel_loop3A_440 = tpu.vector_load %arg7[%parallel_loop3A_437, %parallel_loop3A_438, %parallel_loop3A_439] {strides = array<i32>} : memref<2x16x200xi32, #tpu.memory_space<vmem>>, vector<16xi32>,
        %parallel_loop3A_441 = tpu.vector_load_idx %arg5[%parallel_loop3A_440] : memref<100000xf32, #tpu.memory_space<vmem>>[vector<16xi32>], vector<16xf32>,
        %parallel_loop3A_442 = arith.constant 1 : i32
        %parallel_loop3A_443 = arith.index_cast %parallel_loop3A_442 : i32 to index
        %parallel_loop3A_444 = arith.index_cast %parallel_loop3A_336 : i32 to index
        %parallel_loop3A_445 = arith.constant 144 : index
        %parallel_loop3A_446 = tpu.vector_load %arg8[%parallel_loop3A_443, %parallel_loop3A_444, %parallel_loop3A_445] {strides = array<i32>} : memref<2x16x200xf32, #tpu.memory_space<vmem>>, vector<16xf32>,
        tpu.vector_store %arg8[%parallel_loop3A_443, %parallel_loop3A_444, %parallel_loop3A_445], %parallel_loop3A_441 {strides = array<i32>} : memref<2x16x200xf32, #tpu.memory_space<vmem>>, vector<16xf32>,
        %parallel_loop3A_447 = arith.constant 1 : i32
        %parallel_loop3A_448 = arith.index_cast %parallel_loop3A_447 : i32 to index
        %parallel_loop3A_449 = arith.index_cast %parallel_loop3A_336 : i32 to index
        %parallel_loop3A_450 = arith.constant 160 : index
        %parallel_loop3A_451 = tpu.vector_load %arg7[%parallel_loop3A_448, %parallel_loop3A_449, %parallel_loop3A_450] {strides = array<i32>} : memref<2x16x200xi32, #tpu.memory_space<vmem>>, vector<16xi32>,
        %parallel_loop3A_452 = tpu.vector_load_idx %arg5[%parallel_loop3A_451] : memref<100000xf32, #tpu.memory_space<vmem>>[vector<16xi32>], vector<16xf32>,
        %parallel_loop3A_453 = arith.constant 1 : i32
        %parallel_loop3A_454 = arith.index_cast %parallel_loop3A_453 : i32 to index
        %parallel_loop3A_455 = arith.index_cast %parallel_loop3A_336 : i32 to index
        %parallel_loop3A_456 = arith.constant 160 : index
        %parallel_loop3A_457 = tpu.vector_load %arg8[%parallel_loop3A_454, %parallel_loop3A_455, %parallel_loop3A_456] {strides = array<i32>} : memref<2x16x200xf32, #tpu.memory_space<vmem>>, vector<16xf32>,
        tpu.vector_store %arg8[%parallel_loop3A_454, %parallel_loop3A_455, %parallel_loop3A_456], %parallel_loop3A_452 {strides = array<i32>} : memref<2x16x200xf32, #tpu.memory_space<vmem>>, vector<16xf32>,
        %parallel_loop3A_458 = arith.constant 1 : i32
        %parallel_loop3A_459 = arith.index_cast %parallel_loop3A_458 : i32 to index
        %parallel_loop3A_460 = arith.index_cast %parallel_loop3A_336 : i32 to index
        %parallel_loop3A_461 = arith.constant 176 : index
        %parallel_loop3A_462 = tpu.vector_load %arg7[%parallel_loop3A_459, %parallel_loop3A_460, %parallel_loop3A_461] {strides = array<i32>} : memref<2x16x200xi32, #tpu.memory_space<vmem>>, vector<16xi32>,
        %parallel_loop3A_463 = tpu.vector_load_idx %arg5[%parallel_loop3A_462] : memref<100000xf32, #tpu.memory_space<vmem>>[vector<16xi32>], vector<16xf32>,
        %parallel_loop3A_464 = arith.constant 1 : i32
        %parallel_loop3A_465 = arith.index_cast %parallel_loop3A_464 : i32 to index
        %parallel_loop3A_466 = arith.index_cast %parallel_loop3A_336 : i32 to index
        %parallel_loop3A_467 = arith.constant 176 : index
        %parallel_loop3A_468 = tpu.vector_load %arg8[%parallel_loop3A_465, %parallel_loop3A_466, %parallel_loop3A_467] {strides = array<i32>} : memref<2x16x200xf32, #tpu.memory_space<vmem>>, vector<16xf32>,
        tpu.vector_store %arg8[%parallel_loop3A_465, %parallel_loop3A_466, %parallel_loop3A_467], %parallel_loop3A_463 {strides = array<i32>} : memref<2x16x200xf32, #tpu.memory_space<vmem>>, vector<16xf32>,
        %parallel_loop3A_469 = arith.constant 1 : i32
        %parallel_loop3A_470 = arith.index_cast %parallel_loop3A_469 : i32 to index
        %parallel_loop3A_471 = arith.index_cast %parallel_loop3A_336 : i32 to index
        %parallel_loop3A_472 = arith.constant 184 : index
        %parallel_loop3A_473 = tpu.vector_load %arg7[%parallel_loop3A_470, %parallel_loop3A_471, %parallel_loop3A_472] {strides = array<i32>} : memref<2x16x200xi32, #tpu.memory_space<vmem>>, vector<16xi32>,
        %parallel_loop3A_474 = tpu.vector_load_idx %arg5[%parallel_loop3A_473] : memref<100000xf32, #tpu.memory_space<vmem>>[vector<16xi32>], vector<16xf32>,
        %parallel_loop3A_475 = arith.constant 1 : i32
        %parallel_loop3A_476 = arith.index_cast %parallel_loop3A_475 : i32 to index
        %parallel_loop3A_477 = arith.index_cast %parallel_loop3A_336 : i32 to index
        %parallel_loop3A_478 = arith.constant 184 : index
        %parallel_loop3A_479 = tpu.vector_load %arg8[%parallel_loop3A_476, %parallel_loop3A_477, %parallel_loop3A_478] {strides = array<i32>} : memref<2x16x200xf32, #tpu.memory_space<vmem>>, vector<16xf32>,
        tpu.vector_store %arg8[%parallel_loop3A_476, %parallel_loop3A_477, %parallel_loop3A_478], %parallel_loop3A_474 {strides = array<i32>} : memref<2x16x200xf32, #tpu.memory_space<vmem>>, vector<16xf32>,
      } {sc.loop_unroll_factor = 2 : i64, sc.parallel_access}
      %mul3A_310 = arith.constant 16 : i32
      %mul3A_311 = arith.muli %add3A_266, %mul3A_310 : i32
      %add3A_312 = arith.addi %mul3A_2, %mul3A_311 : i32
      %dma_start3A_313 = arith.constant 1 : i32
      %dma_start3A_314 = arith.constant 1 : i32
      %dma_start3A_315 = arith.constant 0 : i32
      %dma_start3A_316 = arith.constant 0 : i32
      %dma_start3A_317 = tpu.memref_slice %arg8[%dma_start3A_313, %dma_start3A_315, %dma_start3A_316] : memref<2x16x200xf32, #tpu.memory_space<vmem>> -> memref<1x16x200xf32, #tpu.memory_space<vmem>>
      %dma_start3A_318 = tpu.memref_squeeze %dma_start3A_317 : memref<1x16x200xf32, #tpu.memory_space<vmem>> -> memref<16x200xf32, #tpu.memory_space<vmem>>
      %dma_start3A_319 = arith.constant 0 : i32
      %dma_start3A_320 = tpu.memref_slice %arg4[%add3A_312, %dma_start3A_319] : memref<16384x200xf32, #tpu.memory_space<hbm>> -> memref<16x200xf32, #tpu.memory_space<hbm>>
      %dma_start3A_321 = tpu.memref_slice %arg11[%dma_start3A_314] : memref<2x!tpu.dma_semaphore, #tpu.memory_space<semaphore_mem>> -> memref<1x!tpu.dma_semaphore, #tpu.memory_space<semaphore_mem>>
      %dma_start3A_322 = tpu.memref_squeeze %dma_start3A_321 : memref<1x!tpu.dma_semaphore, #tpu.memory_space<semaphore_mem>> -> memref<!tpu.dma_semaphore, #tpu.memory_space<semaphore_mem>>
      %dma_start3A_323 = arith.constant 0 : i32
      %dma_start3A_324 = tpu.memref_slice %arg4[%add3A_312, %dma_start3A_323] : memref<16384x200xf32, #tpu.memory_space<hbm>> -> memref<16x200xf32, #tpu.memory_space<hbm>>
      %dma_start3A_325 = arith.constant 0 : i32
      %dma_start3A_326 = arith.constant 0 : i32
      %dma_start3A_327 = tpu.memref_slice %arg8[%dma_start3A_313, %dma_start3A_325, %dma_start3A_326] : memref<2x16x200xf32, #tpu.memory_space<vmem>> -> memref<1x16x200xf32, #tpu.memory_space<vmem>>
      %dma_start3A_328 = tpu.memref_squeeze %dma_start3A_327 : memref<1x16x200xf32, #tpu.memory_space<vmem>> -> memref<16x200xf32, #tpu.memory_space<vmem>>
      tpu.enqueue_dma source(%dma_start3A_328 : memref<16x200xf32, #tpu.memory_space<vmem>>) target(%dma_start3A_324 : memref<16x200xf32, #tpu.memory_space<hbm>>) target_semaphore(%dma_start3A_322 : memref<!tpu.dma_semaphore, #tpu.memory_space<semaphore_mem>>)
      %add3A_329 = arith.constant 2 : i32
      %add3A_330 = arith.addi %add3A_266, %add3A_329 : i32
      %lt3A_331 = arith.constant 32 : i32
      %lt3A_332 = arith.cmpi slt, %add3A_330, %lt3A_331 : i32
      %convert_element_type3A_333 = arith.extui %lt3A_332 : i1 to i32
      %cond3A_334 = arith.constant 0 : i32
      %cond3A_335 = arith.cmpi ne, %convert_element_type3A_333, %cond3A_334 : i32
      scf.if %cond3A_335 {
        %add3A_336 = arith.constant 2 : i32
        %add3A_337 = arith.addi %add3A_266, %add3A_336 : i32
        %mul3A_338 = arith.constant 16 : i32
        %mul3A_339 = arith.muli %add3A_337, %mul3A_338 : i32
        %add3A_340 = arith.addi %mul3A_2, %mul3A_339 : i32
        %dma_start3A_341 = arith.constant 1 : i32
        %dma_start3A_342 = arith.constant 1 : i32
        %dma_start3A_343 = arith.constant 0 : i32
        %dma_start3A_344 = arith.constant 0 : i32
        %dma_start3A_345 = tpu.memref_slice %arg7[%dma_start3A_341, %dma_start3A_343, %dma_start3A_344] : memref<2x16x200xi32, #tpu.memory_space<vmem>> -> memref<1x16x200xi32, #tpu.memory_space<vmem>>
        %dma_start3A_346 = tpu.memref_squeeze %dma_start3A_345 : memref<1x16x200xi32, #tpu.memory_space<vmem>> -> memref<16x200xi32, #tpu.memory_space<vmem>>
        %dma_start3A_347 = arith.constant 0 : i32
        %dma_start3A_348 = tpu.memref_slice %arg3[%add3A_340, %dma_start3A_347] : memref<16384x200xi32, #tpu.memory_space<hbm>> -> memref<16x200xi32, #tpu.memory_space<hbm>>
        %dma_start3A_349 = tpu.memref_slice %arg10[%dma_start3A_342] : memref<2x!tpu.dma_semaphore, #tpu.memory_space<semaphore_mem>> -> memref<1x!tpu.dma_semaphore, #tpu.memory_space<semaphore_mem>>
        %dma_start3A_350 = tpu.memref_squeeze %dma_start3A_349 : memref<1x!tpu.dma_semaphore, #tpu.memory_space<semaphore_mem>> -> memref<!tpu.dma_semaphore, #tpu.memory_space<semaphore_mem>>
        %dma_start3A_351 = arith.constant 0 : i32
        %dma_start3A_352 = arith.constant 0 : i32
        %dma_start3A_353 = tpu.memref_slice %arg7[%dma_start3A_341, %dma_start3A_351, %dma_start3A_352] : memref<2x16x200xi32, #tpu.memory_space<vmem>> -> memref<1x16x200xi32, #tpu.memory_space<vmem>>
        %dma_start3A_354 = tpu.memref_squeeze %dma_start3A_353 : memref<1x16x200xi32, #tpu.memory_space<vmem>> -> memref<16x200xi32, #tpu.memory_space<vmem>>
        %dma_start3A_355 = arith.constant 0 : i32
        %dma_start3A_356 = tpu.memref_slice %arg3[%add3A_340, %dma_start3A_355] : memref<16384x200xi32, #tpu.memory_space<hbm>> -> memref<16x200xi32, #tpu.memory_space<hbm>>
        tpu.enqueue_dma source(%dma_start3A_356 : memref<16x200xi32, #tpu.memory_space<hbm>>) target(%dma_start3A_354 : memref<16x200xi32, #tpu.memory_space<vmem>>) target_semaphore(%dma_start3A_350 : memref<!tpu.dma_semaphore, #tpu.memory_space<semaphore_mem>>)
      } else {
      }
    }
    %scan3A_156 = arith.constant 15 : i32
    %add3A_157 = arith.constant 480 : i32
    %add3A_158 = arith.addi %mul3A_2, %add3A_157 : i32
    %dma_wait3A_159 = arith.constant 0 : i32
    %dma_wait3A_160 = arith.constant 0 : i32
    %dma_wait3A_161 = arith.constant 0 : i32
    %dma_wait3A_162 = arith.constant 0 : i32
    %dma_wait3A_163 = tpu.memref_slice %arg8[%dma_wait3A_159, %dma_wait3A_161, %dma_wait3A_162] : memref<2x16x200xf32, #tpu.memory_space<vmem>> -> memref<1x16x200xf32, #tpu.memory_space<vmem>>
    %dma_wait3A_164 = tpu.memref_squeeze %dma_wait3A_163 : memref<1x16x200xf32, #tpu.memory_space<vmem>> -> memref<16x200xf32, #tpu.memory_space<vmem>>
    %dma_wait3A_165 = arith.constant 0 : i32
    %dma_wait3A_166 = tpu.memref_slice %arg4[%add3A_158, %dma_wait3A_165] : memref<16384x200xf32, #tpu.memory_space<hbm>> -> memref<16x200xf32, #tpu.memory_space<hbm>>
    %dma_wait3A_167 = tpu.memref_slice %arg11[%dma_wait3A_160] : memref<2x!tpu.dma_semaphore, #tpu.memory_space<semaphore_mem>> -> memref<1x!tpu.dma_semaphore, #tpu.memory_space<semaphore_mem>>
    %dma_wait3A_168 = tpu.memref_squeeze %dma_wait3A_167 : memref<1x!tpu.dma_semaphore, #tpu.memory_space<semaphore_mem>> -> memref<!tpu.dma_semaphore, #tpu.memory_space<semaphore_mem>>
    %dma_wait3A_169 = arith.constant 0 : i32
    %dma_wait3A_170 = tpu.memref_slice %arg4[%add3A_158, %dma_wait3A_169] : memref<16384x200xf32, #tpu.memory_space<hbm>> -> memref<16x200xf32, #tpu.memory_space<hbm>>
    %dma_wait3A_171 = arith.constant 0 : i32
    %dma_wait3A_172 = arith.constant 0 : i32
    %dma_wait3A_173 = tpu.memref_slice %arg8[%dma_wait3A_159, %dma_wait3A_171, %dma_wait3A_172] : memref<2x16x200xf32, #tpu.memory_space<vmem>> -> memref<1x16x200xf32, #tpu.memory_space<vmem>>
    %dma_wait3A_174 = tpu.memref_squeeze %dma_wait3A_173 : memref<1x16x200xf32, #tpu.memory_space<vmem>> -> memref<16x200xf32, #tpu.memory_space<vmem>>
    tpu.wait_dma2 semaphore(%dma_wait3A_168 : memref<!tpu.dma_semaphore, #tpu.memory_space<semaphore_mem>>) src(%dma_wait3A_174 : memref<16x200xf32, #tpu.memory_space<vmem>>) dst(%dma_wait3A_170 : memref<16x200xf32, #tpu.memory_space<hbm>>)
    %add3A_175 = arith.constant 496 : i32
    %add3A_176 = arith.addi %mul3A_2, %add3A_175 : i32
    %dma_wait3A_177 = arith.constant 1 : i32
    %dma_wait3A_178 = arith.constant 1 : i32
    %dma_wait3A_179 = arith.constant 0 : i32
    %dma_wait3A_180 = arith.constant 0 : i32
    %dma_wait3A_181 = tpu.memref_slice %arg8[%dma_wait3A_177, %dma_wait3A_179, %dma_wait3A_180] : memref<2x16x200xf32, #tpu.memory_space<vmem>> -> memref<1x16x200xf32, #tpu.memory_space<vmem>>
    %dma_wait3A_182 = tpu.memref_squeeze %dma_wait3A_181 : memref<1x16x200xf32, #tpu.memory_space<vmem>> -> memref<16x200xf32, #tpu.memory_space<vmem>>
    %dma_wait3A_183 = arith.constant 0 : i32
    %dma_wait3A_184 = tpu.memref_slice %arg4[%add3A_176, %dma_wait3A_183] : memref<16384x200xf32, #tpu.memory_space<hbm>> -> memref<16x200xf32, #tpu.memory_space<hbm>>
    %dma_wait3A_185 = tpu.memref_slice %arg11[%dma_wait3A_178] : memref<2x!tpu.dma_semaphore, #tpu.memory_space<semaphore_mem>> -> memref<1x!tpu.dma_semaphore, #tpu.memory_space<semaphore_mem>>
    %dma_wait3A_186 = tpu.memref_squeeze %dma_wait3A_185 : memref<1x!tpu.dma_semaphore, #tpu.memory_space<semaphore_mem>> -> memref<!tpu.dma_semaphore, #tpu.memory_space<semaphore_mem>>
    %dma_wait3A_187 = arith.constant 0 : i32
    %dma_wait3A_188 = tpu.memref_slice %arg4[%add3A_176, %dma_wait3A_187] : memref<16384x200xf32, #tpu.memory_space<hbm>> -> memref<16x200xf32, #tpu.memory_space<hbm>>
    %dma_wait3A_189 = arith.constant 0 : i32
    %dma_wait3A_190 = arith.constant 0 : i32
    %dma_wait3A_191 = tpu.memref_slice %arg8[%dma_wait3A_177, %dma_wait3A_189, %dma_wait3A_190] : memref<2x16x200xf32, #tpu.memory_space<vmem>> -> memref<1x16x200xf32, #tpu.memory_space<vmem>>
    %dma_wait3A_192 = tpu.memref_squeeze %dma_wait3A_191 : memref<1x16x200xf32, #tpu.memory_space<vmem>> -> memref<16x200xf32, #tpu.memory_space<vmem>>
    tpu.wait_dma2 semaphore(%dma_wait3A_186 : memref<!tpu.dma_semaphore, #tpu.memory_space<semaphore_mem>>) src(%dma_wait3A_192 : memref<16x200xf32, #tpu.memory_space<vmem>>) dst(%dma_wait3A_188 : memref<16x200xf32, #tpu.memory_space<hbm>>)
    return
  }
}

module attributes {stable_mosaic.version = 14 : i64} {
  func.func @_softmax_body(%arg0: memref<100000xf32, #tpu.memory_space<vmem>>, %arg1: memref<100000xf32, #tpu.memory_space<vmem>>) attributes {dimension_semantics = [], scalar_prefetch = 0 : i64, scratch_operands = 0 : i64, tpu.core_type = #tpu.core_type<tc>} {
    %get3A = arith.constant 0 : index
    %get3A_0 = vector.load %arg0[%get3A] : memref<100000xf32, #tpu.memory_space<vmem>>, vector<100000xf32>
    %reduce_max3A = vector.shape_cast %get3A_0 : vector<100000xf32> to vector<1x100000xf32>
    %reduce_max3A_1 = arith.constant dense<0xFF800000> : vector<1xf32>
    %reduce_max3A_2 = vector.multi_reduction <maximumf>, %reduce_max3A, %reduce_max3A_1 [1] : vector<1x100000xf32> to vector<1xf32>
    %reduce_max3A_3 = vector.shape_cast %reduce_max3A_2 : vector<1xf32> to vector<1x1xf32>
    %reduce_max3A_4 = vector.extract %reduce_max3A_3[0, 0] : f32 from vector<1x1xf32>
    %sub3A = vector.broadcast %reduce_max3A_4 : f32 to vector<100000xf32>
    %sub3A_5 = arith.subf %get3A_0, %sub3A : vector<100000xf32>
    %exp3A = math.exp %sub3A_5 : vector<100000xf32>
    %reduce_sum3A = vector.shape_cast %exp3A : vector<100000xf32> to vector<1x100000xf32>
    %reduce_sum3A_6 = arith.constant dense<0.000000e+00> : vector<1xf32>
    %reduce_sum3A_7 = vector.multi_reduction <add>, %reduce_sum3A, %reduce_sum3A_6 [1] : vector<1x100000xf32> to vector<1xf32>
    %reduce_sum3A_8 = vector.shape_cast %reduce_sum3A_7 : vector<1xf32> to vector<1x1xf32>
    %reduce_sum3A_9 = vector.extract %reduce_sum3A_8[0, 0] : f32 from vector<1x1xf32>
    %div3A = vector.broadcast %reduce_sum3A_9 : f32 to vector<100000xf32>
    %div3A_10 = arith.divf %exp3A, %div3A : vector<100000xf32>
    %swap3A = arith.constant 0 : index
    %swap3A_11 = vector.load %arg1[%swap3A] : memref<100000xf32, #tpu.memory_space<vmem>>, vector<100000xf32>
    tpu.vector_store %arg1[%swap3A], %div3A_10 {strides = array<i32>} : memref<100000xf32, #tpu.memory_space<vmem>>, vector<100000xf32>,
    return
  }
}

</mosaic_0001>

<sc_bundles>
// kernel: kernel.4.cloned.1.call-start
scs
__scs_entry_jumppad:
0x0: {  	(pc) =	sbr.rel $0x88, $3  }
0x1: {  	(tag) =	ssettag $0x0;
	lr =	simm.s32 $0x1  }
0x2: {  	[smem:$0x3F9F] =	sst lr;
	_ =	strace $0xD0000000  }
0x3: {  	_ = 	snop  }
0x4: {  	_ = 	snop  }
0x5: {  	_ = 	snop  }
0x6: {  	_ = 	snop  }
0x7: {  	_ = 	snop  }
__scs_overlays_trampoline_lowered:
0x8: {  	[smem:$0x3FAE] =	sst s0  }
0x9: {  	[smem:$0x3FAF] =	sst s1  }
0xa: {  	[smem:$0x3FB0] =	sst s2  }
0xb: {  	[smem:$0x3FB1] =	sst s3  }
0xc: {  	[smem:$0x3FB2] =	sst s4  }
0xd: {  	[smem:$0x3FB3] =	sst s5  }
0xe: {  	[smem:$0x3FB4] =	sst s6  }
0xf: {  	[smem:$0x3FB5] =	sst s7  }
0x10: {  	[smem:$0x3FB6] =	sst s8  }
0x11: {  	[smem:$0x3FB7] =	sst s9;
	s0 =	simm.s32 @!p0 $0x0  }
0x12: {  	s1 =	sld [smem:$0x3F9D];
	s0 =	simm.s32 @p0 $0x1  }
0x13: {  	[smem:$0x3FB8] =	sst s0;
	s0 =	simm.s32 @!p1 $0x0  }
0x14: {  	s2 =	sld [smem:$0x3F9C];
	s0 =	simm.s32 @p1 $0x1  }
0x15: {  	[smem:$0x3FB9] =	sst s0;
	s0 =	simm.s32 @!p2 $0x0  }
0x16: {  	s3 =	sld [smem:$0x3FDB];
	s0 =	simm.s32 @p2 $0x1  }
0x17: {  	s4 =	simm.s32 $0x1BF5;
	[smem:$0x3FBB] =	sst s0  }
0x18: {  	s0 =	sld [smem:$0x3F9E];
	_ =	swait.ge [sflag:s4], $0x0  }
0x19: {  	s7 =	sld [smem:$0x3F9F]  }
0x1a: {  	s8 =	sadd.s32 $0xFFFFE003, lr  }
0x1b: {  	s9 =	sadd.s32 $0xFFFFFEF7, lr;
	s5 =	simm.s32 $0xFFFFFFFF;
	p2 =	slt.u32 s8, $0xFFFFF086  }
0x1c: {  	p1 =	slt.u32 s9, $0xF7A;
	s5 =	simm.s32 @!p2 $0x0  }
0x1d: {  	s5 =	simm.s32 @p1 $0x1;
	p0 =	seq.s32 s7, s2  }
0x1e: {  	s7 =	smul.u32 @!p0 $0xF7A, s2;
	p2 =	seq.s32 @!p0 s5, $0x0  }
0x1f: {  	s9 =	smul.u32 $0xF7A, s1;
	s8 =	simm.s32 @!p0 $0x1BF5;
	p2 =	por !p2, p0  }
0x20: {  	[sflag:s8] =	ssyncset.s32 @!p0 $0xFFFFF086;
	s6 =	sadd.s32 @!p0 s3, s7;
	s7 =	simm.s32 @!p0 $0x108  }
0x21: {  	s3 =	sadd.s32 s3, s9;
	s6 =	sadd.s32 @!p0 $0x88, s6;
	s7 =	simm.s32 @p2 $0x1082  }
0x22: {  	[simem:s7], [sflag:s8] =	dma.local @!p0 [hbm:s6], $0xF7A  }
0x23: {  	s9 =	sor.u32 $0xD0000000, s2;
	s6 =	simm.s32 $0x108;
	_ =	swait.ge @!p0 [sflag:s8], $0x0  }
0x24: {  	s3 =	sadd.s32 $0x88, s3;
	s6 =	simm.s32 @!p1 $0x1082;
	[sflag:s4] =	ssyncset.s32 $0xFFFFF086  }
0x25: {  	[simem:s6], [sflag:s4] =	dma.local [hbm:s3], $0xF7A  }
0x26: {  	[smem:$0x3F9F] =	sst s1;
	(tag) =	ssettag s2;
	_ =	strace s9  }
0x27: {  	s1 =	sld [smem:$0x3FAF]  }
0x28: {  	s2 =	sld [smem:$0x3FB0]  }
0x29: {  	s4 =	sld [smem:$0x3FB2]  }
0x2a: {  	p0 =	seq.s32 s5, $0x0;
	s5 =	sld [smem:$0x3FB3]  }
0x2b: {  	s6 =	sld [smem:$0x3FB4]  }
0x2c: {  	s7 =	sld [smem:$0x3FB5]  }
0x2d: {  	s3 =	simm.s32 $0x108;
	s8 =	sld [smem:$0x3FB6]  }
0x2e: {  	s3 =	simm.s32 @!p0 $0x1082;
	s9 =	sld [smem:$0x3FB7]  }
0x2f: {  	lr =	sadd.s32 s0, s3;
	s0 =	sld [smem:$0x3FAE]  }
0x30: {  	s3 =	sld [smem:$0x3FB1]  }
0x31: {  	[smem:$0x3FBA] =	sst s10  }
0x32: {  	s10 =	sld [smem:$0x3FB8];
	_ =	sdelay $0x3  }
0x33: {  	p0 =	seq.s32 s10, $0x1;
	s10 =	sld [smem:$0x3FBA];
	_ =	sdelay $0x3  }
0x34: {  	[smem:$0x3FBA] =	sst s10  }
0x35: {  	s10 =	sld [smem:$0x3FB9];
	_ =	sdelay $0x3  }
0x36: {  	p1 =	seq.s32 s10, $0x1;
	s10 =	sld [smem:$0x3FBA];
	_ =	sdelay $0x3  }
0x37: {  	[smem:$0x3FBA] =	sst s10  }
0x38: {  	s10 =	sld [smem:$0x3FBB]  }
0x39: {  	_ = 	snop;
	(pc) =	sbr.ind lr, $3  }
0x3a: {  	_ = 	snop  }
0x3b: {  	_ = 	snop  }
0x3c: {  	p2 =	seq.s32 s10, $0x1;
	s10 =	sld [smem:$0x3FBA]  }
0x3d: {  	_ =	shalt  }
0x3e: {  	_ =	shalt  }
0x3f: {  	_ =	shalt  }
0x40: {  	_ =	shalt  }
0x41: {  	_ =	shalt  }
0x42: {  	_ =	shalt  }
0x43: {  	_ =	shalt  }
0x44: {  	_ =	shalt  }
0x45: {  	_ =	shalt  }
0x46: {  	_ =	shalt  }
0x47: {  	_ =	shalt  }
0x48: {  	_ =	shalt  }
0x49: {  	_ =	shalt  }
0x4a: {  	_ =	shalt  }
0x4b: {  	_ =	shalt  }
0x4c: {  	_ =	shalt  }
0x4d: {  	_ =	shalt  }
0x4e: {  	_ =	shalt  }
0x4f: {  	_ =	shalt  }
0x50: {  	_ =	shalt  }
0x51: {  	_ =	shalt  }
0x52: {  	_ =	shalt  }
0x53: {  	_ =	shalt  }
0x54: {  	_ =	shalt  }
0x55: {  	_ =	shalt  }
0x56: {  	_ =	shalt  }
0x57: {  	_ =	shalt  }
0x58: {  	_ =	shalt  }
0x59: {  	_ =	shalt  }
0x5a: {  	_ =	shalt  }
0x5b: {  	_ =	shalt  }
0x5c: {  	_ =	shalt  }
0x5d: {  	_ =	shalt  }
0x5e: {  	_ =	shalt  }
0x5f: {  	_ =	shalt  }
0x60: {  	_ =	shalt  }
0x61: {  	_ =	shalt  }
0x62: {  	_ =	shalt  }
0x63: {  	_ =	shalt  }
0x64: {  	_ =	shalt  }
0x65: {  	_ =	shalt  }
0x66: {  	_ =	shalt  }
0x67: {  	_ =	shalt  }
0x68: {  	_ =	shalt  }
0x69: {  	_ =	shalt  }
0x6a: {  	_ =	shalt  }
0x6b: {  	_ =	shalt  }
0x6c: {  	_ =	shalt  }
0x6d: {  	_ =	shalt  }
0x6e: {  	_ =	shalt  }
0x6f: {  	_ =	shalt  }
0x70: {  	_ =	shalt  }
0x71: {  	_ =	shalt  }
0x72: {  	_ =	shalt  }
0x73: {  	_ =	shalt  }
0x74: {  	_ =	shalt  }
0x75: {  	_ =	shalt  }
0x76: {  	_ =	shalt  }
0x77: {  	_ =	shalt  }
0x78: {  	_ =	shalt  }
0x79: {  	_ =	shalt  }
0x7a: {  	_ =	shalt  }
0x7b: {  	_ =	shalt  }
0x7c: {  	_ =	shalt  }
0x7d: {  	_ =	shalt  }
0x7e: {  	_ =	shalt  }
0x7f: {  	_ =	shalt  }
0x80: {  	_ =	shalt  }
0x81: {  	_ =	shalt  }
0x82: {  	_ =	shalt  }
0x83: {  	_ =	shalt  }
0x84: {  	_ =	shalt  }
0x85: {  	_ =	shalt  }
0x86: {  	_ =	shalt  }
0x87: {  	_ =	shalt  }
.Lfunc_end0:
.L_simem_size_0:
called_computation_lowered:
.L_overlay_start_0:
0x88: {  	s2 =	sld [smem:$0x3FD9]  }
0x89: {  	s3 =	sld [smem:$0x3FFE];
	_ =	sdelay $0x1  }
0x8a: {  	s1 =	srdreg.scid  }
0x8b: {  	s0 =	sand.u32 $0x1, s1  }
0x8c: {  	s17 =	sshll.u32 s0, $0xA;
	s2 =	sadd.s32 s3, s2  }
0x8d: {  	s2 =	sadd.s32 s2, s17  }
0x8e: {  	[smem:$0x3FC6] =	sst s2  }
0x8f: {  	_ = 	snop  }
0x90: {  	s2 =	sld [smem:$0x3FD0];
	(tm) =	ssettm $0x1  }
0x91: {  	s18 =	sld [smem:$0x3FFB];
	_ =	sdelay $0x3  }
0x92: {  	_ =	strace s18  }
0x93: {  	s3 =	sld [smem:$0x3FFC];
	_ =	sdelay $0x3  }
0x94: {  	_ =	strace s3  }
0x95: {  	s3 =	sld [smem:$0x3FFD];
	_ =	sdelay $0x3  }
0x96: {  	_ =	strace s3  }
0x97: {  	_ =	strace $0x8FFFFFFF  }
0x98: {  	s19 =	sld [smem:$0x3FDB];
	_ =	sdelay $0x1  }
0x99: {  	s4 =	simm.s32 $_scs_section_size  }
0x9a: {  	s5 =	simm.s32 $_size__tile_overlayer_lowered;
	s6 =	simm.s32 $_tile_overlayer_lowered  }
0x9b: {  	s22 =	simm.s32 $0x1BFF;
	s21 =	sshll.u32 s6, $0x1;
	s3 =	sadd.s32 s4, s19  }
0x9c: {  	s7 =	simm.s32 $0x0;
	s20 =	sshll.u32 s5, $0x1;
	s5 =	sadd.s32 s21, s3  }
0x9d: {  	[timem:s7], [sflag:s22] =	dma.local [hbm:s5], s20  }
0x9e: {  	_ =	swait.ge [sflag:s22], s20  }
0x9f: {  	s4 =	ssub.s32 $0x0, s20;
	[sflag:s22] =	ssyncset.done $0x0  }
0xa0: {  	[sflag:s22] =	ssyncadd.s32 s4;
	_ =	sdelay $0x1  }
0xa1: {  	s23 =	simm.s32 $0x1B8B  }
0xa2: {  	_ =	swait.ge [sflag:s23], $0x1  }
0xa3: {  	[sflag:s23] =	ssyncset.done $0x0  }
0xa4: {  	s25 =	simm.s32 $0x1B8E;
	s24 =	sld [smem:$0x3FFE];
	[sflag:s23] =	ssyncadd.s32 $0xFFFFFFFF  }
0xa5: {  	s26 =	simm.s32 $execute0_lowered;
	[smem:$0x3FD2] =	sst s25  }
0xa6: {  	s5 =	sshll.u32 s26, $0x1;
	_ =	strace $0x80000046;
	[dreg:$0x1] =	wrdreg $0xFFFFFFFF  }
0xa7: {  	s28 =	simm.s32 $_size_execute0_lowered;
	s3 =	sadd.s32 s3, s5;
	[dreg:$0x0] =	wrdreg $0x0  }
0xa8: {  	s5 =	sshll.u32 s28, $0x1;
	[dreg:$0x2] =	wrdreg s3  }
0xa9: {  	[dreg:$0x3] =	wrdreg s5  }
0xaa: {  	[dreg:$0x4] =	wrdreg $0xC0  }
0xab: {  	_ =	task [dreg:s7], $0x5FFFF  }
0xac: {  	[dreg:$0x1] =	wrdreg $0xFFFFFFFF  }
0xad: {  	[dreg:$0x0] =	wrdreg $0x60  }
0xae: {  	[dreg:$0x2] =	wrdreg s2  }
0xaf: {  	[dreg:$0x3] =	wrdreg s24  }
0xb0: {  	[dreg:$0x4] =	wrdreg $0x187000  }
0xb1: {  	[dreg:$0x5] =	wrdreg $0x9  }
0xb2: {  	_ =	task.clear_ibuf [dreg:s7], $0x6FFFF;
	_ =	strace $0x90000046  }
0xb3: {  	s29 =	simm.s32 $0x9;
	_ =	strace $0x80000048  }
0xb4: {  	_ =	swait.ge [sflag:s29], $0x1  }
0xb5: {  	[sflag:s29] =	ssyncadd.s32 $0xFFFFFFFF  }
0xb6: {  	_ =	strace $0x90000048  }
0xb7: {  	_ =	sfence  }
0xb8: {  	s30 =	sld [smem:$0x0];
	_ =	sdelay $0x2  }
0xb9: {  	s31 =	sshll.u32 s1, $0xD;
	s1 =	sshrl.u32 s1, $0x2  }
0xba: {  	s3 =	sand.u32 $0x4000, s31;
	s1 =	sadd.s32 s1, s30  }
0xbb: {  	s0 =	sor.u32 s3, s0;
	s1 =	sshll.u32 s1, $0x11  }
0xbc: {  	s0 =	sor.u32 s1, s0  }
0xbd: {  	s0 =	sadd.s32 $0x8F2B, s0  }
0xbe: {  	[sflag:s0] =	ssyncadd.remote.s32 $0x1  }
0xbf: {  	_ =	sfence.sel $0xFFFF  }
0xc0: {  	[dreg:$0x0] =	wrdreg $0xFFFFFFFF;
	(pc) =	sbr.abs _section_cstart, $3  }
0xc1: {  	[dreg:$0x1] =	wrdreg $0xFFFFFFFF  }
0xc2: {  	_ =	task.clear_ibuf [dreg:s7], $0x2FFFF;
	_ =	strace $0x9FFFFFFF  }
0xc3: {  	(tm) =	ssettm $0x7FFFFFFF  }
tec
execute0_lowered:
.L_overlay_start_1:
0x0: {  	(tag) =	ssettag $0x1  }
0x1: {  	s0 =	rddreg [dreg:$0x1]  }
0x2: {  	s13 =	rddreg [dreg:$0x2]  }
0x3: {  	s3 =	simm.s32 $0x0;
	s1 =	srdreg.scid;
	s11 =	stileid.u32  }
0x4: {  	s12 =	simm.s32 $0x1AF70;
	s14 =	simm.s32 $0x1;
	s15 =	simm.s32 $0x2  }
0x5: {  	s16 =	simm.s32 $0x1BF70;
	s17 =	simm.s32 $0x3;
	s18 =	simm.s32 $0x1CF70  }
0x6: {  	s19 =	simm.s32 $0x4;
	s20 =	simm.s32 $0x5;
	s21 =	simm.s32 $0x0  }
0x7: {  	[smem:$0x7FF] =	sst s3;
	s2 =	sadd.s32 $0x800, s0;
	s1 =	sand.u32 $0x1, s1  }
0x8: {  	s5 =	sshll.u32 s11, $0xF;
	s0 =	sadd.s32 $0x80800, s0;
	p0 =	sne.s32 s11, $0x0  }
0x9: {  	_ =	strace $0x80000047;
	s4 =	ssub.s32 $0x2, s1;
	s1 =	sshll.u32 s1, $0xE  }
.Ltmp0:
0xa: {  	s13 =	sshrl.u32 @!p0 s13, $0x3;
	s6 =	sshrl.u32 s4, $0x1;
	(pc) =	sbr.rel .LBB2_1-.Ltmp0, $4  }
0xb: {  	s1 =	sor.u32 s1, s5;
	s5 =	simm.s32 $0x19F70;
	s10 =	ssub.s32 s4, s6  }
0xc: {  	s4 =	sadd.s32 s2, s1;
	s8 =	sor.u32 $0x200, s1;
	s6 =	sadd.s32 s0, s1  }
0xd: {  	s2 =	sadd.s32 s2, s8;
	s7 =	sadd.s32 $0x400, s4;
	s8 =	sadd.s32 s0, s8  }
0xe: {  	s9 =	sadd.s32 $0x600, s4;
	s10 =	smax.u32 s10, $0x1;
	[dreg:$0x4] =	wrdreg s2  }
.LBB2_12:
0xf: {  	s21 =	sadd.s32 $0x1, s21  }
0x10: {  	_ =	swait.ge [sflag:s19], $0x1000;
	p1 =	sne.s32 s21, s10  }
.Ltmp1:
0x11: {  	[sflag:s19] =	ssyncset.done $0x0;
	(pc) =	sbr.rel @!p1 .LBB2_13-.Ltmp1, $4  }
0x12: {  	[sflag:s19] =	ssyncadd.s32 $0xFFFFF000  }
0x13: {  	_ =	swait.ge [sflag:s20], $0x1000  }
0x14: {  	[sflag:s20] =	ssyncset.done $0x0  }
0x15: {  	s5 =	simm.s32 $0x19F70;
	[sflag:s20] =	ssyncadd.s32 $0xFFFFF000  }
.LBB2_1:
0x16: {  	[tilespmem:s5], [sflag:$0x2] =	stream.linear.gather [hbm4b:s4+s3], $0x1000, $0x38;
	[tilespmem:$0x1DF70] =	vst v63  }
0x17: {  	s0 =	rddreg [dreg:$0x4]  }
0x18: {  	[tilespmem:s12], [sflag:$0x3] =	stream.linear.gather [hbm4b:s0+s3], $0x1000, $0x38;
	[tilespmem:$0x1DF70] =	vst v63  }
0x19: {  	s1 =	rddreg [dreg:$0x0];
	s0 =	simm.s32 @!p0 $0x1C06  }
0x1a: {  	[spmem:s13], [sflag:s0] =	dma.local @!p0 [hbm:s1], $0x30E0  }
0x1b: {  	s0 =	simm.s32 @!p0 $0x6  }
0x1c: {  	_ =	swait.ge @!p0 [sflag:s0], $0x30E0  }
0x1d: {  	[sflag:s0] =	ssyncset.done @!p0 $0x0  }
0x1e: {  	[sflag:s0] =	ssyncadd.s32 @!p0 $0xFFFFCF20  }
0x1f: {  	[bflag:$0x0] =	sbarrier.arrive $0xFFFF  }
0x20: {  	s22 =	rddreg [dreg:$0x2]  }
0x21: {  	[tilespmem:s3], [sflag:$0x1] =	stream.linear.gather [spmem:s22], $0x18700, $0x38;
	[tilespmem:$0x1DF70] =	vst v63  }
0x22: {  	_ =	swait.ge [sflag:s14], $0x18700  }
0x23: {  	[sflag:s14] =	ssyncset.done $0x0  }
0x24: {  	[sflag:s14] =	ssyncadd.s32 $0xFFFE7900  }
0x25: {  	_ =	swait.ge [sflag:s15], $0x1000  }
0x26: {  	s23 =	sand.u32 $0x800, s3;
	s24 =	sand.u32 $0x300, s3;
	[sflag:s15] =	ssyncset.done $0x0  }
0x27: {  	s22 =	sor.u32 s24, s23;
	[sflag:s15] =	ssyncadd.s32 $0xFFFFF000  }
0x28: {  	v1 =	vld [tilespmem:s22+$0x19F70];
	_ =	sdelay $0x1  }
0x29: {  	v0 =	vld [tilespmem:s22+$0x19FF0];
	_ =	sdelay $0x2  }
0x2a: {  	v2 =	vld [tilespmem:s22+$0x1A000]  }
0x2b: {  	v3 =	vld [tilespmem:s22+$0x19F80]  }
0x2c: {  	v4 =	vld [tilespmem:s22+$0x19F90]  }
0x2d: {  	v1 =	vld.idx.msk [tilespmem:v1+s3+$0x0], $0xffff  }
0x2e: {  	v5 =	vld [tilespmem:s22+$0x19FA0]  }
0x2f: {  	v0 =	vld.idx.msk [tilespmem:v0+s3+$0x0], $0xffff  }
0x30: {  	v6 =	vld [tilespmem:s22+$0x19FB0]  }
0x31: {  	v7 =	vld [tilespmem:s22+$0x19FC0]  }
0x32: {  	v8 =	vld [tilespmem:s22+$0x19FD0];
	[tilespmem:s22+$0x1BF70] =	vst v1  }
0x33: {  	v1 =	vld.idx.msk [tilespmem:v3+s3+$0x0], $0xffff  }
0x34: {  	s25 =	simm.s32 $0x100;
	s26 =	simm.s32 $0x200;
	[tilespmem:s22+$0x1BFF0] =	vst v0;
	v0 =	vld [tilespmem:s22+$0x1A010]  }
0x35: {  	s1 =	sand.u32 $0x800, s26;
	s0 =	sand.u32 $0x300, s25;
	v9 =	vld [tilespmem:s22+$0x19FE0]  }
0x36: {  	s23 =	sor.u32 s0, s1;
	v2 =	vld.idx.msk [tilespmem:v2+s3+$0x0], $0xffff  }
0x37: {  	v11 =	vld [tilespmem:s23+$0x19F80]  }
0x38: {  	v12 =	vld [tilespmem:s23+$0x19F90];
	[tilespmem:s22+$0x1BF80] =	vst v1  }
0x39: {  	v1 =	vld.idx.msk [tilespmem:v4+s3+$0x0], $0xffff  }
0x3a: {  	v13 =	vld [tilespmem:s23+$0x19FA0]  }
0x3b: {  	[tilespmem:s22+$0x1C000] =	vst v2;
	v2 =	vld [tilespmem:s22+$0x1A020]  }
0x3c: {  	v0 =	vld.idx.msk [tilespmem:v0+s3+$0x0], $0xffff  }
0x3d: {  	v14 =	vld [tilespmem:s23+$0x1A000]  }
0x3e: {  	v15 =	vld [tilespmem:s23+$0x19FB0];
	[tilespmem:s22+$0x1BF90] =	vst v1  }
0x3f: {  	v1 =	vld.idx.msk [tilespmem:v5+s3+$0x0], $0xffff  }
0x40: {  	v16 =	vld [tilespmem:s23+$0x19FC0]  }
0x41: {  	s28 =	simm.s32 $0x200;
	s29 =	simm.s32 $0x400;
	[tilespmem:s22+$0x1C010] =	vst v0;
	v0 =	vld [tilespmem:s22+$0x1A030]  }
0x42: {  	s1 =	sand.u32 $0x800, s29;
	s0 =	sand.u32 $0x300, s28;
	v17 =	vld [tilespmem:s23+$0x19FE0]  }
0x43: {  	s24 =	sor.u32 s0, s1;
	v2 =	vld.idx.msk [tilespmem:v2+s3+$0x0], $0xffff  }
0x44: {  	v18 =	vld [tilespmem:s24+$0x19FA0];
	[tilespmem:s22+$0x1BFA0] =	vst v1  }
0x45: {  	v6 =	vld.idx.msk [tilespmem:v6+s3+$0x0], $0xffff  }
0x46: {  	v19 =	vld [tilespmem:s24+$0x1A000]  }
0x47: {  	v3 =	vld [tilespmem:s22+$0x1A040]  }
0x48: {  	v20 =	vld [tilespmem:s24+$0x19FB0];
	[tilespmem:s22+$0x1C020] =	vst v2  }
0x49: {  	v0 =	vld.idx.msk [tilespmem:v0+s3+$0x0], $0xffff  }
0x4a: {  	s30 =	simm.s32 $0x300;
	s31 =	simm.s32 $0x600;
	v21 =	vld [tilespmem:s24+$0x19FC0];
	[tilespmem:s22+$0x1BFB0] =	vst v6  }
0x4b: {  	s1 =	sand.u32 $0x800, s31;
	s0 =	sand.u32 $0x300, s30;
	v6 =	vld.idx.msk [tilespmem:v7+s3+$0x0], $0xffff  }
0x4c: {  	s25 =	sor.u32 s0, s1;
	v22 =	vld [tilespmem:s24+$0x19FE0]  }
0x4d: {  	v61 =	vld [tilespmem:s25+$0x19FB0]  }
0x4e: {  	v23 =	vld [tilespmem:s25+$0x19FC0];
	[tilespmem:s22+$0x1C030] =	vst v0  }
0x4f: {  	v10 =	vld.idx.msk [tilespmem:v3+s3+$0x0], $0xffff  }
0x50: {  	v0 =	vld [tilespmem:s22+$0x1A050];
	[tilespmem:s22+$0x1BFC0] =	vst v6  }
0x51: {  	v6 =	vld.idx.msk [tilespmem:v8+s3+$0x0], $0xffff  }
0x52: {  	v8 =	vld [tilespmem:s23+$0x19FF0]  }
0x53: {  	v24 =	vld [tilespmem:s24+$0x1A410]  }
0x54: {  	[tilespmem:s22+$0x1C040] =	vst v10;
	v10 =	vld [tilespmem:s23+$0x19F70]  }
0x55: {  	v63 =	vld [tilespmem:s25+$0x1A030]  }
0x56: {  	v4 =	vld [tilespmem:s22+$0x1A370]  }
0x57: {  	v5 =	vld [tilespmem:s22+$0x1A380]  }
0x58: {  	v7 =	vld [tilespmem:s22+$0x1A060]  }
0x59: {  	v0 =	vld.idx.msk [tilespmem:v0+s3+$0x0], $0xffff  }
0x5a: {  	v8 =	vld.idx.msk [tilespmem:v8+s3+$0x0], $0xffff  }
0x5b: {  	v1 =	vld [tilespmem:s22+$0x1A390]  }
0x5c: {  	v10 =	vld.idx.msk [tilespmem:v10+s3+$0x0], $0xffff  }
0x5d: {  	v2 =	vld [tilespmem:s22+$0x1A3A0]  }
0x5e: {  	[tilespmem:s22+$0x1C050] =	vst v0;
	v0 =	vld [tilespmem:s22+$0x1A3F0]  }
0x5f: {  	[tilespmem:s23+$0x1BFF0] =	vst v8;
	v8 =	vld [tilespmem:s23+$0x1A010]  }
0x60: {  	v7 =	vld.idx.msk [tilespmem:v7+s3+$0x0], $0xffff  }
0x61: {  	[tilespmem:s23+$0x1BF70] =	vst v10;
	v10 =	vld.idx.msk [tilespmem:v14+s3+$0x0], $0xffff  }
0x62: {  	v3 =	vld [tilespmem:s22+$0x1A3A8];
	[tilespmem:s22+$0x1BFD0] =	vst v6  }
0x63: {  	v9 =	vld.idx.msk [tilespmem:v9+s3+$0x0], $0xffff  }
0x64: {  	v11 =	vld.idx.msk [tilespmem:v11+s3+$0x0], $0xffff  }
0x65: {  	[tilespmem:s22+$0x1C060] =	vst v7;
	v7 =	vld [tilespmem:s22+$0x1A400]  }
0x66: {  	[tilespmem:s23+$0x1C000] =	vst v10;
	v10 =	vld [tilespmem:s23+$0x1A020]  }
0x67: {  	v8 =	vld.idx.msk [tilespmem:v8+s3+$0x0], $0xffff  }
0x68: {  	[tilespmem:s22+$0x1BFE0] =	vst v9;
	v0 =	vld.idx.msk [tilespmem:v0+s3+$0x0], $0xffff  }
0x69: {  	v9 =	vld [tilespmem:s23+$0x1A3A0];
	[tilespmem:s23+$0x1BF80] =	vst v11  }
0x6a: {  	v6 =	vld.idx.msk [tilespmem:v12+s3+$0x0], $0xffff  }
0x6b: {  	v4 =	vld.idx.msk [tilespmem:v4+s3+$0x0], $0xffff  }
0x6c: {  	[tilespmem:s23+$0x1C010] =	vst v8;
	v8 =	vld [tilespmem:s23+$0x1A030]  }
0x6d: {  	[tilespmem:s22+$0x1C3F0] =	vst v0;
	v0 =	vld [tilespmem:s22+$0x1A410]  }
0x6e: {  	v10 =	vld.idx.msk [tilespmem:v10+s3+$0x0], $0xffff  }
0x6f: {  	v7 =	vld.idx.msk [tilespmem:v7+s3+$0x0], $0xffff;
	[tilespmem:s23+$0x1BF90] =	vst v6  }
0x70: {  	v6 =	vld.idx.msk [tilespmem:v13+s3+$0x0], $0xffff  }
0x71: {  	v14 =	vld [tilespmem:s23+$0x19FD0];
	[tilespmem:s22+$0x1C370] =	vst v4  }
0x72: {  	v5 =	vld.idx.msk [tilespmem:v5+s3+$0x0], $0xffff  }
0x73: {  	[tilespmem:s23+$0x1C020] =	vst v10;
	v10 =	vld [tilespmem:s23+$0x1A040]  }
0x74: {  	[tilespmem:s22+$0x1C400] =	vst v7;
	v8 =	vld.idx.msk [tilespmem:v8+s3+$0x0], $0xffff  }
0x75: {  	v7 =	vld [tilespmem:s22+$0x1A420];
	[tilespmem:s23+$0x1BFA0] =	vst v6  }
0x76: {  	v6 =	vld.idx.msk [tilespmem:v15+s3+$0x0], $0xffff  }
0x77: {  	v12 =	vld [tilespmem:s23+$0x1A370]  }
0x78: {  	v0 =	vld.idx.msk [tilespmem:v0+s3+$0x0], $0xffff  }
0x79: {  	[tilespmem:s23+$0x1C030] =	vst v8;
	v8 =	vld [tilespmem:s23+$0x1A050]  }
0x7a: {  	v13 =	vld [tilespmem:s23+$0x1A380]  }
0x7b: {  	[tilespmem:s23+$0x1BFB0] =	vst v6;
	v10 =	vld.idx.msk [tilespmem:v10+s3+$0x0], $0xffff  }
0x7c: {  	v4 =	vld.idx.msk [tilespmem:v16+s3+$0x0], $0xffff  }
0x7d: {  	v15 =	vld [tilespmem:s23+$0x1A390];
	[tilespmem:s22+$0x1C410] =	vst v0  }
0x7e: {  	v7 =	vld.idx.msk [tilespmem:v7+s3+$0x0], $0xffff  }
0x7f: {  	v6 =	vld [tilespmem:s23+$0x1A060]  }
0x80: {  	[tilespmem:s23+$0x1C040] =	vst v10;
	v10 =	vld [tilespmem:s24+$0x19F70]  }
0x81: {  	[tilespmem:s23+$0x1BFC0] =	vst v4;
	v4 =	vld.idx.msk [tilespmem:v8+s3+$0x0], $0xffff  }
0x82: {  	v0 =	vld [tilespmem:s22+$0x1A428]  }
0x83: {  	[tilespmem:s22+$0x1C420] =	vst v7;
	v7 =	vld.idx.msk [tilespmem:v14+s3+$0x0], $0xffff  }
0x84: {  	v8 =	vld [tilespmem:s24+$0x19FF0]  }
0x85: {  	v14 =	vld [tilespmem:s24+$0x19F80]  }
0x86: {  	[tilespmem:s23+$0x1C050] =	vst v4;
	v4 =	vld [tilespmem:s23+$0x1A3F0]  }
0x87: {  	v6 =	vld.idx.msk [tilespmem:v6+s3+$0x0], $0xffff  }
0x88: {  	v10 =	vld.idx.msk [tilespmem:v10+s3+$0x0], $0xffff  }
0x89: {  	v16 =	vld [tilespmem:s24+$0x19F90]  }
0x8a: {  	v11 =	vld.idx.msk [tilespmem:v0+s3+$0x0], $0xffff  }
0x8b: {  	v0 =	vld [tilespmem:s23+$0x1A3A8]  }
0x8c: {  	v8 =	vld.idx.msk [tilespmem:v8+s3+$0x0], $0xffff;
	[tilespmem:s23+$0x1C060] =	vst v6  }
0x8d: {  	v6 =	vld [tilespmem:s23+$0x1A400];
	[tilespmem:s24+$0x1BF70] =	vst v10  }
0x8e: {  	v14 =	vld.idx.msk [tilespmem:v14+s3+$0x0], $0xffff  }
0x8f: {  	v4 =	vld.idx.msk [tilespmem:v4+s3+$0x0], $0xffff  }
0x90: {  	[tilespmem:s22+$0x1C428] =	vst v11;
	v11 =	vld [tilespmem:s25+$0x1A3A8]  }
0x91: {  	[tilespmem:s24+$0x1BFF0] =	vst v8;
	v8 =	vld [tilespmem:s24+$0x1A010]  }
0x92: {  	[tilespmem:s23+$0x1BFD0] =	vst v7;
	v10 =	vld.idx.msk [tilespmem:v19+s3+$0x0], $0xffff  }
0x93: {  	[tilespmem:s24+$0x1BF80] =	vst v14;
	v14 =	vld.idx.msk [tilespmem:v17+s3+$0x0], $0xffff  }
0x94: {  	[tilespmem:s23+$0x1C3F0] =	vst v4;
	v4 =	vld [tilespmem:s23+$0x1A410]  }
0x95: {  	v7 =	vld.idx.msk [tilespmem:v16+s3+$0x0], $0xffff  }
0x96: {  	v6 =	vld.idx.msk [tilespmem:v6+s3+$0x0], $0xffff  }
0x97: {  	[tilespmem:s24+$0x1C000] =	vst v10;
	v10 =	vld [tilespmem:s24+$0x1A020]  }
0x98: {  	v19 =	vld [tilespmem:s24+$0x19FD0]  }
0x99: {  	v8 =	vld.idx.msk [tilespmem:v8+s3+$0x0], $0xffff  }
0x9a: {  	v16 =	vld [tilespmem:s24+$0x1A370];
	[tilespmem:s23+$0x1BFE0] =	vst v14  }
0x9b: {  	[tilespmem:s24+$0x1BF90] =	vst v7;
	v7 =	vld.idx.msk [tilespmem:v12+s3+$0x0], $0xffff  }
0x9c: {  	[tilespmem:s23+$0x1C400] =	vst v6;
	v6 =	vld [tilespmem:s23+$0x1A420]  }
0x9d: {  	v4 =	vld.idx.msk [tilespmem:v4+s3+$0x0], $0xffff  }
0x9e: {  	[tilespmem:s24+$0x1C010] =	vst v8;
	v8 =	vld [tilespmem:s24+$0x1A030]  }
0x9f: {  	[tilespmem:s22+$0x1C380] =	vst v5;
	v5 =	vld.idx.msk [tilespmem:v10+s3+$0x0], $0xffff  }
0xa0: {  	v10 =	vld.idx.msk [tilespmem:v1+s3+$0x0], $0xffff  }
0xa1: {  	v1 =	vld.idx.msk [tilespmem:v18+s3+$0x0], $0xffff;
	[tilespmem:s23+$0x1C370] =	vst v7  }
0xa2: {  	v7 =	vld.idx.msk [tilespmem:v13+s3+$0x0], $0xffff  }
0xa3: {  	[tilespmem:s23+$0x1C410] =	vst v4;
	v4 =	vld [tilespmem:s23+$0x1A428]  }
0xa4: {  	[tilespmem:s24+$0x1C020] =	vst v5;
	v5 =	vld [tilespmem:s24+$0x1A040]  }
0xa5: {  	v6 =	vld.idx.msk [tilespmem:v6+s3+$0x0], $0xffff  }
0xa6: {  	v8 =	vld.idx.msk [tilespmem:v8+s3+$0x0], $0xffff  }
0xa7: {  	v12 =	vld [tilespmem:s24+$0x1A380];
	[tilespmem:s24+$0x1BFA0] =	vst v1  }
0xa8: {  	v14 =	vld.idx.msk [tilespmem:v20+s3+$0x0], $0xffff  }
0xa9: {  	v13 =	vld [tilespmem:s24+$0x1A390];
	[tilespmem:s23+$0x1C380] =	vst v7  }
0xaa: {  	v7 =	vld [tilespmem:s25+$0x19FF0];
	[tilespmem:s23+$0x1C420] =	vst v6  }
0xab: {  	[tilespmem:s24+$0x1C030] =	vst v8;
	v8 =	vld [tilespmem:s24+$0x1A050]  }
0xac: {  	v17 =	vld.idx.msk [tilespmem:v4+s3+$0x0], $0xffff  }
0xad: {  	[tilespmem:s24+$0x1BFB0] =	vst v14;
	v5 =	vld.idx.msk [tilespmem:v5+s3+$0x0], $0xffff  }
0xae: {  	v4 =	vld.idx.msk [tilespmem:v21+s3+$0x0], $0xffff  }
0xaf: {  	v1 =	vld [tilespmem:s24+$0x1A3A0]  }
0xb0: {  	[tilespmem:s22+$0x1C390] =	vst v10;
	v10 =	vld [tilespmem:s25+$0x19F80]  }
0xb1: {  	v60 =	vld.idx.msk [tilespmem:v2+s3+$0x0], $0xffff  }
0xb2: {  	[tilespmem:s24+$0x1C040] =	vst v5;
	v5 =	vld [tilespmem:s24+$0x1A060]  }
0xb3: {  	[tilespmem:s24+$0x1BFC0] =	vst v4;
	v4 =	vld.idx.msk [tilespmem:v8+s3+$0x0], $0xffff  }
0xb4: {  	v8 =	vld [tilespmem:s25+$0x19F70]  }
0xb5: {  	v2 =	vld [tilespmem:s24+$0x1A3A8]  }
0xb6: {  	v7 =	vld.idx.msk [tilespmem:v7+s3+$0x0], $0xffff  }
0xb7: {  	v6 =	vld.idx.msk [tilespmem:v19+s3+$0x0], $0xffff  }
0xb8: {  	[tilespmem:s24+$0x1C050] =	vst v4;
	v4 =	vld [tilespmem:s24+$0x1A3F0]  }
0xb9: {  	v19 =	vld [tilespmem:s25+$0x1A000]  }
0xba: {  	v5 =	vld.idx.msk [tilespmem:v5+s3+$0x0], $0xffff  }
0xbb: {  	v18 =	vld.idx.msk [tilespmem:v15+s3+$0x0], $0xffff  }
0xbc: {  	v8 =	vld.idx.msk [tilespmem:v8+s3+$0x0], $0xffff  }
0xbd: {  	v15 =	vld [tilespmem:s25+$0x19FA0]  }
0xbe: {  	[tilespmem:s25+$0x1BFF0] =	vst v7;
	v7 =	vld [tilespmem:s25+$0x1A010]  }
0xbf: {  	[tilespmem:s24+$0x1C060] =	vst v5;
	v5 =	vld [tilespmem:s24+$0x1A400]  }
0xc0: {  	v4 =	vld.idx.msk [tilespmem:v4+s3+$0x0], $0xffff  }
0xc1: {  	[tilespmem:s25+$0x1BF70] =	vst v8;
	v8 =	vld.idx.msk [tilespmem:v19+s3+$0x0], $0xffff  }
0xc2: {  	v14 =	vld [tilespmem:s25+$0x19F90]  }
0xc3: {  	v19 =	vld.idx.msk [tilespmem:v10+s3+$0x0], $0xffff  }
0xc4: {  	v10 =	vld [tilespmem:s25+$0x19FD0]  }
0xc5: {  	[tilespmem:s24+$0x1C3F0] =	vst v4;
	v4 =	vld [tilespmem:s25+$0x19FE0]  }
0xc6: {  	[tilespmem:s25+$0x1C000] =	vst v8;
	v8 =	vld [tilespmem:s25+$0x1A020]  }
0xc7: {  	v5 =	vld.idx.msk [tilespmem:v5+s3+$0x0], $0xffff  }
0xc8: {  	v7 =	vld.idx.msk [tilespmem:v7+s3+$0x0], $0xffff  }
0xc9: {  	[tilespmem:s25+$0x1BF80] =	vst v19;
	v19 =	vld [tilespmem:s24+$0x1A420]  }
0xca: {  	[tilespmem:s24+$0x1BFD0] =	vst v6;
	v6 =	vld.idx.msk [tilespmem:v14+s3+$0x0], $0xffff  }
0xcb: {  	v14 =	vld.idx.msk [tilespmem:v22+s3+$0x0], $0xffff  }
0xcc: {  	[tilespmem:s24+$0x1C400] =	vst v5;
	v5 =	vld [tilespmem:s25+$0x1A370]  }
0xcd: {  	v62 =	vld.idx.msk [tilespmem:v24+s3+$0x0], $0xffff  }
0xce: {  	[tilespmem:s25+$0x1C010] =	vst v7;
	v7 =	vld [tilespmem:s25+$0x1A380]  }
0xcf: {  	[tilespmem:s25+$0x1BF90] =	vst v6;
	v6 =	vld.idx.msk [tilespmem:v8+s3+$0x0], $0xffff  }
0xd0: {  	[tilespmem:s24+$0x1BFE0] =	vst v14;
	v8 =	vld.idx.msk [tilespmem:v15+s3+$0x0], $0xffff  }
0xd1: {  	v14 =	vld.idx.msk [tilespmem:v16+s3+$0x0], $0xffff  }
0xd2: {  	v15 =	vld [tilespmem:s24+$0x1A428];
	[tilespmem:s24+$0x1C410] =	vst v62  }
0xd3: {  	v16 =	vld.idx.msk [tilespmem:v19+s3+$0x0], $0xffff  }
0xd4: {  	[tilespmem:s25+$0x1C020] =	vst v6;
	v19 =	vld [tilespmem:s25+$0x1A040]  }
0xd5: {  	[tilespmem:s25+$0x1BFA0] =	vst v8;
	v8 =	vld [tilespmem:s25+$0x1A390]  }
0xd6: {  	v6 =	vld.idx.msk [tilespmem:v63+s3+$0x0], $0xffff  }
0xd7: {  	[tilespmem:s24+$0x1C370] =	vst v14;
	v21 =	vld.idx.msk [tilespmem:v61+s3+$0x0], $0xffff  }
0xd8: {  	v12 =	vld.idx.msk [tilespmem:v12+s3+$0x0], $0xffff  }
0xd9: {  	v14 =	vld [tilespmem:s25+$0x1A050];
	[tilespmem:s24+$0x1C420] =	vst v16  }
0xda: {  	[tilespmem:s22+$0x1C3A0] =	vst v60;
	v16 =	vld.idx.msk [tilespmem:v15+s3+$0x0], $0xffff  }
0xdb: {  	[tilespmem:s25+$0x1C030] =	vst v6;
	v6 =	vld [tilespmem:s25+$0x1A3A0]  }
0xdc: {  	[tilespmem:s25+$0x1BFB0] =	vst v21;
	v19 =	vld.idx.msk [tilespmem:v19+s3+$0x0], $0xffff  }
0xdd: {  	[tilespmem:s24+$0x1C380] =	vst v12;
	v15 =	vld.idx.msk [tilespmem:v23+s3+$0x0], $0xffff  }
0xde: {  	[tilespmem:s23+$0x1C390] =	vst v18;
	v13 =	vld.idx.msk [tilespmem:v13+s3+$0x0], $0xffff  }
0xdf: {  	[tilespmem:s23+$0x1C428] =	vst v17;
	v12 =	vld.idx.msk [tilespmem:v9+s3+$0x0], $0xffff  }
0xe0: {  	v9 =	vld.idx.msk [tilespmem:v3+s3+$0x0], $0xffff;
	[tilespmem:s24+$0x1C428] =	vst v16  }
0xe1: {  	s26 =	simm.s32 $0x800;
	s0 =	simm.s32 $0x6;
	s1 =	simm.s32 $0x400;
	v16 =	vld [tilespmem:s25+$0x1A060];
	[tilespmem:s25+$0x1C040] =	vst v19  }
.LBB2_2:
0xe2: {  	s2 =	sand.u32 $0x800, s26;
	s28 =	sand.u32 $0x300, s1;
	s0 =	sadd.s32 $0x2, s0;
	[tilespmem:s25+$0x1BFC0] =	vst v15;
	v14 =	vld.idx.msk [tilespmem:v14+s3+$0x0], $0xffff  }
0xe3: {  	s2 =	sor.u32 s28, s2;
	p1 =	slt.u32 s0, $0xE;
	v10 =	vld.idx.msk [tilespmem:v10+s3+$0x0], $0xffff;
	[tilespmem:s24+$0x1C390] =	vst v13  }
0xe4: {  	v13 =	vld [tilespmem:s2+$0x19FF0];
	[tilespmem:s23+$0x1C3A0] =	vst v12;
	v3 =	vmov v11  }
0xe5: {  	v11 =	vld [tilespmem:s2+$0x19F70]  }
0xe6: {  	v12 =	vld [tilespmem:s2+$0x19F80];
	[tilespmem:s22+$0x1C3A8] =	vst v9;
	s22 =	smov.u32 s23;
	s23 =	smov.u32 s24;
	s24 =	smov.u32 s25  }
0xe7: {  	s25 =	smov.u32 s2;
	v9 =	vld [tilespmem:s2+$0x19F90]  }
0xe8: {  	[tilespmem:s24+$0x1C050] =	vst v14;
	v14 =	vld [tilespmem:s24+$0x1A3F0]  }
0xe9: {  	[tilespmem:s24+$0x1BFD0] =	vst v10;
	v10 =	vld.idx.msk [tilespmem:v16+s3+$0x0], $0xffff  }
0xea: {  	v15 =	vld [tilespmem:s25+$0x19FA0]  }
0xeb: {  	v16 =	vld [tilespmem:s25+$0x1A000]  }
0xec: {  	v13 =	vld.idx.msk [tilespmem:v13+s3+$0x0], $0xffff  }
0xed: {  	v11 =	vld.idx.msk [tilespmem:v11+s3+$0x0], $0xffff  }
0xee: {  	v17 =	vld [tilespmem:s25+$0x19FB0]  }
0xef: {  	[tilespmem:s24+$0x1C060] =	vst v10;
	v18 =	vld [tilespmem:s24+$0x1A400]  }
0xf0: {  	v14 =	vld.idx.msk [tilespmem:v14+s3+$0x0], $0xffff  }
0xf1: {  	v19 =	vld [tilespmem:s25+$0x19FC0]  }
0xf2: {  	[tilespmem:s25+$0x1BFF0] =	vst v13;
	v13 =	vld [tilespmem:s25+$0x1A010]  }
0xf3: {  	[tilespmem:s25+$0x1BF70] =	vst v11;
	v11 =	vld.idx.msk [tilespmem:v16+s3+$0x0], $0xffff  }
0xf4: {  	v12 =	vld.idx.msk [tilespmem:v12+s3+$0x0], $0xffff  }
0xf5: {  	v10 =	vld [tilespmem:s25+$0x19FD0]  }
0xf6: {  	[tilespmem:s24+$0x1C3F0] =	vst v14;
	v14 =	vld [tilespmem:s24+$0x1A410]  }
0xf7: {  	v16 =	vld.idx.msk [tilespmem:v18+s3+$0x0], $0xffff  }
0xf8: {  	v18 =	vld [tilespmem:s25+$0x19FE0]  }
0xf9: {  	[tilespmem:s25+$0x1C000] =	vst v11;
	v11 =	vld [tilespmem:s25+$0x1A020]  }
0xfa: {  	[tilespmem:s25+$0x1BF80] =	vst v12;
	v12 =	vld.idx.msk [tilespmem:v13+s3+$0x0], $0xffff  }
0xfb: {  	v9 =	vld.idx.msk [tilespmem:v9+s3+$0x0], $0xffff  }
0xfc: {  	v13 =	vld.idx.msk [tilespmem:v4+s3+$0x0], $0xffff  }
0xfd: {  	[tilespmem:s24+$0x1C400] =	vst v16;
	v16 =	vld [tilespmem:s24+$0x1A420];
	v4 =	vmov v18  }
0xfe: {  	v14 =	vld.idx.msk [tilespmem:v14+s3+$0x0], $0xffff  }
0xff: {  	v18 =	vld [tilespmem:s25+$0x1A370]  }
0x100: {  	[tilespmem:s25+$0x1C010] =	vst v12;
	v12 =	vld [tilespmem:s25+$0x1A030]  }
0x101: {  	[tilespmem:s25+$0x1BF90] =	vst v9;
	v9 =	vld.idx.msk [tilespmem:v11+s3+$0x0], $0xffff  }
0x102: {  	v11 =	vld.idx.msk [tilespmem:v15+s3+$0x0], $0xffff;
	[tilespmem:s24+$0x1BFE0] =	vst v13  }
0x103: {  	v13 =	vld.idx.msk [tilespmem:v5+s3+$0x0], $0xffff  }
0x104: {  	[tilespmem:s24+$0x1C410] =	vst v14;
	v14 =	vld [tilespmem:s24+$0x1A428];
	v5 =	vmov v18  }
0x105: {  	v15 =	vld.idx.msk [tilespmem:v16+s3+$0x0], $0xffff  }
0x106: {  	v16 =	vld [tilespmem:s25+$0x1A380]  }
0x107: {  	[tilespmem:s25+$0x1C020] =	vst v9;
	v9 =	vld [tilespmem:s25+$0x1A040]  }
0x108: {  	[tilespmem:s25+$0x1BFA0] =	vst v11;
	v11 =	vld.idx.msk [tilespmem:v12+s3+$0x0], $0xffff  }
0x109: {  	v12 =	vld.idx.msk [tilespmem:v17+s3+$0x0], $0xffff;
	[tilespmem:s24+$0x1C370] =	vst v13  }
0x10a: {  	v13 =	vld.idx.msk [tilespmem:v7+s3+$0x0], $0xffff  }
0x10b: {  	v17 =	vld [tilespmem:s25+$0x1A390];
	[tilespmem:s24+$0x1C420] =	vst v15;
	v7 =	vmov v16  }
0x10c: {  	v16 =	vld.idx.msk [tilespmem:v14+s3+$0x0], $0xffff  }
0x10d: {  	v18 =	vld [tilespmem:s25+$0x1A3A0]  }
0x10e: {  	[tilespmem:s25+$0x1C030] =	vst v11;
	v14 =	vld [tilespmem:s25+$0x1A050]  }
0x10f: {  	[tilespmem:s25+$0x1BFB0] =	vst v12;
	v20 =	vld.idx.msk [tilespmem:v9+s3+$0x0], $0xffff  }
0x110: {  	v15 =	vld.idx.msk [tilespmem:v19+s3+$0x0], $0xffff;
	[tilespmem:s24+$0x1C380] =	vst v13  }
.Ltmp2:
0x111: {  	v13 =	vld.idx.msk [tilespmem:v8+s3+$0x0], $0xffff;
	v8 =	vmov v17;
	(pc) =	sbr.rel @p1 .LBB2_2-.Ltmp2, $4  }
0x112: {  	[tilespmem:s24+$0x1C428] =	vst v16;
	v12 =	vld.idx.msk [tilespmem:v1+s3+$0x0], $0xffff;
	v1 =	vmov v6;
	v6 =	vmov v18  }
0x113: {  	v11 =	vld [tilespmem:s25+$0x1A3A8]  }
0x114: {  	v9 =	vld.idx.msk [tilespmem:v0+s3+$0x0], $0xffff;
	v0 =	vmov v2;
	v2 =	vmov v3  }
0x115: {  	s1 =	sadd.s32 $0x100, s1;
	s26 =	sadd.s32 $0x200, s26;
	[tilespmem:s25+$0x1C040] =	vst v20;
	v16 =	vld [tilespmem:s25+$0x1A060]  }
0x116: {  	_ =	sdelay $0x3  }
0x117: {  	v3 =	vld.idx.msk [tilespmem:v14+s3+$0x0], $0xffff;
	_ =	sdelay $0x2  }
0x118: {  	[tilespmem:s25+$0x1BFC0] =	vst v15  }
0x119: {  	v10 =	vld.idx.msk [tilespmem:v10+s3+$0x0], $0xffff  }
0x11a: {  	[tilespmem:s25+$0x1C050] =	vst v3;
	v3 =	vld [tilespmem:s25+$0x1A3F0];
	_ =	sdelay $0x1  }
0x11b: {  	v14 =	vld.idx.msk [tilespmem:v16+s3+$0x0], $0xffff;
	_ =	sdelay $0x2  }
0x11c: {  	[tilespmem:s25+$0x1BFD0] =	vst v10  }
0x11d: {  	v4 =	vld.idx.msk [tilespmem:v4+s3+$0x0], $0xffff  }
0x11e: {  	[tilespmem:s25+$0x1C060] =	vst v14;
	v14 =	vld [tilespmem:s25+$0x1A400]  }
0x11f: {  	v3 =	vld.idx.msk [tilespmem:v3+s3+$0x0], $0xffff;
	_ =	sdelay $0x3  }
0x120: {  	[tilespmem:s25+$0x1BFE0] =	vst v4  }
0x121: {  	[tilespmem:s25+$0x1C3F0] =	vst v3;
	v3 =	vld [tilespmem:s25+$0x1A410]  }
0x122: {  	v4 =	vld.idx.msk [tilespmem:v5+s3+$0x0], $0xffff  }
0x123: {  	v10 =	vld.idx.msk [tilespmem:v14+s3+$0x0], $0xffff;
	_ =	sdelay $0x3  }
0x124: {  	[tilespmem:s25+$0x1C370] =	vst v4  }
0x125: {  	v4 =	vld.idx.msk [tilespmem:v7+s3+$0x0], $0xffff;
	[tilespmem:s25+$0x1C400] =	vst v10  }
0x126: {  	v3 =	vld.idx.msk [tilespmem:v3+s3+$0x0], $0xffff;
	_ =	sdelay $0x1  }
0x127: {  	v5 =	vld [tilespmem:s25+$0x1A420];
	_ =	sdelay $0x1  }
0x128: {  	[tilespmem:s25+$0x1C380] =	vst v4  }
0x129: {  	[tilespmem:s25+$0x1C410] =	vst v3;
	v3 =	vld.idx.msk [tilespmem:v8+s3+$0x0], $0xffff;
	_ =	sdelay $0x2  }
0x12a: {  	[tilespmem:s24+$0x1C390] =	vst v13;
	v4 =	vld [tilespmem:s25+$0x1A428]  }
0x12b: {  	v1 =	vld.idx.msk [tilespmem:v1+s3+$0x0], $0xffff  }
0x12c: {  	v5 =	vld.idx.msk [tilespmem:v5+s3+$0x0], $0xffff;
	[tilespmem:s25+$0x1C390] =	vst v3  }
0x12d: {  	v3 =	vld.idx.msk [tilespmem:v6+s3+$0x0], $0xffff;
	_ =	sdelay $0x1  }
0x12e: {  	[tilespmem:s23+$0x1C3A0] =	vst v12  }
0x12f: {  	v0 =	vld.idx.msk [tilespmem:v0+s3+$0x0], $0xffff;
	[tilespmem:s24+$0x1C3A0] =	vst v1  }
0x130: {  	v1 =	vld.idx.msk [tilespmem:v2+s3+$0x0], $0xffff;
	[tilespmem:s25+$0x1C420] =	vst v5  }
0x131: {  	v4 =	vld.idx.msk [tilespmem:v4+s3+$0x0], $0xffff;
	[tilespmem:s25+$0x1C3A0] =	vst v3  }
0x132: {  	v2 =	vld.idx.msk [tilespmem:v11+s3+$0x0], $0xffff  }
0x133: {  	[tilespmem:s22+$0x1C3A8] =	vst v9  }
0x134: {  	[tilespmem:s23+$0x1C3A8] =	vst v0  }
0x135: {  	[tilespmem:s24+$0x1C3A8] =	vst v1  }
0x136: {  	[tilespmem:s25+$0x1C428] =	vst v4  }
0x137: {  	s1 =	simm.s32 $0x0;
	[tilespmem:s25+$0x1C3A8] =	vst v2  }
0x138: {  	[hbm4b:s6+s1] =	stream.linear.scatter [tilespmem:s16], [sflag:$0x4], $0x1000, $0x38;
	[tilespmem:$0x1DF70] =	vst v63  }
0x139: {  	_ = 	snop  }
0x13a: {  	[tilespmem:s5], [sflag:$0x2] =	stream.linear.gather [hbm4b:s7+s1], $0x1000, $0x38;
	[tilespmem:$0x1DF70] =	vst v63  }
0x13b: {  	_ =	swait.ge [sflag:s17], $0x1000  }
0x13c: {  	s0 =	sand.u32 $0x800, s1;
	s2 =	sand.u32 $0x300, s1;
	[sflag:s17] =	ssyncset.done $0x0  }
0x13d: {  	s22 =	sor.u32 s2, s0;
	[sflag:s17] =	ssyncadd.s32 $0xFFFFF000  }
0x13e: {  	v0 =	vld [tilespmem:s22+$0x1AF70]  }
0x13f: {  	v2 =	vld [tilespmem:s22+$0x1AFF0];
	_ =	sdelay $0x4  }
0x140: {  	v1 =	vld [tilespmem:s22+$0x1AF80]  }
0x141: {  	v3 =	vld [tilespmem:s22+$0x1B000]  }
0x142: {  	v0 =	vld.idx.msk [tilespmem:v0+s3+$0x0], $0xffff  }
0x143: {  	v2 =	vld.idx.msk [tilespmem:v2+s3+$0x0], $0xffff;
	_ =	sdelay $0x2  }
0x144: {  	v4 =	vld [tilespmem:s22+$0x1B010]  }
0x145: {  	[tilespmem:s22+$0x1CF70] =	vst v0;
	v0 =	vld [tilespmem:s22+$0x1AF90]  }
0x146: {  	[tilespmem:s22+$0x1CFF0] =	vst v2;
	v1 =	vld.idx.msk [tilespmem:v1+s3+$0x0], $0xffff  }
0x147: {  	v2 =	vld.idx.msk [tilespmem:v3+s3+$0x0], $0xffff;
	_ =	sdelay $0x3  }
0x148: {  	v5 =	vld [tilespmem:s22+$0x1B020];
	[tilespmem:s22+$0x1CF80] =	vst v1  }
0x149: {  	v1 =	vld [tilespmem:s22+$0x1AFA0];
	[tilespmem:s22+$0x1D000] =	vst v2  }
0x14a: {  	v2 =	vld.idx.msk [tilespmem:v4+s3+$0x0], $0xffff  }
0x14b: {  	v0 =	vld.idx.msk [tilespmem:v0+s3+$0x0], $0xffff;
	_ =	sdelay $0x1  }
0x14c: {  	v6 =	vld [tilespmem:s22+$0x1B030]  }
0x14d: {  	v7 =	vld [tilespmem:s22+$0x1B040]  }
0x14e: {  	v8 =	vld [tilespmem:s22+$0x1B3F0];
	[tilespmem:s22+$0x1D010] =	vst v2  }
0x14f: {  	[tilespmem:s22+$0x1CF90] =	vst v0;
	v0 =	vld [tilespmem:s22+$0x1AFB0]  }
0x150: {  	v2 =	vld.idx.msk [tilespmem:v5+s3+$0x0], $0xffff  }
0x151: {  	s0 =	simm.s32 $0x200;
	s25 =	simm.s32 $0x100;
	v1 =	vld.idx.msk [tilespmem:v1+s3+$0x0], $0xffff  }
0x152: {  	s26 =	sand.u32 $0x800, s0;
	s2 =	sand.u32 $0x300, s25;
	v10 =	vld [tilespmem:s22+$0x1B410]  }
0x153: {  	s23 =	sor.u32 s2, s26;
	v9 =	vld [tilespmem:s22+$0x1B420]  }
0x154: {  	v11 =	vld [tilespmem:s23+$0x1B000]  }
0x155: {  	v12 =	vld [tilespmem:s23+$0x1AF80];
	[tilespmem:s22+$0x1D020] =	vst v2  }
0x156: {  	[tilespmem:s22+$0x1CFA0] =	vst v1;
	v1 =	vld [tilespmem:s22+$0x1AFC0]  }
0x157: {  	v2 =	vld.idx.msk [tilespmem:v6+s3+$0x0], $0xffff  }
0x158: {  	v6 =	vld [tilespmem:s23+$0x1AF70]  }
0x159: {  	v0 =	vld.idx.msk [tilespmem:v0+s3+$0x0], $0xffff  }
0x15a: {  	v13 =	vld [tilespmem:s23+$0x1B010]  }
0x15b: {  	v14 =	vld [tilespmem:s23+$0x1B030]  }
0x15c: {  	v56 =	vld [tilespmem:s23+$0x1B040]  }
0x15d: {  	[tilespmem:s22+$0x1D030] =	vst v2;
	v2 =	vld [tilespmem:s23+$0x1AFF0]  }
0x15e: {  	[tilespmem:s22+$0x1CFB0] =	vst v0;
	v0 =	vld [tilespmem:s22+$0x1AFD0]  }
0x15f: {  	v1 =	vld.idx.msk [tilespmem:v1+s3+$0x0], $0xffff  }
0x160: {  	v3 =	vld [tilespmem:s22+$0x1B050]  }
0x161: {  	v6 =	vld.idx.msk [tilespmem:v6+s3+$0x0], $0xffff  }
0x162: {  	v4 =	vld [tilespmem:s22+$0x1B060]  }
0x163: {  	v7 =	vld.idx.msk [tilespmem:v7+s3+$0x0], $0xffff  }
0x164: {  	[tilespmem:s22+$0x1CFC0] =	vst v1;
	v1 =	vld [tilespmem:s22+$0x1AFE0]  }
0x165: {  	v2 =	vld.idx.msk [tilespmem:v2+s3+$0x0], $0xffff  }
0x166: {  	[tilespmem:s23+$0x1CF70] =	vst v6;
	v6 =	vld [tilespmem:s23+$0x1AF90]  }
0x167: {  	v0 =	vld.idx.msk [tilespmem:v0+s3+$0x0], $0xffff  }
0x168: {  	v12 =	vld.idx.msk [tilespmem:v12+s3+$0x0], $0xffff  }
0x169: {  	v5 =	vld [tilespmem:s22+$0x1B400];
	[tilespmem:s22+$0x1D040] =	vst v7  }
0x16a: {  	v3 =	vld.idx.msk [tilespmem:v3+s3+$0x0], $0xffff;
	[tilespmem:s23+$0x1CFF0] =	vst v2  }
0x16b: {  	v2 =	vld.idx.msk [tilespmem:v11+s3+$0x0], $0xffff  }
0x16c: {  	v11 =	vld [tilespmem:s23+$0x1AFA0];
	[tilespmem:s22+$0x1CFD0] =	vst v0  }
0x16d: {  	[tilespmem:s23+$0x1CF80] =	vst v12;
	v0 =	vld.idx.msk [tilespmem:v1+s3+$0x0], $0xffff  }
0x16e: {  	v6 =	vld.idx.msk [tilespmem:v6+s3+$0x0], $0xffff  }
0x16f: {  	v7 =	vld [tilespmem:s23+$0x1B050];
	[tilespmem:s22+$0x1D050] =	vst v3  }
0x170: {  	v3 =	vld.idx.msk [tilespmem:v4+s3+$0x0], $0xffff  }
0x171: {  	s1 =	sand.u32 $0xFFFFF800, s1;
	v4 =	vld [tilespmem:s23+$0x1B3F0];
	[tilespmem:s23+$0x1D000] =	vst v2  }
0x172: {  	s1 =	sadd.s32 $0x0, s1;
	v2 =	vld.idx.msk [tilespmem:v13+s3+$0x0], $0xffff;
	[tilespmem:s22+$0x1CFE0] =	vst v0  }
0x173: {  	s31 =	sor.u32 $0x1400, s1;
	[tilespmem:s23+$0x1CF90] =	vst v6;
	v6 =	vld [tilespmem:s23+$0x1AFB0]  }
0x174: {  	v15 =	vld [tilespmem:s31+$0x19F70]  }
0x175: {  	v11 =	vld.idx.msk [tilespmem:v11+s3+$0x0], $0xffff  }
0x176: {  	v1 =	vld [tilespmem:s23+$0x1B020]  }
0x177: {  	[tilespmem:s22+$0x1D060] =	vst v3;
	v3 =	vld [tilespmem:s23+$0x1AFC0]  }
0x178: {  	v13 =	vld [tilespmem:s23+$0x1B060]  }
0x179: {  	[tilespmem:s23+$0x1D010] =	vst v2;
	v2 =	vld.idx.msk [tilespmem:v8+s3+$0x0], $0xffff  }
0x17a: {  	v0 =	vld [tilespmem:s22+$0x1B428];
	[tilespmem:s23+$0x1CFA0] =	vst v11  }
0x17b: {  	v6 =	vld.idx.msk [tilespmem:v6+s3+$0x0], $0xffff  }
0x17c: {  	v12 =	vld.idx.msk [tilespmem:v15+s3+$0x0], $0xffff  }
0x17d: {  	v8 =	vld [tilespmem:s23+$0x1B400]  }
0x17e: {  	v1 =	vld.idx.msk [tilespmem:v1+s3+$0x0], $0xffff;
	[tilespmem:s22+$0x1D3F0] =	vst v2  }
0x17f: {  	v2 =	vld.idx.msk [tilespmem:v5+s3+$0x0], $0xffff  }
0x180: {  	v5 =	vld [tilespmem:s23+$0x1AFD0];
	[tilespmem:s23+$0x1CFB0] =	vst v6  }
0x181: {  	s5 =	sor.u32 $0x1410, s1;
	[tilespmem:s31+$0x1BF70] =	vst v12;
	v3 =	vld.idx.msk [tilespmem:v3+s3+$0x0], $0xffff  }
0x182: {  	v12 =	vld [tilespmem:s5+$0x19F70]  }
0x183: {  	v15 =	vld [tilespmem:s23+$0x1B410]  }
0x184: {  	[tilespmem:s23+$0x1D020] =	vst v1;
	v1 =	vld [tilespmem:s23+$0x1B420]  }
0x185: {  	s28 =	simm.s32 $0x400;
	s26 =	simm.s32 $0x200;
	[tilespmem:s22+$0x1D400] =	vst v2;
	v2 =	vld [tilespmem:s23+$0x1B428]  }
0x186: {  	s25 =	sand.u32 $0x800, s28;
	s31 =	sand.u32 $0x300, s26;
	v10 =	vld.idx.msk [tilespmem:v10+s3+$0x0], $0xffff  }
0x187: {  	s24 =	sor.u32 s31, s25;
	[tilespmem:s23+$0x1CFC0] =	vst v3;
	v3 =	vld [tilespmem:s23+$0x1AFE0]  }
0x188: {  	v57 =	vld [tilespmem:s24+$0x1B000]  }
0x189: {  	v5 =	vld.idx.msk [tilespmem:v5+s3+$0x0], $0xffff  }
0x18a: {  	v11 =	vld.idx.msk [tilespmem:v12+s3+$0x0], $0xffff  }
0x18b: {  	v12 =	vld.idx.msk [tilespmem:v14+s3+$0x0], $0xffff  }
0x18c: {  	v17 =	vld [tilespmem:s24+$0x1B010]  }
0x18d: {  	v18 =	vld [tilespmem:s24+$0x1AF80]  }
0x18e: {  	v19 =	vld [tilespmem:s24+$0x1B020];
	[tilespmem:s23+$0x1CFD0] =	vst v5  }
0x18f: {  	v3 =	vld.idx.msk [tilespmem:v3+s3+$0x0], $0xffff;
	[tilespmem:s5+$0x1BF70] =	vst v11  }
0x190: {  	s11 =	sor.u32 $0x1420, s1;
	[tilespmem:s23+$0x1D030] =	vst v12;
	v12 =	vld [tilespmem:s24+$0x1AF70]  }
0x191: {  	v6 =	vld [tilespmem:s11+$0x19F70]  }
0x192: {  	v20 =	vld [tilespmem:s24+$0x1B040]  }
0x193: {  	v58 =	vld [tilespmem:s24+$0x1AFA0]  }
0x194: {  	s0 =	sand.u32 $0xFFFFF800, s0;
	v11 =	vld.idx.msk [tilespmem:v56+s3+$0x0], $0xffff  }
0x195: {  	s25 =	sadd.s32 $0x100, s0;
	v62 =	vld [tilespmem:s24+$0x1AFC0]  }
0x196: {  	s0 =	sor.u32 $0x1400, s25;
	v14 =	vld [tilespmem:s24+$0x1AFF0];
	[tilespmem:s23+$0x1CFE0] =	vst v3  }
0x197: {  	v3 =	vld [tilespmem:s0+$0x19F70]  }
0x198: {  	v12 =	vld.idx.msk [tilespmem:v12+s3+$0x0], $0xffff  }
0x199: {  	[tilespmem:s23+$0x1D040] =	vst v11;
	v6 =	vld.idx.msk [tilespmem:v6+s3+$0x0], $0xffff  }
0x19a: {  	[tilespmem:s22+$0x1D410] =	vst v10;
	v11 =	vld.idx.msk [tilespmem:v7+s3+$0x0], $0xffff  }
0x19b: {  	v9 =	vld.idx.msk [tilespmem:v9+s3+$0x0], $0xffff  }
0x19c: {  	v7 =	vld [tilespmem:s24+$0x1B060]  }
0x19d: {  	[tilespmem:s24+$0x1CF70] =	vst v12;
	v12 =	vld [tilespmem:s24+$0x1AF90]  }
0x19e: {  	[tilespmem:s11+$0x1BF70] =	vst v6;
	v6 =	vld.idx.msk [tilespmem:v14+s3+$0x0], $0xffff  }
0x19f: {  	[tilespmem:s23+$0x1D050] =	vst v11;
	v21 =	vld.idx.msk [tilespmem:v3+s3+$0x0], $0xffff  }
0x1a0: {  	s5 =	sor.u32 $0x1430, s1;
	v11 =	vld.idx.msk [tilespmem:v13+s3+$0x0], $0xffff  }
0x1a1: {  	v5 =	vld [tilespmem:s5+$0x19F70]  }
0x1a2: {  	v18 =	vld.idx.msk [tilespmem:v18+s3+$0x0], $0xffff  }
0x1a3: {  	v3 =	vld [tilespmem:s24+$0x1B3F0];
	[tilespmem:s24+$0x1CFF0] =	vst v6  }
0x1a4: {  	v16 =	vld.idx.msk [tilespmem:v57+s3+$0x0], $0xffff  }
0x1a5: {  	v14 =	vld [tilespmem:s24+$0x1B030];
	[tilespmem:s23+$0x1D060] =	vst v11  }
0x1a6: {  	v11 =	vld.idx.msk [tilespmem:v4+s3+$0x0], $0xffff  }
0x1a7: {  	v6 =	vld [tilespmem:s24+$0x1B050];
	[tilespmem:s24+$0x1CF80] =	vst v18  }
0x1a8: {  	v12 =	vld.idx.msk [tilespmem:v12+s3+$0x0], $0xffff  }
0x1a9: {  	v5 =	vld.idx.msk [tilespmem:v5+s3+$0x0], $0xffff;
	[tilespmem:s24+$0x1D000] =	vst v16  }
0x1aa: {  	s31 =	sor.u32 $0x1410, s25;
	[tilespmem:s0+$0x1BF70] =	vst v21;
	v16 =	vld.idx.msk [tilespmem:v17+s3+$0x0], $0xffff  }
0x1ab: {  	v59 =	vld [tilespmem:s31+$0x19F70];
	[tilespmem:s23+$0x1D3F0] =	vst v11  }
0x1ac: {  	v63 =	vld.idx.msk [tilespmem:v8+s3+$0x0], $0xffff  }
0x1ad: {  	[tilespmem:s24+$0x1CF90] =	vst v12;
	v12 =	vld [tilespmem:s24+$0x1AFB0]  }
0x1ae: {  	s11 =	sor.u32 $0x1438, s1;
	v13 =	vld.idx.msk [tilespmem:v58+s3+$0x0], $0xffff;
	[tilespmem:s5+$0x1BF70] =	vst v5  }
0x1af: {  	v5 =	vld [tilespmem:s11+$0x19F70];
	[tilespmem:s24+$0x1D010] =	vst v16  }
0x1b0: {  	v61 =	vld.idx.msk [tilespmem:v19+s3+$0x0], $0xffff  }
0x1b1: {  	v4 =	vld [tilespmem:s24+$0x1B410]  }
0x1b2: {  	v8 =	vld [tilespmem:s24+$0x1B420]  }
0x1b3: {  	v17 =	vld.idx.msk [tilespmem:v59+s3+$0x0], $0xffff;
	[tilespmem:s23+$0x1D400] =	vst v63  }
0x1b4: {  	v10 =	vld.idx.msk [tilespmem:v15+s3+$0x0], $0xffff;
	[tilespmem:s24+$0x1CFA0] =	vst v13  }
0x1b5: {  	v12 =	vld.idx.msk [tilespmem:v12+s3+$0x0], $0xffff;
	[tilespmem:s24+$0x1D020] =	vst v61  }
0x1b6: {  	v18 =	vld.idx.msk [tilespmem:v14+s3+$0x0], $0xffff  }
0x1b7: {  	v60 =	vld.idx.msk [tilespmem:v5+s3+$0x0], $0xffff  }
0x1b8: {  	s1 =	sor.u32 $0x1420, s25;
	v13 =	vld [tilespmem:s24+$0x1AFD0];
	[tilespmem:s31+$0x1BF70] =	vst v17  }
0x1b9: {  	v11 =	vld [tilespmem:s1+$0x19F70]  }
0x1ba: {  	v5 =	vld [tilespmem:s24+$0x1B400];
	[tilespmem:s24+$0x1CFB0] =	vst v12  }
0x1bb: {  	v14 =	vld.idx.msk [tilespmem:v62+s3+$0x0], $0xffff;
	[tilespmem:s24+$0x1D030] =	vst v18  }
0x1bc: {  	s29 =	simm.s32 $0x4;
	s30 =	simm.s32 $0x300;
	s0 =	simm.s32 $0x600;
	[tilespmem:s11+$0x1BF70] =	vst v60;
	v12 =	vld.idx.msk [tilespmem:v20+s3+$0x0], $0xffff  }
.LBB2_4:
0x1bd: {  	s2 =	sand.u32 $0x800, s0;
	s31 =	sand.u32 $0x300, s30;
	v15 =	vld [tilespmem:s24+$0x1B428];
	[tilespmem:s22+$0x1D420] =	vst v9  }
0x1be: {  	s2 =	sor.u32 s31, s2;
	v9 =	vld.idx.msk [tilespmem:v0+s3+$0x0], $0xffff;
	v0 =	vmov v2  }
0x1bf: {  	v16 =	vld [tilespmem:s2+$0x1AF70]  }
0x1c0: {  	[tilespmem:s24+$0x1CFC0] =	vst v14;
	v14 =	vld [tilespmem:s24+$0x1AFE0]  }
0x1c1: {  	v13 =	vld.idx.msk [tilespmem:v13+s3+$0x0], $0xffff;
	[tilespmem:s24+$0x1D040] =	vst v12  }
0x1c2: {  	s29 =	sadd.s32 $0x2, s29;
	v11 =	vld.idx.msk [tilespmem:v11+s3+$0x0], $0xffff;
	[tilespmem:s23+$0x1D410] =	vst v10;
	v2 =	vmov v15  }
0x1c3: {  	p1 =	slt.u32 s29, $0xE;
	v10 =	vld [tilespmem:s2+$0x1AFF0]  }
0x1c4: {  	v12 =	vld [tilespmem:s2+$0x1B000];
	[tilespmem:s22+$0x1D428] =	vst v9;
	s22 =	smov.u32 s23;
	s23 =	smov.u32 s24;
	s24 =	smov.u32 s2  }
0x1c5: {  	v9 =	vld [tilespmem:s24+$0x1B010]  }
0x1c6: {  	v15 =	vld [tilespmem:s24+$0x1AF80]  }
0x1c7: {  	v16 =	vld.idx.msk [tilespmem:v16+s3+$0x0], $0xffff;
	[tilespmem:s23+$0x1CFD0] =	vst v13  }
0x1c8: {  	v13 =	vld.idx.msk [tilespmem:v14+s3+$0x0], $0xffff;
	[tilespmem:s1+$0x1BF70] =	vst v11;
	s1 =	sor.u32 $0x1430, s25  }
0x1c9: {  	v11 =	vld [tilespmem:s1+$0x19F70]  }
0x1ca: {  	v14 =	vld [tilespmem:s24+$0x1B020]  }
0x1cb: {  	v10 =	vld.idx.msk [tilespmem:v10+s3+$0x0], $0xffff  }
0x1cc: {  	s2 =	sand.u32 $0xFFFFF800, s28;
	s28 =	smov.u32 s0;
	v17 =	vld [tilespmem:s24+$0x1B030]  }
0x1cd: {  	s2 =	sadd.s32 s2, s26;
	s26 =	smov.u32 s30;
	[tilespmem:s24+$0x1CF70] =	vst v16;
	v16 =	vld [tilespmem:s24+$0x1AF90]  }
0x1ce: {  	s31 =	sor.u32 $0x1400, s2;
	v15 =	vld.idx.msk [tilespmem:v15+s3+$0x0], $0xffff;
	[tilespmem:s23+$0x1CFE0] =	vst v13  }
0x1cf: {  	v13 =	vld [tilespmem:s31+$0x19F70]  }
0x1d0: {  	v18 =	vld [tilespmem:s24+$0x1B040]  }
0x1d1: {  	[tilespmem:s24+$0x1CFF0] =	vst v10;
	v10 =	vld.idx.msk [tilespmem:v11+s3+$0x0], $0xffff  }
0x1d2: {  	v11 =	vld.idx.msk [tilespmem:v12+s3+$0x0], $0xffff  }
0x1d3: {  	v12 =	vld [tilespmem:s24+$0x1B050]  }
0x1d4: {  	v19 =	vld.idx.msk [tilespmem:v6+s3+$0x0], $0xffff  }
0x1d5: {  	[tilespmem:s24+$0x1CF80] =	vst v15;
	v15 =	vld [tilespmem:s24+$0x1AFA0]  }
0x1d6: {  	v16 =	vld.idx.msk [tilespmem:v16+s3+$0x0], $0xffff  }
0x1d7: {  	v13 =	vld.idx.msk [tilespmem:v13+s3+$0x0], $0xffff;
	[tilespmem:s1+$0x1BF70] =	vst v10;
	s1 =	sor.u32 $0x1438, s25;
	s25 =	smov.u32 s2  }
0x1d8: {  	[tilespmem:s24+$0x1D000] =	vst v11;
	v10 =	vld [tilespmem:s1+$0x19F70];
	v6 =	vmov v12  }
0x1d9: {  	v9 =	vld.idx.msk [tilespmem:v9+s3+$0x0], $0xffff  }
0x1da: {  	v11 =	vld [tilespmem:s24+$0x1B060];
	[tilespmem:s23+$0x1D050] =	vst v19  }
0x1db: {  	v12 =	vld.idx.msk [tilespmem:v7+s3+$0x0], $0xffff  }
0x1dc: {  	v19 =	vld [tilespmem:s24+$0x1B3F0]  }
0x1dd: {  	[tilespmem:s24+$0x1CF90] =	vst v16;
	v16 =	vld [tilespmem:s24+$0x1AFB0]  }
0x1de: {  	s2 =	sor.u32 $0x1410, s25;
	v15 =	vld.idx.msk [tilespmem:v15+s3+$0x0], $0xffff;
	[tilespmem:s31+$0x1BF70] =	vst v13  }
0x1df: {  	[tilespmem:s24+$0x1D010] =	vst v9;
	v9 =	vld [tilespmem:s2+$0x19F70];
	v7 =	vmov v11  }
0x1e0: {  	v10 =	vld.idx.msk [tilespmem:v10+s3+$0x0], $0xffff  }
0x1e1: {  	v11 =	vld.idx.msk [tilespmem:v14+s3+$0x0], $0xffff;
	[tilespmem:s23+$0x1D060] =	vst v12  }
0x1e2: {  	v12 =	vld.idx.msk [tilespmem:v3+s3+$0x0], $0xffff;
	v3 =	vmov v19  }
0x1e3: {  	v13 =	vld [tilespmem:s24+$0x1B400]  }
0x1e4: {  	v19 =	vld [tilespmem:s24+$0x1B410]  }
0x1e5: {  	[tilespmem:s24+$0x1CFA0] =	vst v15;
	v14 =	vld [tilespmem:s24+$0x1AFC0]  }
0x1e6: {  	v15 =	vld.idx.msk [tilespmem:v16+s3+$0x0], $0xffff;
	[tilespmem:s1+$0x1BF70] =	vst v10  }
0x1e7: {  	[tilespmem:s24+$0x1D020] =	vst v11;
	v10 =	vld.idx.msk [tilespmem:v9+s3+$0x0], $0xffff  }
0x1e8: {  	v11 =	vld.idx.msk [tilespmem:v17+s3+$0x0], $0xffff;
	[tilespmem:s23+$0x1D3F0] =	vst v12  }
0x1e9: {  	v16 =	vld.idx.msk [tilespmem:v5+s3+$0x0], $0xffff;
	v5 =	vmov v13  }
0x1ea: {  	v17 =	vld [tilespmem:s24+$0x1B420]  }
0x1eb: {  	v9 =	vld.idx.msk [tilespmem:v1+s3+$0x0], $0xffff;
	v1 =	vmov v8  }
.Ltmp3:
0x1ec: {  	[tilespmem:s24+$0x1CFB0] =	vst v15;
	v13 =	vld [tilespmem:s24+$0x1AFD0];
	(pc) =	sbr.rel @p1 .LBB2_4-.Ltmp3, $4  }
0x1ed: {  	s1 =	sor.u32 $0x1420, s25;
	v14 =	vld.idx.msk [tilespmem:v14+s3+$0x0], $0xffff;
	[tilespmem:s2+$0x1BF70] =	vst v10  }
0x1ee: {  	[tilespmem:s24+$0x1D030] =	vst v11;
	v11 =	vld [tilespmem:s1+$0x19F70]  }
0x1ef: {  	v12 =	vld.idx.msk [tilespmem:v18+s3+$0x0], $0xffff;
	[tilespmem:s23+$0x1D400] =	vst v16;
	v8 =	vmov v17  }
0x1f0: {  	s0 =	sadd.s32 $0x200, s0;
	s30 =	sadd.s32 $0x100, s30;
	v10 =	vld.idx.msk [tilespmem:v4+s3+$0x0], $0xffff;
	v4 =	vmov v19  }
0x1f1: {  	_ =	sdelay $0x1  }
0x1f2: {  	v55 =	vld [tilespmem:s24+$0x1AFE0]  }
0x1f3: {  	[tilespmem:s24+$0x1CFC0] =	vst v14  }
0x1f4: {  	v13 =	vld.idx.msk [tilespmem:v13+s3+$0x0], $0xffff;
	_ =	sdelay $0x4  }
0x1f5: {  	[tilespmem:s24+$0x1CFD0] =	vst v13  }
0x1f6: {  	v13 =	vld.idx.msk [tilespmem:v55+s3+$0x0], $0xffff;
	_ =	sdelay $0x2  }
0x1f7: {  	s0 =	sand.u32 $0xFFFFF800, s28  }
0x1f8: {  	s0 =	sadd.s32 s0, s26  }
0x1f9: {  	s2 =	sor.u32 $0x1400, s0;
	[tilespmem:s24+$0x1CFE0] =	vst v13  }
0x1fa: {  	v13 =	vld [tilespmem:s2+$0x19F70];
	_ =	sdelay $0x7  }
0x1fb: {  	v13 =	vld.idx.msk [tilespmem:v13+s3+$0x0], $0xffff;
	_ =	sdelay $0x4  }
0x1fc: {  	s26 =	sor.u32 $0x1410, s0;
	[tilespmem:s2+$0x1BF70] =	vst v13  }
0x1fd: {  	v13 =	vld [tilespmem:s26+$0x19F70];
	_ =	sdelay $0x7  }
0x1fe: {  	v13 =	vld.idx.msk [tilespmem:v13+s3+$0x0], $0xffff;
	_ =	sdelay $0x3  }
0x1ff: {  	[tilespmem:s24+$0x1D040] =	vst v12  }
0x200: {  	s28 =	sor.u32 $0x1420, s0;
	v6 =	vld.idx.msk [tilespmem:v6+s3+$0x0], $0xffff;
	[tilespmem:s26+$0x1BF70] =	vst v13  }
0x201: {  	v57 =	vld [tilespmem:s28+$0x19F70];
	_ =	sdelay $0x3  }
0x202: {  	[tilespmem:s24+$0x1D050] =	vst v6  }
0x203: {  	v6 =	vld.idx.msk [tilespmem:v7+s3+$0x0], $0xffff  }
0x204: {  	v11 =	vld.idx.msk [tilespmem:v11+s3+$0x0], $0xffff;
	_ =	sdelay $0x1  }
0x205: {  	v58 =	vld.idx.msk [tilespmem:v57+s3+$0x0], $0xffff;
	_ =	sdelay $0x1  }
0x206: {  	[tilespmem:s24+$0x1D060] =	vst v6  }
0x207: {  	s29 =	sor.u32 $0x1430, s25;
	[tilespmem:s1+$0x1BF70] =	vst v11;
	v3 =	vld.idx.msk [tilespmem:v3+s3+$0x0], $0xffff  }
0x208: {  	v11 =	vld [tilespmem:s29+$0x19F70]  }
0x209: {  	s30 =	sor.u32 $0x1430, s0;
	[tilespmem:s28+$0x1BF70] =	vst v58  }
0x20a: {  	v59 =	vld [tilespmem:s30+$0x19F70];
	_ =	sdelay $0x1  }
0x20b: {  	[tilespmem:s24+$0x1D3F0] =	vst v3  }
0x20c: {  	v3 =	vld.idx.msk [tilespmem:v5+s3+$0x0], $0xffff;
	_ =	sdelay $0x2  }
0x20d: {  	v60 =	vld.idx.msk [tilespmem:v11+s3+$0x0], $0xffff;
	_ =	sdelay $0x1  }
0x20e: {  	[tilespmem:s24+$0x1D400] =	vst v3;
	v6 =	vld.idx.msk [tilespmem:v59+s3+$0x0], $0xffff  }
0x20f: {  	v3 =	vld.idx.msk [tilespmem:v4+s3+$0x0], $0xffff;
	_ =	sdelay $0x1  }
0x210: {  	v56 =	vld [tilespmem:s24+$0x1B428];
	s31 =	sor.u32 $0x1438, s25;
	[tilespmem:s29+$0x1BF70] =	vst v60  }
0x211: {  	[tilespmem:s23+$0x1D410] =	vst v10;
	v61 =	vld [tilespmem:s31+$0x19F70]  }
0x212: {  	s0 =	sor.u32 $0x1438, s0;
	v1 =	vld.idx.msk [tilespmem:v1+s3+$0x0], $0xffff;
	[tilespmem:s30+$0x1BF70] =	vst v6  }
0x213: {  	[tilespmem:s24+$0x1D410] =	vst v3;
	v62 =	vld [tilespmem:s0+$0x19F70]  }
0x214: {  	v3 =	vld.idx.msk [tilespmem:v8+s3+$0x0], $0xffff;
	_ =	sdelay $0x1  }
0x215: {  	[tilespmem:s22+$0x1D420] =	vst v9  }
0x216: {  	v0 =	vld.idx.msk [tilespmem:v0+s3+$0x0], $0xffff;
	[tilespmem:s23+$0x1D420] =	vst v1  }
0x217: {  	v1 =	vld.idx.msk [tilespmem:v2+s3+$0x0], $0xffff  }
0x218: {  	v4 =	vld.idx.msk [tilespmem:v61+s3+$0x0], $0xffff;
	[tilespmem:s24+$0x1D420] =	vst v3  }
0x219: {  	v3 =	vld.idx.msk [tilespmem:v56+s3+$0x0], $0xffff  }
0x21a: {  	v63 =	vld.idx.msk [tilespmem:v62+s3+$0x0], $0xffff  }
0x21b: {  	[tilespmem:s22+$0x1D428] =	vst v0  }
0x21c: {  	[tilespmem:s23+$0x1D428] =	vst v1  }
0x21d: {  	[tilespmem:s31+$0x1BF70] =	vst v4  }
0x21e: {  	[tilespmem:s24+$0x1D428] =	vst v3  }
0x21f: {  	[tilespmem:s0+$0x1BF70] =	vst v63  }
0x220: {  	[hbm4b:s8+s3] =	stream.linear.scatter [tilespmem:s18], [sflag:$0x5], $0x1000, $0x38;
	[tilespmem:$0x1DF70] =	vst v63  }
0x221: {  	s22 =	simm.s32 $0x1  }
0x222: {  	[tilespmem:s12], [sflag:$0x3] =	stream.linear.gather [hbm4b:s9+s3], $0x1000, $0x38;
	[tilespmem:$0x1DF70] =	vst v63  }
.LBB2_6:
0x223: {  	_ =	swait.ge [sflag:s15], $0x1000  }
0x224: {  	[sflag:s15] =	ssyncset.done $0x0  }
0x225: {  	[sflag:s15] =	ssyncadd.s32 $0xFFFFF000  }
0x226: {  	s0 =	simm.s32 $0x0;
	_ =	swait.ge [sflag:s19], $0x1000  }
0x227: {  	s1 =	sand.u32 $0x800, s0;
	s0 =	sand.u32 $0x300, s0;
	[sflag:s19] =	ssyncset.done $0x0  }
0x228: {  	s23 =	sor.u32 s0, s1;
	[sflag:s19] =	ssyncadd.s32 $0xFFFFF000  }
0x229: {  	v1 =	vld [tilespmem:s23+$0x19F70];
	_ =	sdelay $0x1  }
0x22a: {  	v0 =	vld [tilespmem:s23+$0x19FF0];
	_ =	sdelay $0x2  }
0x22b: {  	v2 =	vld [tilespmem:s23+$0x1A000]  }
0x22c: {  	v3 =	vld [tilespmem:s23+$0x19F80]  }
0x22d: {  	v4 =	vld [tilespmem:s23+$0x19F90]  }
0x22e: {  	v1 =	vld.idx.msk [tilespmem:v1+s3+$0x0], $0xffff  }
0x22f: {  	v5 =	vld [tilespmem:s23+$0x19FA0]  }
0x230: {  	v0 =	vld.idx.msk [tilespmem:v0+s3+$0x0], $0xffff  }
0x231: {  	v6 =	vld [tilespmem:s23+$0x19FB0]  }
0x232: {  	v7 =	vld [tilespmem:s23+$0x19FC0]  }
0x233: {  	v8 =	vld [tilespmem:s23+$0x19FD0];
	[tilespmem:s23+$0x1BF70] =	vst v1  }
0x234: {  	v1 =	vld.idx.msk [tilespmem:v3+s3+$0x0], $0xffff  }
0x235: {  	s24 =	simm.s32 $0x100;
	s25 =	simm.s32 $0x200;
	[tilespmem:s23+$0x1BFF0] =	vst v0;
	v0 =	vld [tilespmem:s23+$0x1A010]  }
0x236: {  	s1 =	sand.u32 $0x800, s25;
	s0 =	sand.u32 $0x300, s24;
	v9 =	vld [tilespmem:s23+$0x19FE0]  }
0x237: {  	s24 =	sor.u32 s0, s1;
	v2 =	vld.idx.msk [tilespmem:v2+s3+$0x0], $0xffff  }
0x238: {  	v11 =	vld [tilespmem:s24+$0x19F80]  }
0x239: {  	v12 =	vld [tilespmem:s24+$0x19F90];
	[tilespmem:s23+$0x1BF80] =	vst v1  }
0x23a: {  	v1 =	vld.idx.msk [tilespmem:v4+s3+$0x0], $0xffff  }
0x23b: {  	v13 =	vld [tilespmem:s24+$0x19FA0]  }
0x23c: {  	[tilespmem:s23+$0x1C000] =	vst v2;
	v2 =	vld [tilespmem:s23+$0x1A020]  }
0x23d: {  	v0 =	vld.idx.msk [tilespmem:v0+s3+$0x0], $0xffff  }
0x23e: {  	v14 =	vld [tilespmem:s24+$0x1A000]  }
0x23f: {  	v15 =	vld [tilespmem:s24+$0x19FB0];
	[tilespmem:s23+$0x1BF90] =	vst v1  }
0x240: {  	v1 =	vld.idx.msk [tilespmem:v5+s3+$0x0], $0xffff  }
0x241: {  	v16 =	vld [tilespmem:s24+$0x19FC0]  }
0x242: {  	s26 =	simm.s32 $0x200;
	s29 =	simm.s32 $0x400;
	[tilespmem:s23+$0x1C010] =	vst v0;
	v0 =	vld [tilespmem:s23+$0x1A030]  }
0x243: {  	s1 =	sand.u32 $0x800, s29;
	s0 =	sand.u32 $0x300, s26;
	v17 =	vld [tilespmem:s24+$0x19FE0]  }
0x244: {  	s25 =	sor.u32 s0, s1;
	v2 =	vld.idx.msk [tilespmem:v2+s3+$0x0], $0xffff  }
0x245: {  	v18 =	vld [tilespmem:s25+$0x19FA0];
	[tilespmem:s23+$0x1BFA0] =	vst v1  }
0x246: {  	v6 =	vld.idx.msk [tilespmem:v6+s3+$0x0], $0xffff  }
0x247: {  	v19 =	vld [tilespmem:s25+$0x1A000]  }
0x248: {  	v3 =	vld [tilespmem:s23+$0x1A040]  }
0x249: {  	v20 =	vld [tilespmem:s25+$0x19FB0];
	[tilespmem:s23+$0x1C020] =	vst v2  }
0x24a: {  	v0 =	vld.idx.msk [tilespmem:v0+s3+$0x0], $0xffff  }
0x24b: {  	s30 =	simm.s32 $0x300;
	s31 =	simm.s32 $0x600;
	v21 =	vld [tilespmem:s25+$0x19FC0];
	[tilespmem:s23+$0x1BFB0] =	vst v6  }
0x24c: {  	s1 =	sand.u32 $0x800, s31;
	s0 =	sand.u32 $0x300, s30;
	v6 =	vld.idx.msk [tilespmem:v7+s3+$0x0], $0xffff  }
0x24d: {  	s26 =	sor.u32 s0, s1;
	v22 =	vld [tilespmem:s25+$0x19FE0]  }
0x24e: {  	v61 =	vld [tilespmem:s26+$0x19FB0]  }
0x24f: {  	v23 =	vld [tilespmem:s26+$0x19FC0];
	[tilespmem:s23+$0x1C030] =	vst v0  }
0x250: {  	v10 =	vld.idx.msk [tilespmem:v3+s3+$0x0], $0xffff  }
0x251: {  	v0 =	vld [tilespmem:s23+$0x1A050];
	[tilespmem:s23+$0x1BFC0] =	vst v6  }
0x252: {  	v6 =	vld.idx.msk [tilespmem:v8+s3+$0x0], $0xffff  }
0x253: {  	v8 =	vld [tilespmem:s24+$0x19FF0]  }
0x254: {  	v24 =	vld [tilespmem:s25+$0x1A410]  }
0x255: {  	[tilespmem:s23+$0x1C040] =	vst v10;
	v10 =	vld [tilespmem:s24+$0x19F70]  }
0x256: {  	v63 =	vld [tilespmem:s26+$0x1A030]  }
0x257: {  	v4 =	vld [tilespmem:s23+$0x1A370]  }
0x258: {  	v5 =	vld [tilespmem:s23+$0x1A380]  }
0x259: {  	v7 =	vld [tilespmem:s23+$0x1A060]  }
0x25a: {  	v0 =	vld.idx.msk [tilespmem:v0+s3+$0x0], $0xffff  }
0x25b: {  	v8 =	vld.idx.msk [tilespmem:v8+s3+$0x0], $0xffff  }
0x25c: {  	v1 =	vld [tilespmem:s23+$0x1A390]  }
0x25d: {  	v10 =	vld.idx.msk [tilespmem:v10+s3+$0x0], $0xffff  }
0x25e: {  	v2 =	vld [tilespmem:s23+$0x1A3A0]  }
0x25f: {  	[tilespmem:s23+$0x1C050] =	vst v0;
	v0 =	vld [tilespmem:s23+$0x1A3F0]  }
0x260: {  	[tilespmem:s24+$0x1BFF0] =	vst v8;
	v8 =	vld [tilespmem:s24+$0x1A010]  }
0x261: {  	v7 =	vld.idx.msk [tilespmem:v7+s3+$0x0], $0xffff  }
0x262: {  	[tilespmem:s24+$0x1BF70] =	vst v10;
	v10 =	vld.idx.msk [tilespmem:v14+s3+$0x0], $0xffff  }
0x263: {  	v3 =	vld [tilespmem:s23+$0x1A3A8];
	[tilespmem:s23+$0x1BFD0] =	vst v6  }
0x264: {  	v9 =	vld.idx.msk [tilespmem:v9+s3+$0x0], $0xffff  }
0x265: {  	v11 =	vld.idx.msk [tilespmem:v11+s3+$0x0], $0xffff  }
0x266: {  	[tilespmem:s23+$0x1C060] =	vst v7;
	v7 =	vld [tilespmem:s23+$0x1A400]  }
0x267: {  	[tilespmem:s24+$0x1C000] =	vst v10;
	v10 =	vld [tilespmem:s24+$0x1A020]  }
0x268: {  	v8 =	vld.idx.msk [tilespmem:v8+s3+$0x0], $0xffff  }
0x269: {  	[tilespmem:s23+$0x1BFE0] =	vst v9;
	v0 =	vld.idx.msk [tilespmem:v0+s3+$0x0], $0xffff  }
0x26a: {  	v9 =	vld [tilespmem:s24+$0x1A3A0];
	[tilespmem:s24+$0x1BF80] =	vst v11  }
0x26b: {  	v6 =	vld.idx.msk [tilespmem:v12+s3+$0x0], $0xffff  }
0x26c: {  	v4 =	vld.idx.msk [tilespmem:v4+s3+$0x0], $0xffff  }
0x26d: {  	[tilespmem:s24+$0x1C010] =	vst v8;
	v8 =	vld [tilespmem:s24+$0x1A030]  }
0x26e: {  	[tilespmem:s23+$0x1C3F0] =	vst v0;
	v0 =	vld [tilespmem:s23+$0x1A410]  }
0x26f: {  	v10 =	vld.idx.msk [tilespmem:v10+s3+$0x0], $0xffff  }
0x270: {  	v7 =	vld.idx.msk [tilespmem:v7+s3+$0x0], $0xffff;
	[tilespmem:s24+$0x1BF90] =	vst v6  }
0x271: {  	v6 =	vld.idx.msk [tilespmem:v13+s3+$0x0], $0xffff  }
0x272: {  	v14 =	vld [tilespmem:s24+$0x19FD0];
	[tilespmem:s23+$0x1C370] =	vst v4  }
0x273: {  	v5 =	vld.idx.msk [tilespmem:v5+s3+$0x0], $0xffff  }
0x274: {  	[tilespmem:s24+$0x1C020] =	vst v10;
	v10 =	vld [tilespmem:s24+$0x1A040]  }
0x275: {  	[tilespmem:s23+$0x1C400] =	vst v7;
	v8 =	vld.idx.msk [tilespmem:v8+s3+$0x0], $0xffff  }
0x276: {  	v7 =	vld [tilespmem:s23+$0x1A420];
	[tilespmem:s24+$0x1BFA0] =	vst v6  }
0x277: {  	v6 =	vld.idx.msk [tilespmem:v15+s3+$0x0], $0xffff  }
0x278: {  	v12 =	vld [tilespmem:s24+$0x1A370]  }
0x279: {  	v0 =	vld.idx.msk [tilespmem:v0+s3+$0x0], $0xffff  }
0x27a: {  	[tilespmem:s24+$0x1C030] =	vst v8;
	v8 =	vld [tilespmem:s24+$0x1A050]  }
0x27b: {  	v13 =	vld [tilespmem:s24+$0x1A380]  }
0x27c: {  	[tilespmem:s24+$0x1BFB0] =	vst v6;
	v10 =	vld.idx.msk [tilespmem:v10+s3+$0x0], $0xffff  }
0x27d: {  	v4 =	vld.idx.msk [tilespmem:v16+s3+$0x0], $0xffff  }
0x27e: {  	v15 =	vld [tilespmem:s24+$0x1A390];
	[tilespmem:s23+$0x1C410] =	vst v0  }
0x27f: {  	v7 =	vld.idx.msk [tilespmem:v7+s3+$0x0], $0xffff  }
0x280: {  	v6 =	vld [tilespmem:s24+$0x1A060]  }
0x281: {  	[tilespmem:s24+$0x1C040] =	vst v10;
	v10 =	vld [tilespmem:s25+$0x19F70]  }
0x282: {  	[tilespmem:s24+$0x1BFC0] =	vst v4;
	v4 =	vld.idx.msk [tilespmem:v8+s3+$0x0], $0xffff  }
0x283: {  	v0 =	vld [tilespmem:s23+$0x1A428]  }
0x284: {  	[tilespmem:s23+$0x1C420] =	vst v7;
	v7 =	vld.idx.msk [tilespmem:v14+s3+$0x0], $0xffff  }
0x285: {  	v8 =	vld [tilespmem:s25+$0x19FF0]  }
0x286: {  	v14 =	vld [tilespmem:s25+$0x19F80]  }
0x287: {  	[tilespmem:s24+$0x1C050] =	vst v4;
	v4 =	vld [tilespmem:s24+$0x1A3F0]  }
0x288: {  	v6 =	vld.idx.msk [tilespmem:v6+s3+$0x0], $0xffff  }
0x289: {  	v10 =	vld.idx.msk [tilespmem:v10+s3+$0x0], $0xffff  }
0x28a: {  	v16 =	vld [tilespmem:s25+$0x19F90]  }
0x28b: {  	v11 =	vld.idx.msk [tilespmem:v0+s3+$0x0], $0xffff  }
0x28c: {  	v0 =	vld [tilespmem:s24+$0x1A3A8]  }
0x28d: {  	v8 =	vld.idx.msk [tilespmem:v8+s3+$0x0], $0xffff;
	[tilespmem:s24+$0x1C060] =	vst v6  }
0x28e: {  	v6 =	vld [tilespmem:s24+$0x1A400];
	[tilespmem:s25+$0x1BF70] =	vst v10  }
0x28f: {  	v14 =	vld.idx.msk [tilespmem:v14+s3+$0x0], $0xffff  }
0x290: {  	v4 =	vld.idx.msk [tilespmem:v4+s3+$0x0], $0xffff  }
0x291: {  	[tilespmem:s23+$0x1C428] =	vst v11;
	v11 =	vld [tilespmem:s26+$0x1A3A8]  }
0x292: {  	[tilespmem:s25+$0x1BFF0] =	vst v8;
	v8 =	vld [tilespmem:s25+$0x1A010]  }
0x293: {  	[tilespmem:s24+$0x1BFD0] =	vst v7;
	v10 =	vld.idx.msk [tilespmem:v19+s3+$0x0], $0xffff  }
0x294: {  	[tilespmem:s25+$0x1BF80] =	vst v14;
	v14 =	vld.idx.msk [tilespmem:v17+s3+$0x0], $0xffff  }
0x295: {  	[tilespmem:s24+$0x1C3F0] =	vst v4;
	v4 =	vld [tilespmem:s24+$0x1A410]  }
0x296: {  	v7 =	vld.idx.msk [tilespmem:v16+s3+$0x0], $0xffff  }
0x297: {  	v6 =	vld.idx.msk [tilespmem:v6+s3+$0x0], $0xffff  }
0x298: {  	[tilespmem:s25+$0x1C000] =	vst v10;
	v10 =	vld [tilespmem:s25+$0x1A020]  }
0x299: {  	v19 =	vld [tilespmem:s25+$0x19FD0]  }
0x29a: {  	v8 =	vld.idx.msk [tilespmem:v8+s3+$0x0], $0xffff  }
0x29b: {  	v16 =	vld [tilespmem:s25+$0x1A370];
	[tilespmem:s24+$0x1BFE0] =	vst v14  }
0x29c: {  	[tilespmem:s25+$0x1BF90] =	vst v7;
	v7 =	vld.idx.msk [tilespmem:v12+s3+$0x0], $0xffff  }
0x29d: {  	[tilespmem:s24+$0x1C400] =	vst v6;
	v6 =	vld [tilespmem:s24+$0x1A420]  }
0x29e: {  	v4 =	vld.idx.msk [tilespmem:v4+s3+$0x0], $0xffff  }
0x29f: {  	[tilespmem:s25+$0x1C010] =	vst v8;
	v8 =	vld [tilespmem:s25+$0x1A030]  }
0x2a0: {  	[tilespmem:s23+$0x1C380] =	vst v5;
	v5 =	vld.idx.msk [tilespmem:v10+s3+$0x0], $0xffff  }
0x2a1: {  	v10 =	vld.idx.msk [tilespmem:v1+s3+$0x0], $0xffff  }
0x2a2: {  	v1 =	vld.idx.msk [tilespmem:v18+s3+$0x0], $0xffff;
	[tilespmem:s24+$0x1C370] =	vst v7  }
0x2a3: {  	v7 =	vld.idx.msk [tilespmem:v13+s3+$0x0], $0xffff  }
0x2a4: {  	[tilespmem:s24+$0x1C410] =	vst v4;
	v4 =	vld [tilespmem:s24+$0x1A428]  }
0x2a5: {  	[tilespmem:s25+$0x1C020] =	vst v5;
	v5 =	vld [tilespmem:s25+$0x1A040]  }
0x2a6: {  	v6 =	vld.idx.msk [tilespmem:v6+s3+$0x0], $0xffff  }
0x2a7: {  	v8 =	vld.idx.msk [tilespmem:v8+s3+$0x0], $0xffff  }
0x2a8: {  	v12 =	vld [tilespmem:s25+$0x1A380];
	[tilespmem:s25+$0x1BFA0] =	vst v1  }
0x2a9: {  	v14 =	vld.idx.msk [tilespmem:v20+s3+$0x0], $0xffff  }
0x2aa: {  	v13 =	vld [tilespmem:s25+$0x1A390];
	[tilespmem:s24+$0x1C380] =	vst v7  }
0x2ab: {  	v7 =	vld [tilespmem:s26+$0x19FF0];
	[tilespmem:s24+$0x1C420] =	vst v6  }
0x2ac: {  	[tilespmem:s25+$0x1C030] =	vst v8;
	v8 =	vld [tilespmem:s25+$0x1A050]  }
0x2ad: {  	v17 =	vld.idx.msk [tilespmem:v4+s3+$0x0], $0xffff  }
0x2ae: {  	[tilespmem:s25+$0x1BFB0] =	vst v14;
	v5 =	vld.idx.msk [tilespmem:v5+s3+$0x0], $0xffff  }
0x2af: {  	v4 =	vld.idx.msk [tilespmem:v21+s3+$0x0], $0xffff  }
0x2b0: {  	v1 =	vld [tilespmem:s25+$0x1A3A0]  }
0x2b1: {  	[tilespmem:s23+$0x1C390] =	vst v10;
	v10 =	vld [tilespmem:s26+$0x19F80]  }
0x2b2: {  	v60 =	vld.idx.msk [tilespmem:v2+s3+$0x0], $0xffff  }
0x2b3: {  	[tilespmem:s25+$0x1C040] =	vst v5;
	v5 =	vld [tilespmem:s25+$0x1A060]  }
0x2b4: {  	[tilespmem:s25+$0x1BFC0] =	vst v4;
	v4 =	vld.idx.msk [tilespmem:v8+s3+$0x0], $0xffff  }
0x2b5: {  	v8 =	vld [tilespmem:s26+$0x19F70]  }
0x2b6: {  	v2 =	vld [tilespmem:s25+$0x1A3A8]  }
0x2b7: {  	v7 =	vld.idx.msk [tilespmem:v7+s3+$0x0], $0xffff  }
0x2b8: {  	v6 =	vld.idx.msk [tilespmem:v19+s3+$0x0], $0xffff  }
0x2b9: {  	[tilespmem:s25+$0x1C050] =	vst v4;
	v4 =	vld [tilespmem:s25+$0x1A3F0]  }
0x2ba: {  	v19 =	vld [tilespmem:s26+$0x1A000]  }
0x2bb: {  	v5 =	vld.idx.msk [tilespmem:v5+s3+$0x0], $0xffff  }
0x2bc: {  	v18 =	vld.idx.msk [tilespmem:v15+s3+$0x0], $0xffff  }
0x2bd: {  	v8 =	vld.idx.msk [tilespmem:v8+s3+$0x0], $0xffff  }
0x2be: {  	v15 =	vld [tilespmem:s26+$0x19FA0]  }
0x2bf: {  	[tilespmem:s26+$0x1BFF0] =	vst v7;
	v7 =	vld [tilespmem:s26+$0x1A010]  }
0x2c0: {  	[tilespmem:s25+$0x1C060] =	vst v5;
	v5 =	vld [tilespmem:s25+$0x1A400]  }
0x2c1: {  	v4 =	vld.idx.msk [tilespmem:v4+s3+$0x0], $0xffff  }
0x2c2: {  	[tilespmem:s26+$0x1BF70] =	vst v8;
	v8 =	vld.idx.msk [tilespmem:v19+s3+$0x0], $0xffff  }
0x2c3: {  	v14 =	vld [tilespmem:s26+$0x19F90]  }
0x2c4: {  	v19 =	vld.idx.msk [tilespmem:v10+s3+$0x0], $0xffff  }
0x2c5: {  	v10 =	vld [tilespmem:s26+$0x19FD0]  }
0x2c6: {  	[tilespmem:s25+$0x1C3F0] =	vst v4;
	v4 =	vld [tilespmem:s26+$0x19FE0]  }
0x2c7: {  	[tilespmem:s26+$0x1C000] =	vst v8;
	v8 =	vld [tilespmem:s26+$0x1A020]  }
0x2c8: {  	v5 =	vld.idx.msk [tilespmem:v5+s3+$0x0], $0xffff  }
0x2c9: {  	v7 =	vld.idx.msk [tilespmem:v7+s3+$0x0], $0xffff  }
0x2ca: {  	[tilespmem:s26+$0x1BF80] =	vst v19;
	v19 =	vld [tilespmem:s25+$0x1A420]  }
0x2cb: {  	[tilespmem:s25+$0x1BFD0] =	vst v6;
	v6 =	vld.idx.msk [tilespmem:v14+s3+$0x0], $0xffff  }
0x2cc: {  	v14 =	vld.idx.msk [tilespmem:v22+s3+$0x0], $0xffff  }
0x2cd: {  	[tilespmem:s25+$0x1C400] =	vst v5;
	v5 =	vld [tilespmem:s26+$0x1A370]  }
0x2ce: {  	v62 =	vld.idx.msk [tilespmem:v24+s3+$0x0], $0xffff  }
0x2cf: {  	[tilespmem:s26+$0x1C010] =	vst v7;
	v7 =	vld [tilespmem:s26+$0x1A380]  }
0x2d0: {  	[tilespmem:s26+$0x1BF90] =	vst v6;
	v6 =	vld.idx.msk [tilespmem:v8+s3+$0x0], $0xffff  }
0x2d1: {  	[tilespmem:s25+$0x1BFE0] =	vst v14;
	v8 =	vld.idx.msk [tilespmem:v15+s3+$0x0], $0xffff  }
0x2d2: {  	v14 =	vld.idx.msk [tilespmem:v16+s3+$0x0], $0xffff  }
0x2d3: {  	v15 =	vld [tilespmem:s25+$0x1A428];
	[tilespmem:s25+$0x1C410] =	vst v62  }
0x2d4: {  	v16 =	vld.idx.msk [tilespmem:v19+s3+$0x0], $0xffff  }
0x2d5: {  	[tilespmem:s26+$0x1C020] =	vst v6;
	v19 =	vld [tilespmem:s26+$0x1A040]  }
0x2d6: {  	[tilespmem:s26+$0x1BFA0] =	vst v8;
	v8 =	vld [tilespmem:s26+$0x1A390]  }
0x2d7: {  	v6 =	vld.idx.msk [tilespmem:v63+s3+$0x0], $0xffff  }
0x2d8: {  	[tilespmem:s25+$0x1C370] =	vst v14;
	v21 =	vld.idx.msk [tilespmem:v61+s3+$0x0], $0xffff  }
0x2d9: {  	v12 =	vld.idx.msk [tilespmem:v12+s3+$0x0], $0xffff  }
0x2da: {  	v14 =	vld [tilespmem:s26+$0x1A050];
	[tilespmem:s25+$0x1C420] =	vst v16  }
0x2db: {  	[tilespmem:s23+$0x1C3A0] =	vst v60;
	v16 =	vld.idx.msk [tilespmem:v15+s3+$0x0], $0xffff  }
0x2dc: {  	[tilespmem:s26+$0x1C030] =	vst v6;
	v6 =	vld [tilespmem:s26+$0x1A3A0]  }
0x2dd: {  	[tilespmem:s26+$0x1BFB0] =	vst v21;
	v19 =	vld.idx.msk [tilespmem:v19+s3+$0x0], $0xffff  }
0x2de: {  	[tilespmem:s25+$0x1C380] =	vst v12;
	v15 =	vld.idx.msk [tilespmem:v23+s3+$0x0], $0xffff  }
0x2df: {  	[tilespmem:s24+$0x1C390] =	vst v18;
	v13 =	vld.idx.msk [tilespmem:v13+s3+$0x0], $0xffff  }
0x2e0: {  	[tilespmem:s24+$0x1C428] =	vst v17;
	v12 =	vld.idx.msk [tilespmem:v9+s3+$0x0], $0xffff  }
0x2e1: {  	v9 =	vld.idx.msk [tilespmem:v3+s3+$0x0], $0xffff;
	[tilespmem:s25+$0x1C428] =	vst v16  }
0x2e2: {  	s28 =	simm.s32 $0x800;
	s0 =	simm.s32 $0x6;
	s1 =	simm.s32 $0x400;
	v16 =	vld [tilespmem:s26+$0x1A060];
	[tilespmem:s26+$0x1C040] =	vst v19  }
.LBB2_7:
0x2e3: {  	s2 =	sand.u32 $0x800, s28;
	s29 =	sand.u32 $0x300, s1;
	s0 =	sadd.s32 $0x2, s0;
	[tilespmem:s26+$0x1BFC0] =	vst v15;
	v14 =	vld.idx.msk [tilespmem:v14+s3+$0x0], $0xffff  }
0x2e4: {  	s2 =	sor.u32 s29, s2;
	p1 =	slt.u32 s0, $0xE;
	v10 =	vld.idx.msk [tilespmem:v10+s3+$0x0], $0xffff;
	[tilespmem:s25+$0x1C390] =	vst v13  }
0x2e5: {  	v13 =	vld [tilespmem:s2+$0x19FF0];
	[tilespmem:s24+$0x1C3A0] =	vst v12;
	v3 =	vmov v11  }
0x2e6: {  	v11 =	vld [tilespmem:s2+$0x19F70]  }
0x2e7: {  	v12 =	vld [tilespmem:s2+$0x19F80];
	[tilespmem:s23+$0x1C3A8] =	vst v9;
	s23 =	smov.u32 s24;
	s24 =	smov.u32 s25;
	s25 =	smov.u32 s26  }
0x2e8: {  	s26 =	smov.u32 s2;
	v9 =	vld [tilespmem:s2+$0x19F90]  }
0x2e9: {  	[tilespmem:s25+$0x1C050] =	vst v14;
	v14 =	vld [tilespmem:s25+$0x1A3F0]  }
0x2ea: {  	[tilespmem:s25+$0x1BFD0] =	vst v10;
	v10 =	vld.idx.msk [tilespmem:v16+s3+$0x0], $0xffff  }
0x2eb: {  	v15 =	vld [tilespmem:s26+$0x19FA0]  }
0x2ec: {  	v16 =	vld [tilespmem:s26+$0x1A000]  }
0x2ed: {  	v13 =	vld.idx.msk [tilespmem:v13+s3+$0x0], $0xffff  }
0x2ee: {  	v11 =	vld.idx.msk [tilespmem:v11+s3+$0x0], $0xffff  }
0x2ef: {  	v17 =	vld [tilespmem:s26+$0x19FB0]  }
0x2f0: {  	[tilespmem:s25+$0x1C060] =	vst v10;
	v18 =	vld [tilespmem:s25+$0x1A400]  }
0x2f1: {  	v14 =	vld.idx.msk [tilespmem:v14+s3+$0x0], $0xffff  }
0x2f2: {  	v19 =	vld [tilespmem:s26+$0x19FC0]  }
0x2f3: {  	[tilespmem:s26+$0x1BFF0] =	vst v13;
	v13 =	vld [tilespmem:s26+$0x1A010]  }
0x2f4: {  	[tilespmem:s26+$0x1BF70] =	vst v11;
	v11 =	vld.idx.msk [tilespmem:v16+s3+$0x0], $0xffff  }
0x2f5: {  	v12 =	vld.idx.msk [tilespmem:v12+s3+$0x0], $0xffff  }
0x2f6: {  	v10 =	vld [tilespmem:s26+$0x19FD0]  }
0x2f7: {  	[tilespmem:s25+$0x1C3F0] =	vst v14;
	v14 =	vld [tilespmem:s25+$0x1A410]  }
0x2f8: {  	v16 =	vld.idx.msk [tilespmem:v18+s3+$0x0], $0xffff  }
0x2f9: {  	v18 =	vld [tilespmem:s26+$0x19FE0]  }
0x2fa: {  	[tilespmem:s26+$0x1C000] =	vst v11;
	v11 =	vld [tilespmem:s26+$0x1A020]  }
0x2fb: {  	[tilespmem:s26+$0x1BF80] =	vst v12;
	v12 =	vld.idx.msk [tilespmem:v13+s3+$0x0], $0xffff  }
0x2fc: {  	v9 =	vld.idx.msk [tilespmem:v9+s3+$0x0], $0xffff  }
0x2fd: {  	v13 =	vld.idx.msk [tilespmem:v4+s3+$0x0], $0xffff  }
0x2fe: {  	[tilespmem:s25+$0x1C400] =	vst v16;
	v16 =	vld [tilespmem:s25+$0x1A420];
	v4 =	vmov v18  }
0x2ff: {  	v14 =	vld.idx.msk [tilespmem:v14+s3+$0x0], $0xffff  }
0x300: {  	v18 =	vld [tilespmem:s26+$0x1A370]  }
0x301: {  	[tilespmem:s26+$0x1C010] =	vst v12;
	v12 =	vld [tilespmem:s26+$0x1A030]  }
0x302: {  	[tilespmem:s26+$0x1BF90] =	vst v9;
	v9 =	vld.idx.msk [tilespmem:v11+s3+$0x0], $0xffff  }
0x303: {  	v11 =	vld.idx.msk [tilespmem:v15+s3+$0x0], $0xffff;
	[tilespmem:s25+$0x1BFE0] =	vst v13  }
0x304: {  	v13 =	vld.idx.msk [tilespmem:v5+s3+$0x0], $0xffff  }
0x305: {  	[tilespmem:s25+$0x1C410] =	vst v14;
	v14 =	vld [tilespmem:s25+$0x1A428];
	v5 =	vmov v18  }
0x306: {  	v15 =	vld.idx.msk [tilespmem:v16+s3+$0x0], $0xffff  }
0x307: {  	v16 =	vld [tilespmem:s26+$0x1A380]  }
0x308: {  	[tilespmem:s26+$0x1C020] =	vst v9;
	v9 =	vld [tilespmem:s26+$0x1A040]  }
0x309: {  	[tilespmem:s26+$0x1BFA0] =	vst v11;
	v11 =	vld.idx.msk [tilespmem:v12+s3+$0x0], $0xffff  }
0x30a: {  	v12 =	vld.idx.msk [tilespmem:v17+s3+$0x0], $0xffff;
	[tilespmem:s25+$0x1C370] =	vst v13  }
0x30b: {  	v13 =	vld.idx.msk [tilespmem:v7+s3+$0x0], $0xffff  }
0x30c: {  	v17 =	vld [tilespmem:s26+$0x1A390];
	[tilespmem:s25+$0x1C420] =	vst v15;
	v7 =	vmov v16  }
0x30d: {  	v16 =	vld.idx.msk [tilespmem:v14+s3+$0x0], $0xffff  }
0x30e: {  	v18 =	vld [tilespmem:s26+$0x1A3A0]  }
0x30f: {  	[tilespmem:s26+$0x1C030] =	vst v11;
	v14 =	vld [tilespmem:s26+$0x1A050]  }
0x310: {  	[tilespmem:s26+$0x1BFB0] =	vst v12;
	v20 =	vld.idx.msk [tilespmem:v9+s3+$0x0], $0xffff  }
0x311: {  	v15 =	vld.idx.msk [tilespmem:v19+s3+$0x0], $0xffff;
	[tilespmem:s25+$0x1C380] =	vst v13  }
.Ltmp4:
0x312: {  	v13 =	vld.idx.msk [tilespmem:v8+s3+$0x0], $0xffff;
	v8 =	vmov v17;
	(pc) =	sbr.rel @p1 .LBB2_7-.Ltmp4, $4  }
0x313: {  	[tilespmem:s25+$0x1C428] =	vst v16;
	v12 =	vld.idx.msk [tilespmem:v1+s3+$0x0], $0xffff;
	v1 =	vmov v6;
	v6 =	vmov v18  }
0x314: {  	v11 =	vld [tilespmem:s26+$0x1A3A8]  }
0x315: {  	v9 =	vld.idx.msk [tilespmem:v0+s3+$0x0], $0xffff;
	v0 =	vmov v2;
	v2 =	vmov v3  }
0x316: {  	s1 =	sadd.s32 $0x100, s1;
	s28 =	sadd.s32 $0x200, s28;
	[tilespmem:s26+$0x1C040] =	vst v20;
	v16 =	vld [tilespmem:s26+$0x1A060]  }
0x317: {  	_ =	sdelay $0x3  }
0x318: {  	v3 =	vld.idx.msk [tilespmem:v14+s3+$0x0], $0xffff;
	_ =	sdelay $0x2  }
0x319: {  	[tilespmem:s26+$0x1BFC0] =	vst v15  }
0x31a: {  	v10 =	vld.idx.msk [tilespmem:v10+s3+$0x0], $0xffff  }
0x31b: {  	[tilespmem:s26+$0x1C050] =	vst v3;
	v3 =	vld [tilespmem:s26+$0x1A3F0];
	_ =	sdelay $0x1  }
0x31c: {  	v14 =	vld.idx.msk [tilespmem:v16+s3+$0x0], $0xffff;
	_ =	sdelay $0x2  }
0x31d: {  	[tilespmem:s26+$0x1BFD0] =	vst v10  }
0x31e: {  	v4 =	vld.idx.msk [tilespmem:v4+s3+$0x0], $0xffff  }
0x31f: {  	[tilespmem:s26+$0x1C060] =	vst v14;
	v14 =	vld [tilespmem:s26+$0x1A400]  }
0x320: {  	v3 =	vld.idx.msk [tilespmem:v3+s3+$0x0], $0xffff;
	_ =	sdelay $0x3  }
0x321: {  	[tilespmem:s26+$0x1BFE0] =	vst v4  }
0x322: {  	[tilespmem:s26+$0x1C3F0] =	vst v3;
	v3 =	vld [tilespmem:s26+$0x1A410]  }
0x323: {  	v4 =	vld.idx.msk [tilespmem:v5+s3+$0x0], $0xffff  }
0x324: {  	v10 =	vld.idx.msk [tilespmem:v14+s3+$0x0], $0xffff;
	_ =	sdelay $0x3  }
0x325: {  	[tilespmem:s26+$0x1C370] =	vst v4  }
0x326: {  	v4 =	vld.idx.msk [tilespmem:v7+s3+$0x0], $0xffff;
	[tilespmem:s26+$0x1C400] =	vst v10  }
0x327: {  	v3 =	vld.idx.msk [tilespmem:v3+s3+$0x0], $0xffff;
	_ =	sdelay $0x1  }
0x328: {  	v5 =	vld [tilespmem:s26+$0x1A420];
	_ =	sdelay $0x1  }
0x329: {  	[tilespmem:s26+$0x1C380] =	vst v4  }
0x32a: {  	[tilespmem:s26+$0x1C410] =	vst v3;
	v3 =	vld.idx.msk [tilespmem:v8+s3+$0x0], $0xffff;
	_ =	sdelay $0x2  }
0x32b: {  	[tilespmem:s25+$0x1C390] =	vst v13;
	v4 =	vld [tilespmem:s26+$0x1A428]  }
0x32c: {  	v1 =	vld.idx.msk [tilespmem:v1+s3+$0x0], $0xffff  }
0x32d: {  	v5 =	vld.idx.msk [tilespmem:v5+s3+$0x0], $0xffff;
	[tilespmem:s26+$0x1C390] =	vst v3  }
0x32e: {  	v3 =	vld.idx.msk [tilespmem:v6+s3+$0x0], $0xffff;
	_ =	sdelay $0x1  }
0x32f: {  	[tilespmem:s24+$0x1C3A0] =	vst v12  }
0x330: {  	v0 =	vld.idx.msk [tilespmem:v0+s3+$0x0], $0xffff;
	[tilespmem:s25+$0x1C3A0] =	vst v1  }
0x331: {  	v1 =	vld.idx.msk [tilespmem:v2+s3+$0x0], $0xffff;
	[tilespmem:s26+$0x1C420] =	vst v5  }
0x332: {  	v4 =	vld.idx.msk [tilespmem:v4+s3+$0x0], $0xffff;
	[tilespmem:s26+$0x1C3A0] =	vst v3  }
0x333: {  	v2 =	vld.idx.msk [tilespmem:v11+s3+$0x0], $0xffff  }
0x334: {  	[tilespmem:s23+$0x1C3A8] =	vst v9  }
0x335: {  	[tilespmem:s24+$0x1C3A8] =	vst v0  }
0x336: {  	[tilespmem:s25+$0x1C3A8] =	vst v1  }
0x337: {  	s23 =	sshll.u32 s22, $0xA;
	[tilespmem:s26+$0x1C428] =	vst v4  }
0x338: {  	p1 =	seq.s32 s22, $0xF;
	s0 =	sadd.s32 s23, s6;
	[tilespmem:s26+$0x1C3A8] =	vst v2  }
0x339: {  	[hbm4b:s0+s3] =	stream.linear.scatter [tilespmem:s16], [sflag:$0x4], $0x1000, $0x38;
	[tilespmem:$0x1DF70] =	vst v63  }
0x33a: {  	s1 =	simm.s32 @!p1 $0x0;
	s2 =	simm.s32 @!p1 $0x19F70;
	s0 =	sadd.s32 @!p1 s23, s7  }
0x33b: {  	[tilespmem:s2], [sflag:$0x2] =	stream.linear.gather @!p1 [hbm4b:s0+s1], $0x1000, $0x38;
	[tilespmem:$0x1DF70] =	vst v63  }
0x33c: {  	_ =	swait.ge [sflag:s17], $0x1000  }
0x33d: {  	[sflag:s17] =	ssyncset.done $0x0  }
0x33e: {  	[sflag:s17] =	ssyncadd.s32 $0xFFFFF000  }
0x33f: {  	s11 =	simm.s32 $0x0;
	_ =	swait.ge [sflag:s20], $0x1000  }
0x340: {  	s24 =	sand.u32 $0x800, s11;
	s25 =	sand.u32 $0x300, s11;
	[sflag:s20] =	ssyncset.done $0x0  }
0x341: {  	s24 =	sor.u32 s25, s24;
	[sflag:s20] =	ssyncadd.s32 $0xFFFFF000  }
0x342: {  	v0 =	vld [tilespmem:s24+$0x1AF70]  }
0x343: {  	v2 =	vld [tilespmem:s24+$0x1AFF0];
	_ =	sdelay $0x4  }
0x344: {  	v1 =	vld [tilespmem:s24+$0x1AF80]  }
0x345: {  	v3 =	vld [tilespmem:s24+$0x1B000]  }
0x346: {  	v0 =	vld.idx.msk [tilespmem:v0+s3+$0x0], $0xffff  }
0x347: {  	v2 =	vld.idx.msk [tilespmem:v2+s3+$0x0], $0xffff;
	_ =	sdelay $0x2  }
0x348: {  	v4 =	vld [tilespmem:s24+$0x1B010]  }
0x349: {  	[tilespmem:s24+$0x1CF70] =	vst v0;
	v0 =	vld [tilespmem:s24+$0x1AF90]  }
0x34a: {  	[tilespmem:s24+$0x1CFF0] =	vst v2;
	v1 =	vld.idx.msk [tilespmem:v1+s3+$0x0], $0xffff  }
0x34b: {  	v2 =	vld.idx.msk [tilespmem:v3+s3+$0x0], $0xffff;
	_ =	sdelay $0x3  }
0x34c: {  	v5 =	vld [tilespmem:s24+$0x1B020];
	[tilespmem:s24+$0x1CF80] =	vst v1  }
0x34d: {  	v1 =	vld [tilespmem:s24+$0x1AFA0];
	[tilespmem:s24+$0x1D000] =	vst v2  }
0x34e: {  	v2 =	vld.idx.msk [tilespmem:v4+s3+$0x0], $0xffff  }
0x34f: {  	v0 =	vld.idx.msk [tilespmem:v0+s3+$0x0], $0xffff;
	_ =	sdelay $0x3  }
0x350: {  	v6 =	vld [tilespmem:s24+$0x1B030];
	[tilespmem:s24+$0x1D010] =	vst v2  }
0x351: {  	[tilespmem:s24+$0x1CF90] =	vst v0;
	v0 =	vld [tilespmem:s24+$0x1AFB0]  }
0x352: {  	v2 =	vld.idx.msk [tilespmem:v5+s3+$0x0], $0xffff  }
0x353: {  	v1 =	vld.idx.msk [tilespmem:v1+s3+$0x0], $0xffff;
	_ =	sdelay $0x1  }
0x354: {  	v7 =	vld [tilespmem:s24+$0x1B040]  }
0x355: {  	v8 =	vld [tilespmem:s24+$0x1B3F0]  }
0x356: {  	s26 =	simm.s32 $0x100;
	s0 =	simm.s32 $0x200;
	v10 =	vld [tilespmem:s24+$0x1B410];
	[tilespmem:s24+$0x1D020] =	vst v2  }
0x357: {  	s2 =	sand.u32 $0x300, s26;
	s5 =	sand.u32 $0x800, s0;
	[tilespmem:s24+$0x1CFA0] =	vst v1;
	v1 =	vld [tilespmem:s24+$0x1AFC0]  }
0x358: {  	s25 =	sor.u32 s2, s5;
	v2 =	vld.idx.msk [tilespmem:v6+s3+$0x0], $0xffff  }
0x359: {  	v6 =	vld [tilespmem:s25+$0x1AF70]  }
0x35a: {  	v0 =	vld.idx.msk [tilespmem:v0+s3+$0x0], $0xffff  }
0x35b: {  	v9 =	vld [tilespmem:s24+$0x1B420]  }
0x35c: {  	v11 =	vld [tilespmem:s25+$0x1B000]  }
0x35d: {  	v12 =	vld [tilespmem:s25+$0x1AF80]  }
0x35e: {  	[tilespmem:s24+$0x1D030] =	vst v2;
	v2 =	vld [tilespmem:s25+$0x1AFF0]  }
0x35f: {  	[tilespmem:s24+$0x1CFB0] =	vst v0;
	v0 =	vld [tilespmem:s24+$0x1AFD0]  }
0x360: {  	v1 =	vld.idx.msk [tilespmem:v1+s3+$0x0], $0xffff  }
0x361: {  	v13 =	vld [tilespmem:s25+$0x1B010]  }
0x362: {  	v6 =	vld.idx.msk [tilespmem:v6+s3+$0x0], $0xffff  }
0x363: {  	v3 =	vld [tilespmem:s24+$0x1B050]  }
0x364: {  	v7 =	vld.idx.msk [tilespmem:v7+s3+$0x0], $0xffff  }
0x365: {  	[tilespmem:s24+$0x1CFC0] =	vst v1;
	v1 =	vld [tilespmem:s24+$0x1AFE0]  }
0x366: {  	v2 =	vld.idx.msk [tilespmem:v2+s3+$0x0], $0xffff  }
0x367: {  	[tilespmem:s25+$0x1CF70] =	vst v6;
	v6 =	vld [tilespmem:s25+$0x1AF90]  }
0x368: {  	v0 =	vld.idx.msk [tilespmem:v0+s3+$0x0], $0xffff  }
0x369: {  	v12 =	vld.idx.msk [tilespmem:v12+s3+$0x0], $0xffff  }
0x36a: {  	v4 =	vld [tilespmem:s24+$0x1B060];
	[tilespmem:s24+$0x1D040] =	vst v7  }
0x36b: {  	v3 =	vld.idx.msk [tilespmem:v3+s3+$0x0], $0xffff;
	[tilespmem:s25+$0x1CFF0] =	vst v2  }
0x36c: {  	v2 =	vld.idx.msk [tilespmem:v11+s3+$0x0], $0xffff  }
0x36d: {  	v11 =	vld [tilespmem:s25+$0x1AFA0];
	[tilespmem:s24+$0x1CFD0] =	vst v0  }
0x36e: {  	[tilespmem:s25+$0x1CF80] =	vst v12;
	v0 =	vld.idx.msk [tilespmem:v1+s3+$0x0], $0xffff  }
0x36f: {  	v6 =	vld.idx.msk [tilespmem:v6+s3+$0x0], $0xffff  }
0x370: {  	v14 =	vld [tilespmem:s25+$0x1B030]  }
0x371: {  	v56 =	vld [tilespmem:s25+$0x1B040];
	[tilespmem:s24+$0x1D050] =	vst v3  }
0x372: {  	s1 =	sand.u32 $0xFFFFF800, s11;
	v3 =	vld.idx.msk [tilespmem:v4+s3+$0x0], $0xffff;
	[tilespmem:s25+$0x1D000] =	vst v2  }
0x373: {  	s1 =	sadd.s32 $0x0, s1;
	v2 =	vld.idx.msk [tilespmem:v13+s3+$0x0], $0xffff;
	[tilespmem:s24+$0x1CFE0] =	vst v0  }
0x374: {  	s11 =	sor.u32 $0x1400, s1;
	[tilespmem:s25+$0x1CF90] =	vst v6;
	v6 =	vld [tilespmem:s25+$0x1AFB0]  }
0x375: {  	v15 =	vld [tilespmem:s11+$0x19F70]  }
0x376: {  	v11 =	vld.idx.msk [tilespmem:v11+s3+$0x0], $0xffff  }
0x377: {  	v5 =	vld [tilespmem:s24+$0x1B400]  }
0x378: {  	v7 =	vld [tilespmem:s25+$0x1B050]  }
0x379: {  	[tilespmem:s24+$0x1D060] =	vst v3;
	v3 =	vld [tilespmem:s25+$0x1AFC0]  }
0x37a: {  	[tilespmem:s25+$0x1D010] =	vst v2;
	v2 =	vld.idx.msk [tilespmem:v8+s3+$0x0], $0xffff  }
0x37b: {  	v4 =	vld [tilespmem:s25+$0x1B3F0];
	[tilespmem:s25+$0x1CFA0] =	vst v11  }
0x37c: {  	v6 =	vld.idx.msk [tilespmem:v6+s3+$0x0], $0xffff  }
0x37d: {  	v12 =	vld.idx.msk [tilespmem:v15+s3+$0x0], $0xffff  }
0x37e: {  	v1 =	vld [tilespmem:s25+$0x1B020]  }
0x37f: {  	v13 =	vld [tilespmem:s25+$0x1B060];
	[tilespmem:s24+$0x1D3F0] =	vst v2  }
0x380: {  	v2 =	vld.idx.msk [tilespmem:v5+s3+$0x0], $0xffff  }
0x381: {  	v5 =	vld [tilespmem:s25+$0x1AFD0];
	[tilespmem:s25+$0x1CFB0] =	vst v6  }
0x382: {  	s26 =	sor.u32 $0x1410, s1;
	[tilespmem:s11+$0x1BF70] =	vst v12;
	v3 =	vld.idx.msk [tilespmem:v3+s3+$0x0], $0xffff  }
0x383: {  	v12 =	vld [tilespmem:s26+$0x19F70]  }
0x384: {  	v0 =	vld [tilespmem:s24+$0x1B428]  }
0x385: {  	v8 =	vld [tilespmem:s25+$0x1B400]  }
0x386: {  	v1 =	vld.idx.msk [tilespmem:v1+s3+$0x0], $0xffff  }
0x387: {  	v15 =	vld [tilespmem:s25+$0x1B410];
	[tilespmem:s24+$0x1D400] =	vst v2  }
0x388: {  	[tilespmem:s25+$0x1CFC0] =	vst v3;
	v3 =	vld [tilespmem:s25+$0x1AFE0]  }
0x389: {  	v10 =	vld.idx.msk [tilespmem:v10+s3+$0x0], $0xffff  }
0x38a: {  	v5 =	vld.idx.msk [tilespmem:v5+s3+$0x0], $0xffff  }
0x38b: {  	[tilespmem:s25+$0x1D020] =	vst v1;
	v11 =	vld.idx.msk [tilespmem:v12+s3+$0x0], $0xffff  }
0x38c: {  	v12 =	vld.idx.msk [tilespmem:v14+s3+$0x0], $0xffff  }
0x38d: {  	v1 =	vld [tilespmem:s25+$0x1B420]  }
0x38e: {  	v2 =	vld [tilespmem:s25+$0x1B428];
	[tilespmem:s24+$0x1D410] =	vst v10  }
0x38f: {  	v9 =	vld.idx.msk [tilespmem:v9+s3+$0x0], $0xffff;
	[tilespmem:s25+$0x1CFD0] =	vst v5  }
0x390: {  	s29 =	simm.s32 $0x200;
	s30 =	simm.s32 $0x400;
	s5 =	sor.u32 $0x1420, s1;
	v3 =	vld.idx.msk [tilespmem:v3+s3+$0x0], $0xffff;
	[tilespmem:s26+$0x1BF70] =	vst v11  }
0x391: {  	s28 =	sand.u32 $0x300, s29;
	s11 =	sand.u32 $0x800, s30;
	[tilespmem:s25+$0x1D030] =	vst v12;
	v6 =	vld [tilespmem:s5+$0x19F70]  }
0x392: {  	s26 =	sor.u32 s28, s11;
	v11 =	vld.idx.msk [tilespmem:v56+s3+$0x0], $0xffff  }
0x393: {  	v12 =	vld [tilespmem:s26+$0x1AF70]  }
0x394: {  	v14 =	vld [tilespmem:s26+$0x1AFF0]  }
0x395: {  	v57 =	vld [tilespmem:s26+$0x1B000]  }
0x396: {  	s0 =	sand.u32 $0xFFFFF800, s0;
	v17 =	vld [tilespmem:s26+$0x1B010]  }
0x397: {  	s28 =	sadd.s32 $0x100, s0;
	v18 =	vld [tilespmem:s26+$0x1AF80]  }
0x398: {  	v19 =	vld [tilespmem:s26+$0x1B020];
	s0 =	sor.u32 $0x1400, s28;
	[tilespmem:s25+$0x1CFE0] =	vst v3  }
0x399: {  	v3 =	vld [tilespmem:s0+$0x19F70]  }
0x39a: {  	v20 =	vld [tilespmem:s26+$0x1B040]  }
0x39b: {  	v58 =	vld [tilespmem:s26+$0x1AFA0];
	[tilespmem:s25+$0x1D040] =	vst v11  }
0x39c: {  	v11 =	vld.idx.msk [tilespmem:v7+s3+$0x0], $0xffff  }
0x39d: {  	v6 =	vld.idx.msk [tilespmem:v6+s3+$0x0], $0xffff  }
0x39e: {  	v62 =	vld [tilespmem:s26+$0x1AFC0]  }
0x39f: {  	v12 =	vld.idx.msk [tilespmem:v12+s3+$0x0], $0xffff  }
0x3a0: {  	v7 =	vld [tilespmem:s26+$0x1B060]  }
0x3a1: {  	[tilespmem:s25+$0x1D050] =	vst v11;
	v21 =	vld.idx.msk [tilespmem:v3+s3+$0x0], $0xffff  }
0x3a2: {  	[tilespmem:s5+$0x1BF70] =	vst v6;
	v6 =	vld.idx.msk [tilespmem:v14+s3+$0x0], $0xffff  }
0x3a3: {  	v11 =	vld.idx.msk [tilespmem:v13+s3+$0x0], $0xffff  }
0x3a4: {  	s5 =	sor.u32 $0x1430, s1;
	[tilespmem:s26+$0x1CF70] =	vst v12;
	v12 =	vld [tilespmem:s26+$0x1AF90]  }
0x3a5: {  	v5 =	vld [tilespmem:s5+$0x19F70]  }
0x3a6: {  	v18 =	vld.idx.msk [tilespmem:v18+s3+$0x0], $0xffff  }
0x3a7: {  	v3 =	vld [tilespmem:s26+$0x1B3F0];
	[tilespmem:s26+$0x1CFF0] =	vst v6  }
0x3a8: {  	v16 =	vld.idx.msk [tilespmem:v57+s3+$0x0], $0xffff  }
0x3a9: {  	v14 =	vld [tilespmem:s26+$0x1B030];
	[tilespmem:s25+$0x1D060] =	vst v11  }
0x3aa: {  	v11 =	vld.idx.msk [tilespmem:v4+s3+$0x0], $0xffff  }
0x3ab: {  	v6 =	vld [tilespmem:s26+$0x1B050];
	[tilespmem:s26+$0x1CF80] =	vst v18  }
0x3ac: {  	v12 =	vld.idx.msk [tilespmem:v12+s3+$0x0], $0xffff  }
0x3ad: {  	v5 =	vld.idx.msk [tilespmem:v5+s3+$0x0], $0xffff;
	[tilespmem:s26+$0x1D000] =	vst v16  }
0x3ae: {  	s11 =	sor.u32 $0x1410, s28;
	[tilespmem:s0+$0x1BF70] =	vst v21;
	v16 =	vld.idx.msk [tilespmem:v17+s3+$0x0], $0xffff  }
0x3af: {  	v59 =	vld [tilespmem:s11+$0x19F70];
	[tilespmem:s25+$0x1D3F0] =	vst v11  }
0x3b0: {  	v63 =	vld.idx.msk [tilespmem:v8+s3+$0x0], $0xffff  }
0x3b1: {  	[tilespmem:s26+$0x1CF90] =	vst v12;
	v12 =	vld [tilespmem:s26+$0x1AFB0]  }
0x3b2: {  	s1 =	sor.u32 $0x1438, s1;
	[tilespmem:s5+$0x1BF70] =	vst v5;
	v13 =	vld.idx.msk [tilespmem:v58+s3+$0x0], $0xffff  }
0x3b3: {  	v5 =	vld [tilespmem:s1+$0x19F70];
	[tilespmem:s26+$0x1D010] =	vst v16  }
0x3b4: {  	v61 =	vld.idx.msk [tilespmem:v19+s3+$0x0], $0xffff  }
0x3b5: {  	v4 =	vld [tilespmem:s26+$0x1B410]  }
0x3b6: {  	v8 =	vld [tilespmem:s26+$0x1B420]  }
0x3b7: {  	v17 =	vld.idx.msk [tilespmem:v59+s3+$0x0], $0xffff;
	[tilespmem:s25+$0x1D400] =	vst v63  }
0x3b8: {  	v10 =	vld.idx.msk [tilespmem:v15+s3+$0x0], $0xffff;
	[tilespmem:s26+$0x1CFA0] =	vst v13  }
0x3b9: {  	v12 =	vld.idx.msk [tilespmem:v12+s3+$0x0], $0xffff;
	[tilespmem:s26+$0x1D020] =	vst v61  }
0x3ba: {  	v18 =	vld.idx.msk [tilespmem:v14+s3+$0x0], $0xffff  }
0x3bb: {  	v60 =	vld.idx.msk [tilespmem:v5+s3+$0x0], $0xffff  }
0x3bc: {  	s2 =	sor.u32 $0x1420, s28;
	[tilespmem:s11+$0x1BF70] =	vst v17;
	v13 =	vld [tilespmem:s26+$0x1AFD0]  }
0x3bd: {  	v11 =	vld [tilespmem:s2+$0x19F70]  }
0x3be: {  	v5 =	vld [tilespmem:s26+$0x1B400];
	[tilespmem:s26+$0x1CFB0] =	vst v12  }
0x3bf: {  	v14 =	vld.idx.msk [tilespmem:v62+s3+$0x0], $0xffff;
	[tilespmem:s26+$0x1D030] =	vst v18  }
0x3c0: {  	s31 =	simm.s32 $0x4;
	s0 =	simm.s32 $0x300;
	[tilespmem:s1+$0x1BF70] =	vst v60;
	s1 =	simm.s32 $0x600;
	v12 =	vld.idx.msk [tilespmem:v20+s3+$0x0], $0xffff  }
.LBB2_9:
0x3c1: {  	s11 =	sand.u32 $0x800, s1;
	s5 =	sand.u32 $0x300, s0;
	v15 =	vld [tilespmem:s26+$0x1B428];
	[tilespmem:s24+$0x1D420] =	vst v9  }
0x3c2: {  	s5 =	sor.u32 s5, s11;
	v9 =	vld.idx.msk [tilespmem:v0+s3+$0x0], $0xffff;
	v0 =	vmov v2  }
0x3c3: {  	v16 =	vld [tilespmem:s5+$0x1AF70]  }
0x3c4: {  	[tilespmem:s26+$0x1CFC0] =	vst v14;
	v14 =	vld [tilespmem:s26+$0x1AFE0]  }
0x3c5: {  	v13 =	vld.idx.msk [tilespmem:v13+s3+$0x0], $0xffff;
	[tilespmem:s26+$0x1D040] =	vst v12  }
0x3c6: {  	s31 =	sadd.s32 $0x2, s31;
	v11 =	vld.idx.msk [tilespmem:v11+s3+$0x0], $0xffff;
	[tilespmem:s25+$0x1D410] =	vst v10;
	v2 =	vmov v15  }
0x3c7: {  	p2 =	slt.u32 s31, $0xE;
	v10 =	vld [tilespmem:s5+$0x1AFF0]  }
0x3c8: {  	v12 =	vld [tilespmem:s5+$0x1B000];
	[tilespmem:s24+$0x1D428] =	vst v9;
	s24 =	smov.u32 s25;
	s25 =	smov.u32 s26;
	s26 =	smov.u32 s5  }
0x3c9: {  	v9 =	vld [tilespmem:s26+$0x1B010]  }
0x3ca: {  	v15 =	vld [tilespmem:s26+$0x1AF80]  }
0x3cb: {  	v16 =	vld.idx.msk [tilespmem:v16+s3+$0x0], $0xffff;
	[tilespmem:s25+$0x1CFD0] =	vst v13  }
0x3cc: {  	v13 =	vld.idx.msk [tilespmem:v14+s3+$0x0], $0xffff;
	[tilespmem:s2+$0x1BF70] =	vst v11;
	s2 =	sor.u32 $0x1430, s28  }
0x3cd: {  	v11 =	vld [tilespmem:s2+$0x19F70]  }
0x3ce: {  	v14 =	vld [tilespmem:s26+$0x1B020]  }
0x3cf: {  	v10 =	vld.idx.msk [tilespmem:v10+s3+$0x0], $0xffff  }
0x3d0: {  	s5 =	sand.u32 $0xFFFFF800, s30;
	s30 =	smov.u32 s1;
	v17 =	vld [tilespmem:s26+$0x1B030]  }
0x3d1: {  	s5 =	sadd.s32 s5, s29;
	s29 =	smov.u32 s0;
	[tilespmem:s26+$0x1CF70] =	vst v16;
	v16 =	vld [tilespmem:s26+$0x1AF90]  }
0x3d2: {  	s11 =	sor.u32 $0x1400, s5;
	v15 =	vld.idx.msk [tilespmem:v15+s3+$0x0], $0xffff;
	[tilespmem:s25+$0x1CFE0] =	vst v13  }
0x3d3: {  	v13 =	vld [tilespmem:s11+$0x19F70]  }
0x3d4: {  	v18 =	vld [tilespmem:s26+$0x1B040]  }
0x3d5: {  	[tilespmem:s26+$0x1CFF0] =	vst v10;
	v10 =	vld.idx.msk [tilespmem:v11+s3+$0x0], $0xffff  }
0x3d6: {  	v11 =	vld.idx.msk [tilespmem:v12+s3+$0x0], $0xffff  }
0x3d7: {  	v12 =	vld [tilespmem:s26+$0x1B050]  }
0x3d8: {  	v19 =	vld.idx.msk [tilespmem:v6+s3+$0x0], $0xffff  }
0x3d9: {  	[tilespmem:s26+$0x1CF80] =	vst v15;
	v15 =	vld [tilespmem:s26+$0x1AFA0]  }
0x3da: {  	v16 =	vld.idx.msk [tilespmem:v16+s3+$0x0], $0xffff  }
0x3db: {  	v13 =	vld.idx.msk [tilespmem:v13+s3+$0x0], $0xffff;
	[tilespmem:s2+$0x1BF70] =	vst v10;
	s2 =	sor.u32 $0x1438, s28;
	s28 =	smov.u32 s5  }
0x3dc: {  	[tilespmem:s26+$0x1D000] =	vst v11;
	v10 =	vld [tilespmem:s2+$0x19F70];
	v6 =	vmov v12  }
0x3dd: {  	v9 =	vld.idx.msk [tilespmem:v9+s3+$0x0], $0xffff  }
0x3de: {  	v11 =	vld [tilespmem:s26+$0x1B060];
	[tilespmem:s25+$0x1D050] =	vst v19  }
0x3df: {  	v12 =	vld.idx.msk [tilespmem:v7+s3+$0x0], $0xffff  }
0x3e0: {  	v19 =	vld [tilespmem:s26+$0x1B3F0]  }
0x3e1: {  	[tilespmem:s26+$0x1CF90] =	vst v16;
	v16 =	vld [tilespmem:s26+$0x1AFB0]  }
0x3e2: {  	s5 =	sor.u32 $0x1410, s28;
	v15 =	vld.idx.msk [tilespmem:v15+s3+$0x0], $0xffff;
	[tilespmem:s11+$0x1BF70] =	vst v13  }
0x3e3: {  	[tilespmem:s26+$0x1D010] =	vst v9;
	v9 =	vld [tilespmem:s5+$0x19F70];
	v7 =	vmov v11  }
0x3e4: {  	v10 =	vld.idx.msk [tilespmem:v10+s3+$0x0], $0xffff  }
0x3e5: {  	v11 =	vld.idx.msk [tilespmem:v14+s3+$0x0], $0xffff;
	[tilespmem:s25+$0x1D060] =	vst v12  }
0x3e6: {  	v12 =	vld.idx.msk [tilespmem:v3+s3+$0x0], $0xffff;
	v3 =	vmov v19  }
0x3e7: {  	v13 =	vld [tilespmem:s26+$0x1B400]  }
0x3e8: {  	v19 =	vld [tilespmem:s26+$0x1B410]  }
0x3e9: {  	[tilespmem:s26+$0x1CFA0] =	vst v15;
	v14 =	vld [tilespmem:s26+$0x1AFC0]  }
0x3ea: {  	v15 =	vld.idx.msk [tilespmem:v16+s3+$0x0], $0xffff;
	[tilespmem:s2+$0x1BF70] =	vst v10  }
0x3eb: {  	[tilespmem:s26+$0x1D020] =	vst v11;
	v10 =	vld.idx.msk [tilespmem:v9+s3+$0x0], $0xffff  }
0x3ec: {  	v11 =	vld.idx.msk [tilespmem:v17+s3+$0x0], $0xffff;
	[tilespmem:s25+$0x1D3F0] =	vst v12  }
0x3ed: {  	v16 =	vld.idx.msk [tilespmem:v5+s3+$0x0], $0xffff;
	v5 =	vmov v13  }
0x3ee: {  	v17 =	vld [tilespmem:s26+$0x1B420]  }
0x3ef: {  	v9 =	vld.idx.msk [tilespmem:v1+s3+$0x0], $0xffff;
	v1 =	vmov v8  }
.Ltmp5:
0x3f0: {  	[tilespmem:s26+$0x1CFB0] =	vst v15;
	v13 =	vld [tilespmem:s26+$0x1AFD0];
	(pc) =	sbr.rel @p2 .LBB2_9-.Ltmp5, $4  }
0x3f1: {  	s2 =	sor.u32 $0x1420, s28;
	v14 =	vld.idx.msk [tilespmem:v14+s3+$0x0], $0xffff;
	[tilespmem:s5+$0x1BF70] =	vst v10  }
0x3f2: {  	[tilespmem:s26+$0x1D030] =	vst v11;
	v11 =	vld [tilespmem:s2+$0x19F70]  }
0x3f3: {  	v12 =	vld.idx.msk [tilespmem:v18+s3+$0x0], $0xffff;
	[tilespmem:s25+$0x1D400] =	vst v16;
	v8 =	vmov v17  }
0x3f4: {  	s1 =	sadd.s32 $0x200, s1;
	s0 =	sadd.s32 $0x100, s0;
	v10 =	vld.idx.msk [tilespmem:v4+s3+$0x0], $0xffff;
	v4 =	vmov v19  }
0x3f5: {  	_ =	sdelay $0x1  }
0x3f6: {  	v55 =	vld [tilespmem:s26+$0x1AFE0]  }
0x3f7: {  	[tilespmem:s26+$0x1CFC0] =	vst v14  }
0x3f8: {  	v13 =	vld.idx.msk [tilespmem:v13+s3+$0x0], $0xffff;
	_ =	sdelay $0x4  }
0x3f9: {  	[tilespmem:s26+$0x1CFD0] =	vst v13  }
0x3fa: {  	v13 =	vld.idx.msk [tilespmem:v55+s3+$0x0], $0xffff;
	_ =	sdelay $0x2  }
0x3fb: {  	s0 =	sand.u32 $0xFFFFF800, s30  }
0x3fc: {  	s0 =	sadd.s32 s0, s29  }
0x3fd: {  	s1 =	sor.u32 $0x1400, s0;
	[tilespmem:s26+$0x1CFE0] =	vst v13  }
0x3fe: {  	v13 =	vld [tilespmem:s1+$0x19F70];
	_ =	sdelay $0x7  }
0x3ff: {  	v13 =	vld.idx.msk [tilespmem:v13+s3+$0x0], $0xffff;
	_ =	sdelay $0x4  }
0x400: {  	s31 =	sor.u32 $0x1410, s0;
	[tilespmem:s1+$0x1BF70] =	vst v13  }
0x401: {  	v13 =	vld [tilespmem:s31+$0x19F70];
	_ =	sdelay $0x7  }
0x402: {  	v13 =	vld.idx.msk [tilespmem:v13+s3+$0x0], $0xffff;
	_ =	sdelay $0x3  }
0x403: {  	[tilespmem:s26+$0x1D040] =	vst v12  }
0x404: {  	s5 =	sor.u32 $0x1420, s0;
	v6 =	vld.idx.msk [tilespmem:v6+s3+$0x0], $0xffff;
	[tilespmem:s31+$0x1BF70] =	vst v13  }
0x405: {  	v57 =	vld [tilespmem:s5+$0x19F70];
	_ =	sdelay $0x3  }
0x406: {  	[tilespmem:s26+$0x1D050] =	vst v6  }
0x407: {  	v6 =	vld.idx.msk [tilespmem:v7+s3+$0x0], $0xffff  }
0x408: {  	v11 =	vld.idx.msk [tilespmem:v11+s3+$0x0], $0xffff;
	_ =	sdelay $0x1  }
0x409: {  	v58 =	vld.idx.msk [tilespmem:v57+s3+$0x0], $0xffff;
	_ =	sdelay $0x1  }
0x40a: {  	[tilespmem:s26+$0x1D060] =	vst v6  }
0x40b: {  	s11 =	sor.u32 $0x1430, s28;
	[tilespmem:s2+$0x1BF70] =	vst v11;
	v3 =	vld.idx.msk [tilespmem:v3+s3+$0x0], $0xffff  }
0x40c: {  	v11 =	vld [tilespmem:s11+$0x19F70]  }
0x40d: {  	s29 =	sor.u32 $0x1430, s0;
	[tilespmem:s5+$0x1BF70] =	vst v58  }
0x40e: {  	v59 =	vld [tilespmem:s29+$0x19F70];
	_ =	sdelay $0x1  }
0x40f: {  	[tilespmem:s26+$0x1D3F0] =	vst v3  }
0x410: {  	v3 =	vld.idx.msk [tilespmem:v5+s3+$0x0], $0xffff;
	_ =	sdelay $0x2  }
0x411: {  	v60 =	vld.idx.msk [tilespmem:v11+s3+$0x0], $0xffff;
	_ =	sdelay $0x1  }
0x412: {  	[tilespmem:s26+$0x1D400] =	vst v3;
	v6 =	vld.idx.msk [tilespmem:v59+s3+$0x0], $0xffff  }
0x413: {  	v3 =	vld.idx.msk [tilespmem:v4+s3+$0x0], $0xffff;
	_ =	sdelay $0x1  }
0x414: {  	v56 =	vld [tilespmem:s26+$0x1B428];
	s30 =	sor.u32 $0x1438, s28;
	[tilespmem:s11+$0x1BF70] =	vst v60  }
0x415: {  	[tilespmem:s25+$0x1D410] =	vst v10;
	v61 =	vld [tilespmem:s30+$0x19F70]  }
0x416: {  	s0 =	sor.u32 $0x1438, s0;
	v1 =	vld.idx.msk [tilespmem:v1+s3+$0x0], $0xffff;
	[tilespmem:s29+$0x1BF70] =	vst v6  }
0x417: {  	[tilespmem:s26+$0x1D410] =	vst v3;
	v62 =	vld [tilespmem:s0+$0x19F70]  }
0x418: {  	v3 =	vld.idx.msk [tilespmem:v8+s3+$0x0], $0xffff;
	_ =	sdelay $0x1  }
0x419: {  	[tilespmem:s24+$0x1D420] =	vst v9  }
0x41a: {  	v0 =	vld.idx.msk [tilespmem:v0+s3+$0x0], $0xffff;
	[tilespmem:s25+$0x1D420] =	vst v1  }
0x41b: {  	v1 =	vld.idx.msk [tilespmem:v2+s3+$0x0], $0xffff  }
0x41c: {  	v4 =	vld.idx.msk [tilespmem:v61+s3+$0x0], $0xffff;
	[tilespmem:s26+$0x1D420] =	vst v3  }
0x41d: {  	v3 =	vld.idx.msk [tilespmem:v56+s3+$0x0], $0xffff  }
0x41e: {  	v63 =	vld.idx.msk [tilespmem:v62+s3+$0x0], $0xffff  }
0x41f: {  	[tilespmem:s24+$0x1D428] =	vst v0  }
.Ltmp6:
0x420: {  	[tilespmem:s25+$0x1D428] =	vst v1;
	(pc) =	sbr.rel @p1 .LBB2_12-.Ltmp6, $4  }
0x421: {  	[tilespmem:s30+$0x1BF70] =	vst v4  }
0x422: {  	[tilespmem:s26+$0x1D428] =	vst v3  }
0x423: {  	s31 =	sadd.s32 s8, s23;
	[tilespmem:s0+$0x1BF70] =	vst v63  }
0x424: {  	[hbm4b:s31+s3] =	stream.linear.scatter [tilespmem:s18], [sflag:$0x5], $0x1000, $0x38;
	[tilespmem:$0x1DF70] =	vst v63  }
.Ltmp7:
0x425: {  	(pc) =	sbr.rel .LBB2_6-.Ltmp7, $3  }
0x426: {  	_ =	sdelay $0x1  }
0x427: {  	s0 =	sadd.s32 s23, s9;
	s22 =	sadd.s32 $0x1, s22  }
0x428: {  	[tilespmem:s12], [sflag:$0x3] =	stream.linear.gather [hbm4b:s0+s3], $0x1000, $0x38;
	[tilespmem:$0x1DF70] =	vst v63  }
.LBB2_13:
0x429: {  	_ =	sfence.sel $0x180000  }
0x42a: {  	[bflag:$0x0] =	sbarrier.arrive $0xFFFF  }
0x42b: {  	_ =	strace $0x90000047  }
0x42c: {  	[bflag:$0x2] =	sbarrier.arrive $0xFFFF  }
0x42d: {  	s0 =	rddreg [dreg:$0x3]  }
0x42e: {  	s0 =	sadd.s32 @!p0 $0x100000, s0  }
0x42f: {  	[sflag:s0] =	ssyncadd.tile.s32 @!p0 $0x1;
	_ =	shalt  }
.Lfunc_end2:
_tile_overlayer_lowered:
.L_overlay_start_2:
0x430: {  	(tag) =	ssettag $0x2  }
0x431: {  	s0 =	rddreg [dreg:$0x0];
	s2 =	stileid.u32  }
0x432: {  	s1 =	rddreg [dreg:$0x1];
	p0 =	sne.s32 s2, $0x0  }
0x433: {  	s3 =	rddreg [dreg:$0x2];
	[bflag:$0x3] =	sbarrier.arrive $0xFFFF;
	s2 =	simm.s32 @!p0 $0x1C06  }
0x434: {  	[timem:s3], [sflag:s2] =	dma.local @!p0 [hbm:s0], s1  }
0x435: {  	s0 =	simm.s32 @!p0 $0x6  }
0x436: {  	_ =	swait.ge @!p0 [sflag:s0], s1  }
0x437: {  	s1 =	ssub.s32 @!p0 $0x0, s1;
	[sflag:s0] =	ssyncset.done @!p0 $0x0  }
0x438: {  	[sflag:s0] =	ssyncadd.s32 @!p0 s1  }
0x439: {  	[bflag:$0x3] =	sbarrier.arrive $0xFFFF  }
0x43a: {  	_ =	shalt  }

</sc_bundles>
